<compile_context>
chip_gen: v7x
topology: tpu7x:2x2x1
jax: 0.10.2.dev20260603
libtpu: 0.0.44.dev20260713+nightly
codegen_flags: <defaults>
</compile_context>

<pallas_src>
import functools

import jax
import jax.numpy as jnp
from jax import lax
from jax.experimental import pallas as pl
from jax.experimental.pallas import tpu as pltpu
from jax.experimental.pallas import tpu_sc as plsc

VOCAB_SIZE = 1000000
EMB_D = 32
N_CLS = 100
BATCH_N = 4096
SEQ_N = 200

NUM_CORES = 2
NUM_SUBCORES = 16
NUM_WORKERS = NUM_CORES * NUM_SUBCORES
B_PER_W = BATCH_N // NUM_WORKERS
N_CHUNK = 2
CHUNK = SEQ_N // N_CHUNK
LANES = 16

WIN = 512
N_WIN = VOCAB_SIZE // WIN
ROWS_PER_WIN = WIN // 4
TAIL = VOCAB_SIZE - N_WIN * WIN


def _mesh():
    return plsc.VectorSubcoreMesh(
        core_axis_name="c", subcore_axis_name="s",
        num_cores=NUM_CORES, num_subcores=NUM_SUBCORES)


def _sc_transpose(tab_t):
    n_steps = -(-N_WIN // NUM_WORKERS)
    NG = EMB_D // 8

    @functools.partial(
        pl.kernel,
        out_type=jax.ShapeDtypeStruct((VOCAB_SIZE // 4, 128), jnp.float32),
        mesh=_mesh(),
        compiler_params=pltpu.CompilerParams(
            use_tc_tiling_on_sc=True, needs_layout_passes=False),
        scratch_types=[
            pltpu.VMEM((NG, 8, WIN), jnp.float32),
            pltpu.VMEM((NG, 8, WIN), jnp.float32),
            pltpu.VMEM((ROWS_PER_WIN, 128), jnp.float32),
            pltpu.VMEM((ROWS_PER_WIN, 128), jnp.float32),
            pltpu.SemaphoreType.DMA,
            pltpu.SemaphoreType.DMA,
            pltpu.SemaphoreType.DMA,
            pltpu.SemaphoreType.DMA,
        ],
    )
    def transp(tab_hbm, out_hbm, inb0, inb1, outb0, outb1, si0, si1, so0, so1):
        wid = lax.axis_index("s") * NUM_CORES + lax.axis_index("c")
        inbufs = (inb0, inb1)
        outbufs = (outb0, outb1)
        sis = (si0, si1)
        sos = (so0, so1)

        def win_of(k):
            return wid + k * NUM_WORKERS

        def fire_in(k, buf):
            w = win_of(k)

            @pl.when(w < N_WIN)
            def _():
                for g in range(NG):
                    pltpu.async_copy(
                        tab_hbm.at[pl.ds(8 * g, 8), pl.ds(w * WIN, WIN)],
                        inbufs[buf].at[g], sis[buf])

        def wait_in(k, buf):
            w = win_of(k)
            for g in range(NG):
                pltpu.make_async_copy(
                    tab_hbm.at[pl.ds(8 * g, 8), pl.ds(w * WIN, WIN)],
                    inbufs[buf].at[g], sis[buf]).wait()

        def fire_out(k, buf):
            w = win_of(k)
            pltpu.async_copy(
                outbufs[buf], out_hbm.at[pl.ds(w * ROWS_PER_WIN,
                                               ROWS_PER_WIN)], sos[buf])

        def wait_out(k, buf):
            w = win_of(k)
            pltpu.make_async_copy(
                outbufs[buf], out_hbm.at[pl.ds(w * ROWS_PER_WIN,
                                               ROWS_PER_WIN)], sos[buf]).wait()

        iota = lax.iota(jnp.int32, LANES)
        row_pat = iota // 4
        col_base = 32 * (iota % 4)

        def shuffle(buf):
            src = inbufs[buf]
            dst = outbufs[buf]

            def body(h, carry):
                rows = row_pat + 4 * h
                for half in range(2):
                    ds_ = range(half * 16, half * 16 + 16)
                    xs = [src[d // 8, d % 8, pl.ds(16 * h, LANES)]
                          for d in ds_]
                    for x, d in zip(xs, ds_):
                        plsc.store_scatter(dst, [rows, col_base + d], x)
                return carry

            lax.fori_loop(0, WIN // LANES, body, 0)

        fire_in(0, 0)
        fire_in(1, 1)

        def step(k, carry):
            for buf in range(2):
                kk = 2 * k + buf

                @pl.when(kk < n_steps)
                def _():
                    @pl.when((kk >= 2) & (win_of(kk - 2) < N_WIN))
                    def _():
                        wait_out(kk - 2, buf)

                    @pl.when(win_of(kk) < N_WIN)
                    def _():
                        wait_in(kk, buf)
                        shuffle(buf)
                        fire_out(kk, buf)
                    fire_in(kk + 2, buf)
            return carry

        lax.fori_loop(0, (n_steps + 1) // 2, step, 0)
        for kk in (n_steps - 2, n_steps - 1):

            @pl.when(win_of(kk) < N_WIN)
            def _():
                wait_out(kk, kk % 2)


    return transp(tab_t)


def _sc_pool(idx3, table):

    @functools.partial(
        pl.kernel,
        out_type=jax.ShapeDtypeStruct((BATCH_N, EMB_D), jnp.float32),
        mesh=_mesh(),
        compiler_params=pltpu.CompilerParams(use_tc_tiling_on_sc=False),
        scratch_types=[
            pltpu.VMEM((B_PER_W, N_CHUNK, CHUNK), jnp.int32),
            pltpu.VMEM((2, N_CHUNK, CHUNK, EMB_D), jnp.float32),
            pltpu.VMEM((B_PER_W, EMB_D), jnp.float32),
            pltpu.SemaphoreType.DMA,
            pltpu.SemaphoreType.DMA,
        ],
    )
    def pool(idx_hbm, table_hbm, out_hbm, idx_v, rows_v, out_v, sem0, sem1):
        wid = lax.axis_index("s") * NUM_CORES + lax.axis_index("c")
        base = wid * B_PER_W
        pltpu.sync_copy(idx_hbm.at[pl.ds(base, B_PER_W)], idx_v)
        sems = (sem0, sem1)

        def fire(u, buf):
            @pl.when(u < B_PER_W)
            def _():
                for c in range(N_CHUNK):
                    pltpu.async_copy(
                        table_hbm.at[idx_v.at[u, c]], rows_v.at[buf, c],
                        sems[buf])

        def drain(u, buf):
            for c in range(N_CHUNK):
                pltpu.make_async_copy(
                    table_hbm.at[idx_v.at[u, c]], rows_v.at[buf, c],
                    sems[buf]).wait()

        def accum(u, buf):
            def body(i, carry):
                aE0, aE1, aO0, aO1 = carry
                xs = []
                for s_off in range(2):
                    for c in range(N_CHUNK):
                        for half in range(2):
                            xs.append(rows_v[buf, c, 2 * i + s_off,
                                             pl.ds(half * LANES, LANES)])
                aE0 = aE0 + xs[0] + xs[2]
                aE1 = aE1 + xs[1] + xs[3]
                aO0 = aO0 + xs[4] + xs[6]
                aO1 = aO1 + xs[5] + xs[7]
                return aE0, aE1, aO0, aO1
            zero = jnp.zeros((LANES,), jnp.float32)
            aE0, aE1, aO0, aO1 = lax.fori_loop(
                0, CHUNK // 2, body, (zero, zero, zero, zero))
            out_v[u, pl.ds(0, LANES)] = aE0 + aO0
            out_v[u, pl.ds(LANES, LANES)] = aE1 + aO1

        fire(0, 0)
        fire(1, 1)

        def outer(i, carry):
            g = 2 * i
            drain(g, 0)
            accum(g, 0)
            fire(g + 2, 0)
            drain(g + 1, 1)
            accum(g + 1, 1)
            fire(g + 3, 1)
            return carry

        lax.fori_loop(0, B_PER_W // 2, outer, 0)
        pltpu.sync_copy(out_v, out_hbm.at[pl.ds(base, B_PER_W)])

    return pool(idx3, table)


def _tc_linear(pooled, wt, b2):
    bm = 512

    def body(x_ref, w_ref, b_ref, o_ref):
        o_ref[...] = jnp.dot(
            x_ref[...], w_ref[...],
            precision=jax.lax.Precision.HIGHEST,
            preferred_element_type=jnp.float32) + b_ref[...]

    return pl.pallas_call(
        body,
        grid=(BATCH_N // bm,),
        in_specs=[
            pl.BlockSpec((bm, EMB_D), lambda i: (i, 0)),
            pl.BlockSpec((EMB_D, N_CLS), lambda i: (0, 0)),
            pl.BlockSpec((1, N_CLS), lambda i: (0, 0)),
        ],
        out_specs=pl.BlockSpec((bm, N_CLS), lambda i: (i, 0)),
        out_shape=jax.ShapeDtypeStruct((BATCH_N, N_CLS), jnp.float32),
    )(pooled, wt, b2)


def kernel(utteranceTokens, table, W, b):
    idx3 = utteranceTokens.astype(jnp.int32).reshape(BATCH_N, N_CHUNK, CHUNK)
    t_rm = _sc_transpose(table.T)
    tail_rows = table[N_WIN * WIN:].reshape(TAIL // 4, 4 * EMB_D)
    t_rm = lax.dynamic_update_slice(t_rm, tail_rows, (N_WIN * ROWS_PER_WIN, 0))
    tab_lin = t_rm.reshape(VOCAB_SIZE, EMB_D)
    pooled = _sc_pool(idx3, tab_lin)
    wt = (W.astype(jnp.float32) * (1.0 / SEQ_N)).T
    b2 = b.reshape(1, N_CLS)
    return _tc_linear(pooled, wt, b2)

# --- scband reference (transcript-rebuilt; emitter-appended) ---
"""Pipeline reference for scband-simple-79568564125745 (READ-ONLY COPY).

The authoritative reference and input builder live on the scoring server;
editing this copy changes nothing except your own understanding.
"""

import jax, jax.numpy as jnp
import numpy as np

VOCAB = 1000000
EMBED_DIM = 32
NUM_CLASSES = 100
BATCH = 4096
SEQ_LEN = 200


def setup_inputs(seed: int = 0) -> dict:
    key = jax.random.key(seed)
    k_idx, k_tab, k_w, k_b = jax.random.split(key, 4)
    utteranceTokens = jax.random.randint(k_idx, (BATCH, SEQ_LEN), 0, VOCAB, dtype=jnp.int64 if jax.config.jax_enable_x64 else jnp.int32)
    table = jax.random.normal(k_tab, (VOCAB, EMBED_DIM), dtype=jnp.float32)
    W = jax.random.normal(k_w, (NUM_CLASSES, EMBED_DIM), dtype=jnp.float32) * (1.0 / np.sqrt(EMBED_DIM))
    b = jax.random.normal(k_b, (NUM_CLASSES,), dtype=jnp.float32) * 0.01
    return {"utteranceTokens": utteranceTokens, "table": table, "W": W, "b": b}


def reference(utteranceTokens, table, W, b):
    # Embedding lookup: (B, S) -> (B, S, D)
    embeddings = jnp.take(table, utteranceTokens, axis=0)
    # Average over sequence dim -> (B, D)
    utterance = embeddings.mean(axis=1)
    # Dense output layer -> (B, num_classes)
    output = utterance @ W.T + b
    return output

if __name__ == "__main__":
    import jax
    _d = setup_inputs()
    print(jax.jit(kernel)(*tuple(_d.values())))

</pallas_src>

<mosaic_0001>
#map = affine_map<(d0, d1) -> (0, 0, 0)>
#map1 = affine_map<(d0, d1) -> (0, 0)>
module attributes {stable_mosaic.version = 14 : i64} {
  func.func @pool(%arg0: i32, %arg1: i32, %arg2: memref<4096x2x100xi32, #tpu.memory_space<hbm>>, %arg3: memref<1000000x32xf32, #tpu.memory_space<hbm>>, %arg4: memref<4096x32xf32, #tpu.memory_space<hbm>>, %arg5: memref<128x2x100xi32, #tpu.memory_space<vmem>>, %arg6: memref<2x2x100x32xf32, #tpu.memory_space<vmem>>, %arg7: memref<128x32xf32, #tpu.memory_space<vmem>>, %arg8: memref<!tpu.dma_semaphore, #tpu.memory_space<semaphore_mem>>, %arg9: memref<!tpu.dma_semaphore, #tpu.memory_space<semaphore_mem>>) attributes {dimension_semantics = [#tpu.dimension_semantics<core_parallel>, #tpu.dimension_semantics<subcore_parallel>], iteration_bounds = array<i64: 2, 16>, scalar_prefetch = 0 : i64, scratch_operands = 5 : i64, tpu.core_type = #tpu.core_type<sc_vector_subcore>, window_params = [{transform_indices = #map}, {transform_indices = #map1}, {transform_indices = #map1}]} {
    %mul3A = arith.constant 2 : i32
    %mul3A_0 = arith.muli %arg1, %mul3A : i32
    %add3A = arith.addi %mul3A_0, %arg0 : i32
    %mul3A_1 = arith.constant 128 : i32
    %mul3A_2 = arith.muli %add3A, %mul3A_1 : i32
    "tpu.region"() ({
      %run_scoped3A = tpu.sem_alloc : memref<!tpu.dma_semaphore, #tpu.memory_space<semaphore_mem>>
      %dma_start3A_63 = arith.constant 0 : i32
      %dma_start3A_64 = arith.constant 0 : i32
      %dma_start3A_65 = tpu.memref_slice %arg2[%mul3A_2, %dma_start3A_63, %dma_start3A_64] : memref<4096x2x100xi32, #tpu.memory_space<hbm>> -> memref<128x2x100xi32, #tpu.memory_space<hbm>>
      %dma_start3A_66 = arith.constant 0 : i32
      %dma_start3A_67 = arith.constant 0 : i32
      %dma_start3A_68 = tpu.memref_slice %arg2[%mul3A_2, %dma_start3A_66, %dma_start3A_67] : memref<4096x2x100xi32, #tpu.memory_space<hbm>> -> memref<128x2x100xi32, #tpu.memory_space<hbm>>
      tpu.enqueue_dma source(%dma_start3A_68 : memref<128x2x100xi32, #tpu.memory_space<hbm>>) target(%arg5 : memref<128x2x100xi32, #tpu.memory_space<vmem>>) target_semaphore(%run_scoped3A : memref<!tpu.dma_semaphore, #tpu.memory_space<semaphore_mem>>)
      %dma_wait3A = arith.constant 0 : i32
      %dma_wait3A_69 = arith.constant 0 : i32
      %dma_wait3A_70 = tpu.memref_slice %arg2[%mul3A_2, %dma_wait3A, %dma_wait3A_69] : memref<4096x2x100xi32, #tpu.memory_space<hbm>> -> memref<128x2x100xi32, #tpu.memory_space<hbm>>
      %dma_wait3A_71 = arith.constant 0 : i32
      %dma_wait3A_72 = arith.constant 0 : i32
      %dma_wait3A_73 = tpu.memref_slice %arg2[%mul3A_2, %dma_wait3A_71, %dma_wait3A_72] : memref<4096x2x100xi32, #tpu.memory_space<hbm>> -> memref<128x2x100xi32, #tpu.memory_space<hbm>>
      tpu.wait_dma2 semaphore(%run_scoped3A : memref<!tpu.dma_semaphore, #tpu.memory_space<semaphore_mem>>) src(%dma_wait3A_73 : memref<128x2x100xi32, #tpu.memory_space<hbm>>) dst(%arg5 : memref<128x2x100xi32, #tpu.memory_space<vmem>>)
      tpu.yield
    }) : () -> ()
    %dma_start3A = arith.constant 0 : i32
    %dma_start3A_3 = arith.constant 0 : i32
    %dma_start3A_4 = arith.constant 0 : i32
    %dma_start3A_5 = arith.constant 0 : i32
    %dma_start3A_6 = arith.constant 0 : i32
    %dma_start3A_7 = arith.constant 0 : i32
    %dma_start3A_8 = tpu.memref_slice %arg6[%dma_start3A_4, %dma_start3A_5, %dma_start3A_6, %dma_start3A_7] : memref<2x2x100x32xf32, #tpu.memory_space<vmem>> -> memref<1x1x100x32xf32, #tpu.memory_space<vmem>>
    %dma_start3A_9 = tpu.memref_squeeze %dma_start3A_8 : memref<1x1x100x32xf32, #tpu.memory_space<vmem>> -> memref<100x32xf32, #tpu.memory_space<vmem>>
    %dma_start3A_10 = arith.constant 0 : i32
    %dma_start3A_11 = tpu.memref_slice %arg5[%dma_start3A, %dma_start3A_3, %dma_start3A_10] : memref<128x2x100xi32, #tpu.memory_space<vmem>> -> memref<1x1x100xi32, #tpu.memory_space<vmem>>
    %dma_start3A_12 = tpu.memref_squeeze %dma_start3A_11 : memref<1x1x100xi32, #tpu.memory_space<vmem>> -> memref<100xi32, #tpu.memory_space<vmem>>
    %dma_start3A_13 = arith.constant 0 : i32
    %dma_start3A_14 = arith.constant 0 : i32
    %dma_start3A_15 = tpu.memref_slice %arg3[%dma_start3A_13, %dma_start3A_14] : memref<1000000x32xf32, #tpu.memory_space<hbm>> -> memref<1000000x32xf32, #tpu.memory_space<hbm>>
    tpu.enqueue_indirect_dma source(%dma_start3A_15 : memref<1000000x32xf32, #tpu.memory_space<hbm>>) target(%dma_start3A_9 : memref<100x32xf32, #tpu.memory_space<vmem>>) offsets(%dma_start3A_12 : memref<100xi32, #tpu.memory_space<vmem>>) semaphore(%arg8 : memref<!tpu.dma_semaphore, #tpu.memory_space<semaphore_mem>>)
    %dma_start3A_16 = arith.constant 0 : i32
    %dma_start3A_17 = arith.constant 1 : i32
    %dma_start3A_18 = arith.constant 0 : i32
    %dma_start3A_19 = arith.constant 1 : i32
    %dma_start3A_20 = arith.constant 0 : i32
    %dma_start3A_21 = arith.constant 0 : i32
    %dma_start3A_22 = tpu.memref_slice %arg6[%dma_start3A_18, %dma_start3A_19, %dma_start3A_20, %dma_start3A_21] : memref<2x2x100x32xf32, #tpu.memory_space<vmem>> -> memref<1x1x100x32xf32, #tpu.memory_space<vmem>>
    %dma_start3A_23 = tpu.memref_squeeze %dma_start3A_22 : memref<1x1x100x32xf32, #tpu.memory_space<vmem>> -> memref<100x32xf32, #tpu.memory_space<vmem>>
    %dma_start3A_24 = arith.constant 0 : i32
    %dma_start3A_25 = tpu.memref_slice %arg5[%dma_start3A_16, %dma_start3A_17, %dma_start3A_24] : memref<128x2x100xi32, #tpu.memory_space<vmem>> -> memref<1x1x100xi32, #tpu.memory_space<vmem>>
    %dma_start3A_26 = tpu.memref_squeeze %dma_start3A_25 : memref<1x1x100xi32, #tpu.memory_space<vmem>> -> memref<100xi32, #tpu.memory_space<vmem>>
    %dma_start3A_27 = arith.constant 0 : i32
    %dma_start3A_28 = arith.constant 0 : i32
    %dma_start3A_29 = tpu.memref_slice %arg3[%dma_start3A_27, %dma_start3A_28] : memref<1000000x32xf32, #tpu.memory_space<hbm>> -> memref<1000000x32xf32, #tpu.memory_space<hbm>>
    tpu.enqueue_indirect_dma source(%dma_start3A_29 : memref<1000000x32xf32, #tpu.memory_space<hbm>>) target(%dma_start3A_23 : memref<100x32xf32, #tpu.memory_space<vmem>>) offsets(%dma_start3A_26 : memref<100xi32, #tpu.memory_space<vmem>>) semaphore(%arg8 : memref<!tpu.dma_semaphore, #tpu.memory_space<semaphore_mem>>)
    %dma_start3A_30 = arith.constant 1 : i32
    %dma_start3A_31 = arith.constant 0 : i32
    %dma_start3A_32 = arith.constant 1 : i32
    %dma_start3A_33 = arith.constant 0 : i32
    %dma_start3A_34 = arith.constant 0 : i32
    %dma_start3A_35 = arith.constant 0 : i32
    %dma_start3A_36 = tpu.memref_slice %arg6[%dma_start3A_32, %dma_start3A_33, %dma_start3A_34, %dma_start3A_35] : memref<2x2x100x32xf32, #tpu.memory_space<vmem>> -> memref<1x1x100x32xf32, #tpu.memory_space<vmem>>
    %dma_start3A_37 = tpu.memref_squeeze %dma_start3A_36 : memref<1x1x100x32xf32, #tpu.memory_space<vmem>> -> memref<100x32xf32, #tpu.memory_space<vmem>>
    %dma_start3A_38 = arith.constant 0 : i32
    %dma_start3A_39 = tpu.memref_slice %arg5[%dma_start3A_30, %dma_start3A_31, %dma_start3A_38] : memref<128x2x100xi32, #tpu.memory_space<vmem>> -> memref<1x1x100xi32, #tpu.memory_space<vmem>>
    %dma_start3A_40 = tpu.memref_squeeze %dma_start3A_39 : memref<1x1x100xi32, #tpu.memory_space<vmem>> -> memref<100xi32, #tpu.memory_space<vmem>>
    %dma_start3A_41 = arith.constant 0 : i32
    %dma_start3A_42 = arith.constant 0 : i32
    %dma_start3A_43 = tpu.memref_slice %arg3[%dma_start3A_41, %dma_start3A_42] : memref<1000000x32xf32, #tpu.memory_space<hbm>> -> memref<1000000x32xf32, #tpu.memory_space<hbm>>
    tpu.enqueue_indirect_dma source(%dma_start3A_43 : memref<1000000x32xf32, #tpu.memory_space<hbm>>) target(%dma_start3A_37 : memref<100x32xf32, #tpu.memory_space<vmem>>) offsets(%dma_start3A_40 : memref<100xi32, #tpu.memory_space<vmem>>) semaphore(%arg9 : memref<!tpu.dma_semaphore, #tpu.memory_space<semaphore_mem>>)
    %dma_start3A_44 = arith.constant 1 : i32
    %dma_start3A_45 = arith.constant 1 : i32
    %dma_start3A_46 = arith.constant 1 : i32
    %dma_start3A_47 = arith.constant 1 : i32
    %dma_start3A_48 = arith.constant 0 : i32
    %dma_start3A_49 = arith.constant 0 : i32
    %dma_start3A_50 = tpu.memref_slice %arg6[%dma_start3A_46, %dma_start3A_47, %dma_start3A_48, %dma_start3A_49] : memref<2x2x100x32xf32, #tpu.memory_space<vmem>> -> memref<1x1x100x32xf32, #tpu.memory_space<vmem>>
    %dma_start3A_51 = tpu.memref_squeeze %dma_start3A_50 : memref<1x1x100x32xf32, #tpu.memory_space<vmem>> -> memref<100x32xf32, #tpu.memory_space<vmem>>
    %dma_start3A_52 = arith.constant 0 : i32
    %dma_start3A_53 = tpu.memref_slice %arg5[%dma_start3A_44, %dma_start3A_45, %dma_start3A_52] : memref<128x2x100xi32, #tpu.memory_space<vmem>> -> memref<1x1x100xi32, #tpu.memory_space<vmem>>
    %dma_start3A_54 = tpu.memref_squeeze %dma_start3A_53 : memref<1x1x100xi32, #tpu.memory_space<vmem>> -> memref<100xi32, #tpu.memory_space<vmem>>
    %dma_start3A_55 = arith.constant 0 : i32
    %dma_start3A_56 = arith.constant 0 : i32
    %dma_start3A_57 = tpu.memref_slice %arg3[%dma_start3A_55, %dma_start3A_56] : memref<1000000x32xf32, #tpu.memory_space<hbm>> -> memref<1000000x32xf32, #tpu.memory_space<hbm>>
    tpu.enqueue_indirect_dma source(%dma_start3A_57 : memref<1000000x32xf32, #tpu.memory_space<hbm>>) target(%dma_start3A_51 : memref<100x32xf32, #tpu.memory_space<vmem>>) offsets(%dma_start3A_54 : memref<100xi32, #tpu.memory_space<vmem>>) semaphore(%arg9 : memref<!tpu.dma_semaphore, #tpu.memory_space<semaphore_mem>>)
    %scan3A = arith.constant 0 : i32
    %scan3A_58 = arith.constant 0 : i32
    %scan3A_59 = arith.constant 64 : i32
    %scan3A_60 = arith.addi %scan3A_58, %scan3A_59 : i32
    %scan3A_61 = arith.constant 1 : i32
    scf.for %scan3A_63 = %scan3A_58 to %scan3A_60 step %scan3A_61  : i32 {
      %mul3A_64 = arith.constant 2 : i32
      %mul3A_65 = arith.muli %mul3A_64, %scan3A_63 : i32
      %dma_wait3A = arith.constant 0 : i32
      %dma_wait3A_66 = arith.constant 0 : i32
      %dma_wait3A_67 = arith.constant 0 : i32
      %dma_wait3A_68 = arith.constant 0 : i32
      %dma_wait3A_69 = arith.constant 0 : i32
      %dma_wait3A_70 = tpu.memref_slice %arg6[%dma_wait3A_66, %dma_wait3A_67, %dma_wait3A_68, %dma_wait3A_69] : memref<2x2x100x32xf32, #tpu.memory_space<vmem>> -> memref<1x1x100x32xf32, #tpu.memory_space<vmem>>
      %dma_wait3A_71 = tpu.memref_squeeze %dma_wait3A_70 : memref<1x1x100x32xf32, #tpu.memory_space<vmem>> -> memref<100x32xf32, #tpu.memory_space<vmem>>
      %dma_wait3A_72 = arith.constant 0 : i32
      %dma_wait3A_73 = tpu.memref_slice %arg5[%mul3A_65, %dma_wait3A, %dma_wait3A_72] : memref<128x2x100xi32, #tpu.memory_space<vmem>> -> memref<1x1x100xi32, #tpu.memory_space<vmem>>
      %dma_wait3A_74 = tpu.memref_squeeze %dma_wait3A_73 : memref<1x1x100xi32, #tpu.memory_space<vmem>> -> memref<100xi32, #tpu.memory_space<vmem>>
      %dma_wait3A_75 = arith.constant 0 : i32
      %dma_wait3A_76 = arith.constant 0 : i32
      %dma_wait3A_77 = tpu.memref_slice %arg3[%dma_wait3A_75, %dma_wait3A_76] : memref<1000000x32xf32, #tpu.memory_space<hbm>> -> memref<1000000x32xf32, #tpu.memory_space<hbm>>
      tpu.wait_indirect_dma semaphore(%arg8 : memref<!tpu.dma_semaphore, #tpu.memory_space<semaphore_mem>>) src(%dma_wait3A_77 : memref<1000000x32xf32, #tpu.memory_space<hbm>>) dst(%dma_wait3A_71 : memref<100x32xf32, #tpu.memory_space<vmem>>)
      %dma_wait3A_78 = arith.constant 1 : i32
      %dma_wait3A_79 = arith.constant 0 : i32
      %dma_wait3A_80 = arith.constant 1 : i32
      %dma_wait3A_81 = arith.constant 0 : i32
      %dma_wait3A_82 = arith.constant 0 : i32
      %dma_wait3A_83 = tpu.memref_slice %arg6[%dma_wait3A_79, %dma_wait3A_80, %dma_wait3A_81, %dma_wait3A_82] : memref<2x2x100x32xf32, #tpu.memory_space<vmem>> -> memref<1x1x100x32xf32, #tpu.memory_space<vmem>>
      %dma_wait3A_84 = tpu.memref_squeeze %dma_wait3A_83 : memref<1x1x100x32xf32, #tpu.memory_space<vmem>> -> memref<100x32xf32, #tpu.memory_space<vmem>>
      %dma_wait3A_85 = arith.constant 0 : i32
      %dma_wait3A_86 = tpu.memref_slice %arg5[%mul3A_65, %dma_wait3A_78, %dma_wait3A_85] : memref<128x2x100xi32, #tpu.memory_space<vmem>> -> memref<1x1x100xi32, #tpu.memory_space<vmem>>
      %dma_wait3A_87 = tpu.memref_squeeze %dma_wait3A_86 : memref<1x1x100xi32, #tpu.memory_space<vmem>> -> memref<100xi32, #tpu.memory_space<vmem>>
      %dma_wait3A_88 = arith.constant 0 : i32
      %dma_wait3A_89 = arith.constant 0 : i32
      %dma_wait3A_90 = tpu.memref_slice %arg3[%dma_wait3A_88, %dma_wait3A_89] : memref<1000000x32xf32, #tpu.memory_space<hbm>> -> memref<1000000x32xf32, #tpu.memory_space<hbm>>
      tpu.wait_indirect_dma semaphore(%arg8 : memref<!tpu.dma_semaphore, #tpu.memory_space<semaphore_mem>>) src(%dma_wait3A_90 : memref<1000000x32xf32, #tpu.memory_space<hbm>>) dst(%dma_wait3A_84 : memref<100x32xf32, #tpu.memory_space<vmem>>)
      %broadcast_in_dim3A = arith.constant 0.000000e+00 : f32
      %broadcast_in_dim3A_91 = vector.broadcast %broadcast_in_dim3A : f32 to vector<16xf32>
      %scan3A_92 = arith.constant 0 : i32
      %scan3A_93 = arith.constant 50 : i32
      %scan3A_94 = arith.addi %scan3A_92, %scan3A_93 : i32
      %scan3A_95 = arith.constant 1 : i32
      %scan3A_96:4 = scf.for %scan3A_170 = %scan3A_92 to %scan3A_94 step %scan3A_95 iter_args(%scan3A_171 = %broadcast_in_dim3A_91, %scan3A_172 = %broadcast_in_dim3A_91, %scan3A_173 = %broadcast_in_dim3A_91, %scan3A_174 = %broadcast_in_dim3A_91) -> (vector<16xf32>, vector<16xf32>, vector<16xf32>, vector<16xf32>)  : i32 {
        %mul3A_175 = arith.constant 2 : i32
        %mul3A_176 = arith.muli %mul3A_175, %scan3A_170 : i32
        %add3A_177 = arith.constant 0 : i32
        %add3A_178 = arith.addi %mul3A_176, %add3A_177 : i32
        %get3A = arith.constant 0 : i32
        %get3A_179 = arith.constant 0 : i32
        %get3A_180 = arith.index_cast %get3A : i32 to index
        %get3A_181 = arith.index_cast %get3A_179 : i32 to index
        %get3A_182 = arith.index_cast %add3A_178 : i32 to index
        %get3A_183 = arith.constant 0 : index
        %get3A_184 = tpu.vector_load %arg6[%get3A_180, %get3A_181, %get3A_182, %get3A_183] {strides = array<i32>} : memref<2x2x100x32xf32, #tpu.memory_space<vmem>>, vector<1x1x1x16xf32>,
        %get3A_185 = vector.shape_cast %get3A_184 : vector<1x1x1x16xf32> to vector<16xf32>
        %mul3A_186 = arith.constant 2 : i32
        %mul3A_187 = arith.muli %mul3A_186, %scan3A_170 : i32
        %add3A_188 = arith.constant 0 : i32
        %add3A_189 = arith.addi %mul3A_187, %add3A_188 : i32
        %get3A_190 = arith.constant 0 : i32
        %get3A_191 = arith.constant 0 : i32
        %get3A_192 = arith.index_cast %get3A_190 : i32 to index
        %get3A_193 = arith.index_cast %get3A_191 : i32 to index
        %get3A_194 = arith.index_cast %add3A_189 : i32 to index
        %get3A_195 = arith.constant 16 : index
        %get3A_196 = tpu.vector_load %arg6[%get3A_192, %get3A_193, %get3A_194, %get3A_195] {strides = array<i32>} : memref<2x2x100x32xf32, #tpu.memory_space<vmem>>, vector<1x1x1x16xf32>,
        %get3A_197 = vector.shape_cast %get3A_196 : vector<1x1x1x16xf32> to vector<16xf32>
        %mul3A_198 = arith.constant 2 : i32
        %mul3A_199 = arith.muli %mul3A_198, %scan3A_170 : i32
        %add3A_200 = arith.constant 0 : i32
        %add3A_201 = arith.addi %mul3A_199, %add3A_200 : i32
        %get3A_202 = arith.constant 0 : i32
        %get3A_203 = arith.constant 1 : i32
        %get3A_204 = arith.index_cast %get3A_202 : i32 to index
        %get3A_205 = arith.index_cast %get3A_203 : i32 to index
        %get3A_206 = arith.index_cast %add3A_201 : i32 to index
        %get3A_207 = arith.constant 0 : index
        %get3A_208 = tpu.vector_load %arg6[%get3A_204, %get3A_205, %get3A_206, %get3A_207] {strides = array<i32>} : memref<2x2x100x32xf32, #tpu.memory_space<vmem>>, vector<1x1x1x16xf32>,
        %get3A_209 = vector.shape_cast %get3A_208 : vector<1x1x1x16xf32> to vector<16xf32>
        %mul3A_210 = arith.constant 2 : i32
        %mul3A_211 = arith.muli %mul3A_210, %scan3A_170 : i32
        %add3A_212 = arith.constant 0 : i32
        %add3A_213 = arith.addi %mul3A_211, %add3A_212 : i32
        %get3A_214 = arith.constant 0 : i32
        %get3A_215 = arith.constant 1 : i32
        %get3A_216 = arith.index_cast %get3A_214 : i32 to index
        %get3A_217 = arith.index_cast %get3A_215 : i32 to index
        %get3A_218 = arith.index_cast %add3A_213 : i32 to index
        %get3A_219 = arith.constant 16 : index
        %get3A_220 = tpu.vector_load %arg6[%get3A_216, %get3A_217, %get3A_218, %get3A_219] {strides = array<i32>} : memref<2x2x100x32xf32, #tpu.memory_space<vmem>>, vector<1x1x1x16xf32>,
        %get3A_221 = vector.shape_cast %get3A_220 : vector<1x1x1x16xf32> to vector<16xf32>
        %mul3A_222 = arith.constant 2 : i32
        %mul3A_223 = arith.muli %mul3A_222, %scan3A_170 : i32
        %add3A_224 = arith.constant 1 : i32
        %add3A_225 = arith.addi %mul3A_223, %add3A_224 : i32
        %get3A_226 = arith.constant 0 : i32
        %get3A_227 = arith.constant 0 : i32
        %get3A_228 = arith.index_cast %get3A_226 : i32 to index
        %get3A_229 = arith.index_cast %get3A_227 : i32 to index
        %get3A_230 = arith.index_cast %add3A_225 : i32 to index
        %get3A_231 = arith.constant 0 : index
        %get3A_232 = tpu.vector_load %arg6[%get3A_228, %get3A_229, %get3A_230, %get3A_231] {strides = array<i32>} : memref<2x2x100x32xf32, #tpu.memory_space<vmem>>, vector<1x1x1x16xf32>,
        %get3A_233 = vector.shape_cast %get3A_232 : vector<1x1x1x16xf32> to vector<16xf32>
        %mul3A_234 = arith.constant 2 : i32
        %mul3A_235 = arith.muli %mul3A_234, %scan3A_170 : i32
        %add3A_236 = arith.constant 1 : i32
        %add3A_237 = arith.addi %mul3A_235, %add3A_236 : i32
        %get3A_238 = arith.constant 0 : i32
        %get3A_239 = arith.constant 0 : i32
        %get3A_240 = arith.index_cast %get3A_238 : i32 to index
        %get3A_241 = arith.index_cast %get3A_239 : i32 to index
        %get3A_242 = arith.index_cast %add3A_237 : i32 to index
        %get3A_243 = arith.constant 16 : index
        %get3A_244 = tpu.vector_load %arg6[%get3A_240, %get3A_241, %get3A_242, %get3A_243] {strides = array<i32>} : memref<2x2x100x32xf32, #tpu.memory_space<vmem>>, vector<1x1x1x16xf32>,
        %get3A_245 = vector.shape_cast %get3A_244 : vector<1x1x1x16xf32> to vector<16xf32>
        %mul3A_246 = arith.constant 2 : i32
        %mul3A_247 = arith.muli %mul3A_246, %scan3A_170 : i32
        %add3A_248 = arith.constant 1 : i32
        %add3A_249 = arith.addi %mul3A_247, %add3A_248 : i32
        %get3A_250 = arith.constant 0 : i32
        %get3A_251 = arith.constant 1 : i32
        %get3A_252 = arith.index_cast %get3A_250 : i32 to index
        %get3A_253 = arith.index_cast %get3A_251 : i32 to index
        %get3A_254 = arith.index_cast %add3A_249 : i32 to index
        %get3A_255 = arith.constant 0 : index
        %get3A_256 = tpu.vector_load %arg6[%get3A_252, %get3A_253, %get3A_254, %get3A_255] {strides = array<i32>} : memref<2x2x100x32xf32, #tpu.memory_space<vmem>>, vector<1x1x1x16xf32>,
        %get3A_257 = vector.shape_cast %get3A_256 : vector<1x1x1x16xf32> to vector<16xf32>
        %mul3A_258 = arith.constant 2 : i32
        %mul3A_259 = arith.muli %mul3A_258, %scan3A_170 : i32
        %add3A_260 = arith.constant 1 : i32
        %add3A_261 = arith.addi %mul3A_259, %add3A_260 : i32
        %get3A_262 = arith.constant 0 : i32
        %get3A_263 = arith.constant 1 : i32
        %get3A_264 = arith.index_cast %get3A_262 : i32 to index
        %get3A_265 = arith.index_cast %get3A_263 : i32 to index
        %get3A_266 = arith.index_cast %add3A_261 : i32 to index
        %get3A_267 = arith.constant 16 : index
        %get3A_268 = tpu.vector_load %arg6[%get3A_264, %get3A_265, %get3A_266, %get3A_267] {strides = array<i32>} : memref<2x2x100x32xf32, #tpu.memory_space<vmem>>, vector<1x1x1x16xf32>,
        %get3A_269 = vector.shape_cast %get3A_268 : vector<1x1x1x16xf32> to vector<16xf32>
        %add3A_270 = arith.addf %scan3A_171, %get3A_185 : vector<16xf32>
        %add3A_271 = arith.addf %add3A_270, %get3A_209 : vector<16xf32>
        %add3A_272 = arith.addf %scan3A_172, %get3A_197 : vector<16xf32>
        %add3A_273 = arith.addf %add3A_272, %get3A_221 : vector<16xf32>
        %add3A_274 = arith.addf %scan3A_173, %get3A_233 : vector<16xf32>
        %add3A_275 = arith.addf %add3A_274, %get3A_257 : vector<16xf32>
        %add3A_276 = arith.addf %scan3A_174, %get3A_245 : vector<16xf32>
        %add3A_277 = arith.addf %add3A_276, %get3A_269 : vector<16xf32>
        scf.yield %add3A_271, %add3A_273, %add3A_275, %add3A_277 : vector<16xf32>, vector<16xf32>, vector<16xf32>, vector<16xf32>
      }
      %scan3A_97 = arith.constant 50 : i32
      %add3A_98 = arith.addf %scan3A_96#0, %scan3A_96#2 : vector<16xf32>
      %swap3A = arith.index_cast %mul3A_65 : i32 to index
      %swap3A_99 = arith.constant 0 : index
      %swap3A_100 = tpu.vector_load %arg7[%swap3A, %swap3A_99] {strides = array<i32>} : memref<128x32xf32, #tpu.memory_space<vmem>>, vector<1x16xf32>,
      %swap3A_101 = vector.shape_cast %swap3A_100 : vector<1x16xf32> to vector<16xf32>
      %swap3A_102 = vector.shape_cast %add3A_98 : vector<16xf32> to vector<1x16xf32>
      tpu.vector_store %arg7[%swap3A, %swap3A_99], %swap3A_102 {strides = array<i32>} : memref<128x32xf32, #tpu.memory_space<vmem>>, vector<1x16xf32>,
      %add3A_103 = arith.addf %scan3A_96#1, %scan3A_96#3 : vector<16xf32>
      %swap3A_104 = arith.index_cast %mul3A_65 : i32 to index
      %swap3A_105 = arith.constant 16 : index
      %swap3A_106 = tpu.vector_load %arg7[%swap3A_104, %swap3A_105] {strides = array<i32>} : memref<128x32xf32, #tpu.memory_space<vmem>>, vector<1x16xf32>,
      %swap3A_107 = vector.shape_cast %swap3A_106 : vector<1x16xf32> to vector<16xf32>
      %swap3A_108 = vector.shape_cast %add3A_103 : vector<16xf32> to vector<1x16xf32>
      tpu.vector_store %arg7[%swap3A_104, %swap3A_105], %swap3A_108 {strides = array<i32>} : memref<128x32xf32, #tpu.memory_space<vmem>>, vector<1x16xf32>,
      %add3A_109 = arith.constant 2 : i32
      %add3A_110 = arith.addi %mul3A_65, %add3A_109 : i32
      %lt3A = arith.constant 128 : i32
      %lt3A_111 = arith.cmpi slt, %add3A_110, %lt3A : i32
      %convert_element_type3A = arith.extui %lt3A_111 : i1 to i32
      %cond3A = arith.constant 0 : i32
      %cond3A_112 = arith.cmpi ne, %convert_element_type3A, %cond3A : i32
      scf.if %cond3A_112 {
        %dma_start3A_170 = arith.constant 0 : i32
        %dma_start3A_171 = arith.constant 0 : i32
        %dma_start3A_172 = arith.constant 0 : i32
        %dma_start3A_173 = arith.constant 0 : i32
        %dma_start3A_174 = arith.constant 0 : i32
        %dma_start3A_175 = tpu.memref_slice %arg6[%dma_start3A_171, %dma_start3A_172, %dma_start3A_173, %dma_start3A_174] : memref<2x2x100x32xf32, #tpu.memory_space<vmem>> -> memref<1x1x100x32xf32, #tpu.memory_space<vmem>>
        %dma_start3A_176 = tpu.memref_squeeze %dma_start3A_175 : memref<1x1x100x32xf32, #tpu.memory_space<vmem>> -> memref<100x32xf32, #tpu.memory_space<vmem>>
        %dma_start3A_177 = arith.constant 0 : i32
        %dma_start3A_178 = tpu.memref_slice %arg5[%add3A_110, %dma_start3A_170, %dma_start3A_177] : memref<128x2x100xi32, #tpu.memory_space<vmem>> -> memref<1x1x100xi32, #tpu.memory_space<vmem>>
        %dma_start3A_179 = tpu.memref_squeeze %dma_start3A_178 : memref<1x1x100xi32, #tpu.memory_space<vmem>> -> memref<100xi32, #tpu.memory_space<vmem>>
        %dma_start3A_180 = arith.constant 0 : i32
        %dma_start3A_181 = arith.constant 0 : i32
        %dma_start3A_182 = tpu.memref_slice %arg3[%dma_start3A_180, %dma_start3A_181] : memref<1000000x32xf32, #tpu.memory_space<hbm>> -> memref<1000000x32xf32, #tpu.memory_space<hbm>>
        tpu.enqueue_indirect_dma source(%dma_start3A_182 : memref<1000000x32xf32, #tpu.memory_space<hbm>>) target(%dma_start3A_176 : memref<100x32xf32, #tpu.memory_space<vmem>>) offsets(%dma_start3A_179 : memref<100xi32, #tpu.memory_space<vmem>>) semaphore(%arg8 : memref<!tpu.dma_semaphore, #tpu.memory_space<semaphore_mem>>)
        %dma_start3A_183 = arith.constant 1 : i32
        %dma_start3A_184 = arith.constant 0 : i32
        %dma_start3A_185 = arith.constant 1 : i32
        %dma_start3A_186 = arith.constant 0 : i32
        %dma_start3A_187 = arith.constant 0 : i32
        %dma_start3A_188 = tpu.memref_slice %arg6[%dma_start3A_184, %dma_start3A_185, %dma_start3A_186, %dma_start3A_187] : memref<2x2x100x32xf32, #tpu.memory_space<vmem>> -> memref<1x1x100x32xf32, #tpu.memory_space<vmem>>
        %dma_start3A_189 = tpu.memref_squeeze %dma_start3A_188 : memref<1x1x100x32xf32, #tpu.memory_space<vmem>> -> memref<100x32xf32, #tpu.memory_space<vmem>>
        %dma_start3A_190 = arith.constant 0 : i32
        %dma_start3A_191 = tpu.memref_slice %arg5[%add3A_110, %dma_start3A_183, %dma_start3A_190] : memref<128x2x100xi32, #tpu.memory_space<vmem>> -> memref<1x1x100xi32, #tpu.memory_space<vmem>>
        %dma_start3A_192 = tpu.memref_squeeze %dma_start3A_191 : memref<1x1x100xi32, #tpu.memory_space<vmem>> -> memref<100xi32, #tpu.memory_space<vmem>>
        %dma_start3A_193 = arith.constant 0 : i32
        %dma_start3A_194 = arith.constant 0 : i32
        %dma_start3A_195 = tpu.memref_slice %arg3[%dma_start3A_193, %dma_start3A_194] : memref<1000000x32xf32, #tpu.memory_space<hbm>> -> memref<1000000x32xf32, #tpu.memory_space<hbm>>
        tpu.enqueue_indirect_dma source(%dma_start3A_195 : memref<1000000x32xf32, #tpu.memory_space<hbm>>) target(%dma_start3A_189 : memref<100x32xf32, #tpu.memory_space<vmem>>) offsets(%dma_start3A_192 : memref<100xi32, #tpu.memory_space<vmem>>) semaphore(%arg8 : memref<!tpu.dma_semaphore, #tpu.memory_space<semaphore_mem>>)
      } else {
      }
      %add3A_113 = arith.constant 1 : i32
      %add3A_114 = arith.addi %mul3A_65, %add3A_113 : i32
      %dma_wait3A_115 = arith.constant 0 : i32
      %dma_wait3A_116 = arith.constant 1 : i32
      %dma_wait3A_117 = arith.constant 0 : i32
      %dma_wait3A_118 = arith.constant 0 : i32
      %dma_wait3A_119 = arith.constant 0 : i32
      %dma_wait3A_120 = tpu.memref_slice %arg6[%dma_wait3A_116, %dma_wait3A_117, %dma_wait3A_118, %dma_wait3A_119] : memref<2x2x100x32xf32, #tpu.memory_space<vmem>> -> memref<1x1x100x32xf32, #tpu.memory_space<vmem>>
      %dma_wait3A_121 = tpu.memref_squeeze %dma_wait3A_120 : memref<1x1x100x32xf32, #tpu.memory_space<vmem>> -> memref<100x32xf32, #tpu.memory_space<vmem>>
      %dma_wait3A_122 = arith.constant 0 : i32
      %dma_wait3A_123 = tpu.memref_slice %arg5[%add3A_114, %dma_wait3A_115, %dma_wait3A_122] : memref<128x2x100xi32, #tpu.memory_space<vmem>> -> memref<1x1x100xi32, #tpu.memory_space<vmem>>
      %dma_wait3A_124 = tpu.memref_squeeze %dma_wait3A_123 : memref<1x1x100xi32, #tpu.memory_space<vmem>> -> memref<100xi32, #tpu.memory_space<vmem>>
      %dma_wait3A_125 = arith.constant 0 : i32
      %dma_wait3A_126 = arith.constant 0 : i32
      %dma_wait3A_127 = tpu.memref_slice %arg3[%dma_wait3A_125, %dma_wait3A_126] : memref<1000000x32xf32, #tpu.memory_space<hbm>> -> memref<1000000x32xf32, #tpu.memory_space<hbm>>
      tpu.wait_indirect_dma semaphore(%arg9 : memref<!tpu.dma_semaphore, #tpu.memory_space<semaphore_mem>>) src(%dma_wait3A_127 : memref<1000000x32xf32, #tpu.memory_space<hbm>>) dst(%dma_wait3A_121 : memref<100x32xf32, #tpu.memory_space<vmem>>)
      %dma_wait3A_128 = arith.constant 1 : i32
      %dma_wait3A_129 = arith.constant 1 : i32
      %dma_wait3A_130 = arith.constant 1 : i32
      %dma_wait3A_131 = arith.constant 0 : i32
      %dma_wait3A_132 = arith.constant 0 : i32
      %dma_wait3A_133 = tpu.memref_slice %arg6[%dma_wait3A_129, %dma_wait3A_130, %dma_wait3A_131, %dma_wait3A_132] : memref<2x2x100x32xf32, #tpu.memory_space<vmem>> -> memref<1x1x100x32xf32, #tpu.memory_space<vmem>>
      %dma_wait3A_134 = tpu.memref_squeeze %dma_wait3A_133 : memref<1x1x100x32xf32, #tpu.memory_space<vmem>> -> memref<100x32xf32, #tpu.memory_space<vmem>>
      %dma_wait3A_135 = arith.constant 0 : i32
      %dma_wait3A_136 = tpu.memref_slice %arg5[%add3A_114, %dma_wait3A_128, %dma_wait3A_135] : memref<128x2x100xi32, #tpu.memory_space<vmem>> -> memref<1x1x100xi32, #tpu.memory_space<vmem>>
      %dma_wait3A_137 = tpu.memref_squeeze %dma_wait3A_136 : memref<1x1x100xi32, #tpu.memory_space<vmem>> -> memref<100xi32, #tpu.memory_space<vmem>>
      %dma_wait3A_138 = arith.constant 0 : i32
      %dma_wait3A_139 = arith.constant 0 : i32
      %dma_wait3A_140 = tpu.memref_slice %arg3[%dma_wait3A_138, %dma_wait3A_139] : memref<1000000x32xf32, #tpu.memory_space<hbm>> -> memref<1000000x32xf32, #tpu.memory_space<hbm>>
      tpu.wait_indirect_dma semaphore(%arg9 : memref<!tpu.dma_semaphore, #tpu.memory_space<semaphore_mem>>) src(%dma_wait3A_140 : memref<1000000x32xf32, #tpu.memory_space<hbm>>) dst(%dma_wait3A_134 : memref<100x32xf32, #tpu.memory_space<vmem>>)
      %add3A_141 = arith.constant 1 : i32
      %add3A_142 = arith.addi %mul3A_65, %add3A_141 : i32
      %broadcast_in_dim3A_143 = arith.constant 0.000000e+00 : f32
      %broadcast_in_dim3A_144 = vector.broadcast %broadcast_in_dim3A_143 : f32 to vector<16xf32>
      %scan3A_145 = arith.constant 0 : i32
      %scan3A_146 = arith.constant 50 : i32
      %scan3A_147 = arith.addi %scan3A_145, %scan3A_146 : i32
      %scan3A_148 = arith.constant 1 : i32
      %scan3A_149:4 = scf.for %scan3A_170 = %scan3A_145 to %scan3A_147 step %scan3A_148 iter_args(%scan3A_171 = %broadcast_in_dim3A_144, %scan3A_172 = %broadcast_in_dim3A_144, %scan3A_173 = %broadcast_in_dim3A_144, %scan3A_174 = %broadcast_in_dim3A_144) -> (vector<16xf32>, vector<16xf32>, vector<16xf32>, vector<16xf32>)  : i32 {
        %mul3A_175 = arith.constant 2 : i32
        %mul3A_176 = arith.muli %mul3A_175, %scan3A_170 : i32
        %add3A_177 = arith.constant 0 : i32
        %add3A_178 = arith.addi %mul3A_176, %add3A_177 : i32
        %get3A = arith.constant 1 : i32
        %get3A_179 = arith.constant 0 : i32
        %get3A_180 = arith.index_cast %get3A : i32 to index
        %get3A_181 = arith.index_cast %get3A_179 : i32 to index
        %get3A_182 = arith.index_cast %add3A_178 : i32 to index
        %get3A_183 = arith.constant 0 : index
        %get3A_184 = tpu.vector_load %arg6[%get3A_180, %get3A_181, %get3A_182, %get3A_183] {strides = array<i32>} : memref<2x2x100x32xf32, #tpu.memory_space<vmem>>, vector<1x1x1x16xf32>,
        %get3A_185 = vector.shape_cast %get3A_184 : vector<1x1x1x16xf32> to vector<16xf32>
        %mul3A_186 = arith.constant 2 : i32
        %mul3A_187 = arith.muli %mul3A_186, %scan3A_170 : i32
        %add3A_188 = arith.constant 0 : i32
        %add3A_189 = arith.addi %mul3A_187, %add3A_188 : i32
        %get3A_190 = arith.constant 1 : i32
        %get3A_191 = arith.constant 0 : i32
        %get3A_192 = arith.index_cast %get3A_190 : i32 to index
        %get3A_193 = arith.index_cast %get3A_191 : i32 to index
        %get3A_194 = arith.index_cast %add3A_189 : i32 to index
        %get3A_195 = arith.constant 16 : index
        %get3A_196 = tpu.vector_load %arg6[%get3A_192, %get3A_193, %get3A_194, %get3A_195] {strides = array<i32>} : memref<2x2x100x32xf32, #tpu.memory_space<vmem>>, vector<1x1x1x16xf32>,
        %get3A_197 = vector.shape_cast %get3A_196 : vector<1x1x1x16xf32> to vector<16xf32>
        %mul3A_198 = arith.constant 2 : i32
        %mul3A_199 = arith.muli %mul3A_198, %scan3A_170 : i32
        %add3A_200 = arith.constant 0 : i32
        %add3A_201 = arith.addi %mul3A_199, %add3A_200 : i32
        %get3A_202 = arith.constant 1 : i32
        %get3A_203 = arith.constant 1 : i32
        %get3A_204 = arith.index_cast %get3A_202 : i32 to index
        %get3A_205 = arith.index_cast %get3A_203 : i32 to index
        %get3A_206 = arith.index_cast %add3A_201 : i32 to index
        %get3A_207 = arith.constant 0 : index
        %get3A_208 = tpu.vector_load %arg6[%get3A_204, %get3A_205, %get3A_206, %get3A_207] {strides = array<i32>} : memref<2x2x100x32xf32, #tpu.memory_space<vmem>>, vector<1x1x1x16xf32>,
        %get3A_209 = vector.shape_cast %get3A_208 : vector<1x1x1x16xf32> to vector<16xf32>
        %mul3A_210 = arith.constant 2 : i32
        %mul3A_211 = arith.muli %mul3A_210, %scan3A_170 : i32
        %add3A_212 = arith.constant 0 : i32
        %add3A_213 = arith.addi %mul3A_211, %add3A_212 : i32
        %get3A_214 = arith.constant 1 : i32
        %get3A_215 = arith.constant 1 : i32
        %get3A_216 = arith.index_cast %get3A_214 : i32 to index
        %get3A_217 = arith.index_cast %get3A_215 : i32 to index
        %get3A_218 = arith.index_cast %add3A_213 : i32 to index
        %get3A_219 = arith.constant 16 : index
        %get3A_220 = tpu.vector_load %arg6[%get3A_216, %get3A_217, %get3A_218, %get3A_219] {strides = array<i32>} : memref<2x2x100x32xf32, #tpu.memory_space<vmem>>, vector<1x1x1x16xf32>,
        %get3A_221 = vector.shape_cast %get3A_220 : vector<1x1x1x16xf32> to vector<16xf32>
        %mul3A_222 = arith.constant 2 : i32
        %mul3A_223 = arith.muli %mul3A_222, %scan3A_170 : i32
        %add3A_224 = arith.constant 1 : i32
        %add3A_225 = arith.addi %mul3A_223, %add3A_224 : i32
        %get3A_226 = arith.constant 1 : i32
        %get3A_227 = arith.constant 0 : i32
        %get3A_228 = arith.index_cast %get3A_226 : i32 to index
        %get3A_229 = arith.index_cast %get3A_227 : i32 to index
        %get3A_230 = arith.index_cast %add3A_225 : i32 to index
        %get3A_231 = arith.constant 0 : index
        %get3A_232 = tpu.vector_load %arg6[%get3A_228, %get3A_229, %get3A_230, %get3A_231] {strides = array<i32>} : memref<2x2x100x32xf32, #tpu.memory_space<vmem>>, vector<1x1x1x16xf32>,
        %get3A_233 = vector.shape_cast %get3A_232 : vector<1x1x1x16xf32> to vector<16xf32>
        %mul3A_234 = arith.constant 2 : i32
        %mul3A_235 = arith.muli %mul3A_234, %scan3A_170 : i32
        %add3A_236 = arith.constant 1 : i32
        %add3A_237 = arith.addi %mul3A_235, %add3A_236 : i32
        %get3A_238 = arith.constant 1 : i32
        %get3A_239 = arith.constant 0 : i32
        %get3A_240 = arith.index_cast %get3A_238 : i32 to index
        %get3A_241 = arith.index_cast %get3A_239 : i32 to index
        %get3A_242 = arith.index_cast %add3A_237 : i32 to index
        %get3A_243 = arith.constant 16 : index
        %get3A_244 = tpu.vector_load %arg6[%get3A_240, %get3A_241, %get3A_242, %get3A_243] {strides = array<i32>} : memref<2x2x100x32xf32, #tpu.memory_space<vmem>>, vector<1x1x1x16xf32>,
        %get3A_245 = vector.shape_cast %get3A_244 : vector<1x1x1x16xf32> to vector<16xf32>
        %mul3A_246 = arith.constant 2 : i32
        %mul3A_247 = arith.muli %mul3A_246, %scan3A_170 : i32
        %add3A_248 = arith.constant 1 : i32
        %add3A_249 = arith.addi %mul3A_247, %add3A_248 : i32
        %get3A_250 = arith.constant 1 : i32
        %get3A_251 = arith.constant 1 : i32
        %get3A_252 = arith.index_cast %get3A_250 : i32 to index
        %get3A_253 = arith.index_cast %get3A_251 : i32 to index
        %get3A_254 = arith.index_cast %add3A_249 : i32 to index
        %get3A_255 = arith.constant 0 : index
        %get3A_256 = tpu.vector_load %arg6[%get3A_252, %get3A_253, %get3A_254, %get3A_255] {strides = array<i32>} : memref<2x2x100x32xf32, #tpu.memory_space<vmem>>, vector<1x1x1x16xf32>,
        %get3A_257 = vector.shape_cast %get3A_256 : vector<1x1x1x16xf32> to vector<16xf32>
        %mul3A_258 = arith.constant 2 : i32
        %mul3A_259 = arith.muli %mul3A_258, %scan3A_170 : i32
        %add3A_260 = arith.constant 1 : i32
        %add3A_261 = arith.addi %mul3A_259, %add3A_260 : i32
        %get3A_262 = arith.constant 1 : i32
        %get3A_263 = arith.constant 1 : i32
        %get3A_264 = arith.index_cast %get3A_262 : i32 to index
        %get3A_265 = arith.index_cast %get3A_263 : i32 to index
        %get3A_266 = arith.index_cast %add3A_261 : i32 to index
        %get3A_267 = arith.constant 16 : index
        %get3A_268 = tpu.vector_load %arg6[%get3A_264, %get3A_265, %get3A_266, %get3A_267] {strides = array<i32>} : memref<2x2x100x32xf32, #tpu.memory_space<vmem>>, vector<1x1x1x16xf32>,
        %get3A_269 = vector.shape_cast %get3A_268 : vector<1x1x1x16xf32> to vector<16xf32>
        %add3A_270 = arith.addf %scan3A_171, %get3A_185 : vector<16xf32>
        %add3A_271 = arith.addf %add3A_270, %get3A_209 : vector<16xf32>
        %add3A_272 = arith.addf %scan3A_172, %get3A_197 : vector<16xf32>
        %add3A_273 = arith.addf %add3A_272, %get3A_221 : vector<16xf32>
        %add3A_274 = arith.addf %scan3A_173, %get3A_233 : vector<16xf32>
        %add3A_275 = arith.addf %add3A_274, %get3A_257 : vector<16xf32>
        %add3A_276 = arith.addf %scan3A_174, %get3A_245 : vector<16xf32>
        %add3A_277 = arith.addf %add3A_276, %get3A_269 : vector<16xf32>
        scf.yield %add3A_271, %add3A_273, %add3A_275, %add3A_277 : vector<16xf32>, vector<16xf32>, vector<16xf32>, vector<16xf32>
      }
      %scan3A_150 = arith.constant 50 : i32
      %add3A_151 = arith.addf %scan3A_149#0, %scan3A_149#2 : vector<16xf32>
      %swap3A_152 = arith.index_cast %add3A_142 : i32 to index
      %swap3A_153 = arith.constant 0 : index
      %swap3A_154 = tpu.vector_load %arg7[%swap3A_152, %swap3A_153] {strides = array<i32>} : memref<128x32xf32, #tpu.memory_space<vmem>>, vector<1x16xf32>,
      %swap3A_155 = vector.shape_cast %swap3A_154 : vector<1x16xf32> to vector<16xf32>
      %swap3A_156 = vector.shape_cast %add3A_151 : vector<16xf32> to vector<1x16xf32>
      tpu.vector_store %arg7[%swap3A_152, %swap3A_153], %swap3A_156 {strides = array<i32>} : memref<128x32xf32, #tpu.memory_space<vmem>>, vector<1x16xf32>,
      %add3A_157 = arith.addf %scan3A_149#1, %scan3A_149#3 : vector<16xf32>
      %swap3A_158 = arith.index_cast %add3A_142 : i32 to index
      %swap3A_159 = arith.constant 16 : index
      %swap3A_160 = tpu.vector_load %arg7[%swap3A_158, %swap3A_159] {strides = array<i32>} : memref<128x32xf32, #tpu.memory_space<vmem>>, vector<1x16xf32>,
      %swap3A_161 = vector.shape_cast %swap3A_160 : vector<1x16xf32> to vector<16xf32>
      %swap3A_162 = vector.shape_cast %add3A_157 : vector<16xf32> to vector<1x16xf32>
      tpu.vector_store %arg7[%swap3A_158, %swap3A_159], %swap3A_162 {strides = array<i32>} : memref<128x32xf32, #tpu.memory_space<vmem>>, vector<1x16xf32>,
      %add3A_163 = arith.constant 3 : i32
      %add3A_164 = arith.addi %mul3A_65, %add3A_163 : i32
      %lt3A_165 = arith.constant 128 : i32
      %lt3A_166 = arith.cmpi slt, %add3A_164, %lt3A_165 : i32
      %convert_element_type3A_167 = arith.extui %lt3A_166 : i1 to i32
      %cond3A_168 = arith.constant 0 : i32
      %cond3A_169 = arith.cmpi ne, %convert_element_type3A_167, %cond3A_168 : i32
      scf.if %cond3A_169 {
        %dma_start3A_170 = arith.constant 0 : i32
        %dma_start3A_171 = arith.constant 1 : i32
        %dma_start3A_172 = arith.constant 0 : i32
        %dma_start3A_173 = arith.constant 0 : i32
        %dma_start3A_174 = arith.constant 0 : i32
        %dma_start3A_175 = tpu.memref_slice %arg6[%dma_start3A_171, %dma_start3A_172, %dma_start3A_173, %dma_start3A_174] : memref<2x2x100x32xf32, #tpu.memory_space<vmem>> -> memref<1x1x100x32xf32, #tpu.memory_space<vmem>>
        %dma_start3A_176 = tpu.memref_squeeze %dma_start3A_175 : memref<1x1x100x32xf32, #tpu.memory_space<vmem>> -> memref<100x32xf32, #tpu.memory_space<vmem>>
        %dma_start3A_177 = arith.constant 0 : i32
        %dma_start3A_178 = tpu.memref_slice %arg5[%add3A_164, %dma_start3A_170, %dma_start3A_177] : memref<128x2x100xi32, #tpu.memory_space<vmem>> -> memref<1x1x100xi32, #tpu.memory_space<vmem>>
        %dma_start3A_179 = tpu.memref_squeeze %dma_start3A_178 : memref<1x1x100xi32, #tpu.memory_space<vmem>> -> memref<100xi32, #tpu.memory_space<vmem>>
        %dma_start3A_180 = arith.constant 0 : i32
        %dma_start3A_181 = arith.constant 0 : i32
        %dma_start3A_182 = tpu.memref_slice %arg3[%dma_start3A_180, %dma_start3A_181] : memref<1000000x32xf32, #tpu.memory_space<hbm>> -> memref<1000000x32xf32, #tpu.memory_space<hbm>>
        tpu.enqueue_indirect_dma source(%dma_start3A_182 : memref<1000000x32xf32, #tpu.memory_space<hbm>>) target(%dma_start3A_176 : memref<100x32xf32, #tpu.memory_space<vmem>>) offsets(%dma_start3A_179 : memref<100xi32, #tpu.memory_space<vmem>>) semaphore(%arg9 : memref<!tpu.dma_semaphore, #tpu.memory_space<semaphore_mem>>)
        %dma_start3A_183 = arith.constant 1 : i32
        %dma_start3A_184 = arith.constant 1 : i32
        %dma_start3A_185 = arith.constant 1 : i32
        %dma_start3A_186 = arith.constant 0 : i32
        %dma_start3A_187 = arith.constant 0 : i32
        %dma_start3A_188 = tpu.memref_slice %arg6[%dma_start3A_184, %dma_start3A_185, %dma_start3A_186, %dma_start3A_187] : memref<2x2x100x32xf32, #tpu.memory_space<vmem>> -> memref<1x1x100x32xf32, #tpu.memory_space<vmem>>
        %dma_start3A_189 = tpu.memref_squeeze %dma_start3A_188 : memref<1x1x100x32xf32, #tpu.memory_space<vmem>> -> memref<100x32xf32, #tpu.memory_space<vmem>>
        %dma_start3A_190 = arith.constant 0 : i32
        %dma_start3A_191 = tpu.memref_slice %arg5[%add3A_164, %dma_start3A_183, %dma_start3A_190] : memref<128x2x100xi32, #tpu.memory_space<vmem>> -> memref<1x1x100xi32, #tpu.memory_space<vmem>>
        %dma_start3A_192 = tpu.memref_squeeze %dma_start3A_191 : memref<1x1x100xi32, #tpu.memory_space<vmem>> -> memref<100xi32, #tpu.memory_space<vmem>>
        %dma_start3A_193 = arith.constant 0 : i32
        %dma_start3A_194 = arith.constant 0 : i32
        %dma_start3A_195 = tpu.memref_slice %arg3[%dma_start3A_193, %dma_start3A_194] : memref<1000000x32xf32, #tpu.memory_space<hbm>> -> memref<1000000x32xf32, #tpu.memory_space<hbm>>
        tpu.enqueue_indirect_dma source(%dma_start3A_195 : memref<1000000x32xf32, #tpu.memory_space<hbm>>) target(%dma_start3A_189 : memref<100x32xf32, #tpu.memory_space<vmem>>) offsets(%dma_start3A_192 : memref<100xi32, #tpu.memory_space<vmem>>) semaphore(%arg9 : memref<!tpu.dma_semaphore, #tpu.memory_space<semaphore_mem>>)
      } else {
      }
    }
    %scan3A_62 = arith.constant 64 : i32
    "tpu.region"() ({
      %run_scoped3A = tpu.sem_alloc : memref<!tpu.dma_semaphore, #tpu.memory_space<semaphore_mem>>
      %dma_start3A_63 = arith.constant 0 : i32
      %dma_start3A_64 = tpu.memref_slice %arg4[%mul3A_2, %dma_start3A_63] : memref<4096x32xf32, #tpu.memory_space<hbm>> -> memref<128x32xf32, #tpu.memory_space<hbm>>
      %dma_start3A_65 = arith.constant 0 : i32
      %dma_start3A_66 = tpu.memref_slice %arg4[%mul3A_2, %dma_start3A_65] : memref<4096x32xf32, #tpu.memory_space<hbm>> -> memref<128x32xf32, #tpu.memory_space<hbm>>
      tpu.enqueue_dma source(%arg7 : memref<128x32xf32, #tpu.memory_space<vmem>>) target(%dma_start3A_66 : memref<128x32xf32, #tpu.memory_space<hbm>>) target_semaphore(%run_scoped3A : memref<!tpu.dma_semaphore, #tpu.memory_space<semaphore_mem>>)
      %dma_wait3A = arith.constant 0 : i32
      %dma_wait3A_67 = tpu.memref_slice %arg4[%mul3A_2, %dma_wait3A] : memref<4096x32xf32, #tpu.memory_space<hbm>> -> memref<128x32xf32, #tpu.memory_space<hbm>>
      %dma_wait3A_68 = arith.constant 0 : i32
      %dma_wait3A_69 = tpu.memref_slice %arg4[%mul3A_2, %dma_wait3A_68] : memref<4096x32xf32, #tpu.memory_space<hbm>> -> memref<128x32xf32, #tpu.memory_space<hbm>>
      tpu.wait_dma2 semaphore(%run_scoped3A : memref<!tpu.dma_semaphore, #tpu.memory_space<semaphore_mem>>) src(%arg7 : memref<128x32xf32, #tpu.memory_space<vmem>>) dst(%dma_wait3A_69 : memref<128x32xf32, #tpu.memory_space<hbm>>)
      tpu.yield
    }) : () -> ()
    return
  }
}

#map = affine_map<(d0, d1) -> (0, 0)>
module attributes {stable_mosaic.version = 14 : i64} {
  func.func @transp(%arg0: i32, %arg1: i32, %arg2: memref<32x1000000xf32, #tpu.memory_space<hbm>>, %arg3: memref<250000x128xf32, #tpu.memory_space<hbm>>, %arg4: memref<4x8x512xf32, #tpu.memory_space<vmem>>, %arg5: memref<4x8x512xf32, #tpu.memory_space<vmem>>, %arg6: memref<128x128xf32, #tpu.memory_space<vmem>>, %arg7: memref<128x128xf32, #tpu.memory_space<vmem>>, %arg8: memref<!tpu.dma_semaphore, #tpu.memory_space<semaphore_mem>>, %arg9: memref<!tpu.dma_semaphore, #tpu.memory_space<semaphore_mem>>, %arg10: memref<!tpu.dma_semaphore, #tpu.memory_space<semaphore_mem>>, %arg11: memref<!tpu.dma_semaphore, #tpu.memory_space<semaphore_mem>>) attributes {dimension_semantics = [#tpu.dimension_semantics<core_parallel>, #tpu.dimension_semantics<subcore_parallel>], iteration_bounds = array<i64: 2, 16>, scalar_prefetch = 0 : i64, scratch_operands = 8 : i64, tpu.core_type = #tpu.core_type<sc_vector_subcore>, window_params = [{transform_indices = #map}, {transform_indices = #map}]} {
    %mul3A = arith.constant 2 : i32
    %mul3A_0 = arith.muli %arg1, %mul3A : i32
    %add3A = arith.addi %mul3A_0, %arg0 : i32
    %iota3A = tpu.iota {dimensions = array<i32: 0>} : vector<16xi32>
    %jit3A = arith.constant 4 : i32
    %div3A = vector.broadcast %jit3A : i32 to vector<16xi32>
    %div3A_1 = arith.divsi %iota3A, %div3A : vector<16xi32>
    %sign3A = arith.constant 0 : i32
    %sign3A_2 = vector.broadcast %sign3A : i32 to vector<16xi32>
    %sign3A_3 = arith.cmpi sgt, %iota3A, %sign3A_2 : vector<16xi32>
    %sign3A_4 = arith.extui %sign3A_3 : vector<16xi1> to vector<16xi32>
    %sign3A_5 = arith.constant 0 : i32
    %sign3A_6 = vector.broadcast %sign3A_5 : i32 to vector<16xi32>
    %sign3A_7 = arith.cmpi slt, %iota3A, %sign3A_6 : vector<16xi32>
    %sign3A_8 = arith.extui %sign3A_7 : vector<16xi1> to vector<16xi32>
    %sign3A_9 = arith.subi %sign3A_4, %sign3A_8 : vector<16xi32>
    %sign3A_10 = arith.constant 0 : i32
    %sign3A_11 = arith.cmpi sgt, %jit3A, %sign3A_10 : i32
    %sign3A_12 = arith.extui %sign3A_11 : i1 to i32
    %sign3A_13 = arith.constant 0 : i32
    %sign3A_14 = arith.cmpi slt, %jit3A, %sign3A_13 : i32
    %sign3A_15 = arith.extui %sign3A_14 : i1 to i32
    %sign3A_16 = arith.subi %sign3A_12, %sign3A_15 : i32
    %ne3A = vector.broadcast %sign3A_16 : i32 to vector<16xi32>
    %ne3A_17 = arith.cmpi ne, %sign3A_9, %ne3A : vector<16xi32>
    %rem3A = vector.broadcast %jit3A : i32 to vector<16xi32>
    %rem3A_18 = arith.remsi %iota3A, %rem3A : vector<16xi32>
    %ne3A_19 = arith.constant 0 : i32
    %ne3A_20 = vector.broadcast %ne3A_19 : i32 to vector<16xi32>
    %ne3A_21 = arith.cmpi ne, %rem3A_18, %ne3A_20 : vector<16xi32>
    %and3A = arith.andi %ne3A_17, %ne3A_21 : vector<16xi1>
    %sub3A = arith.constant 1 : i32
    %sub3A_22 = vector.broadcast %sub3A : i32 to vector<16xi32>
    %sub3A_23 = arith.subi %div3A_1, %sub3A_22 : vector<16xi32>
    %select_n3A = arith.select %and3A, %sub3A_23, %div3A_1 : vector<16xi1>, vector<16xi32>
    %jit3A_24 = arith.constant 4 : i32
    %eq3A = arith.constant 0 : i32
    %eq3A_25 = arith.cmpi eq, %jit3A_24, %eq3A : i32
    %jit3A_26 = arith.constant 1 : i32
    %select_n3A_27 = arith.select %eq3A_25, %jit3A_26, %jit3A_24 : i32
    %rem3A_28 = vector.broadcast %select_n3A_27 : i32 to vector<16xi32>
    %rem3A_29 = arith.remsi %iota3A, %rem3A_28 : vector<16xi32>
    %ne3A_30 = arith.constant 0 : i32
    %ne3A_31 = vector.broadcast %ne3A_30 : i32 to vector<16xi32>
    %ne3A_32 = arith.cmpi ne, %rem3A_29, %ne3A_31 : vector<16xi32>
    %lt3A = arith.constant 0 : i32
    %lt3A_33 = vector.broadcast %lt3A : i32 to vector<16xi32>
    %lt3A_34 = arith.cmpi slt, %rem3A_29, %lt3A_33 : vector<16xi32>
    %lt3A_35 = arith.constant 0 : i32
    %lt3A_36 = arith.cmpi slt, %select_n3A_27, %lt3A_35 : i32
    %ne3A_37 = vector.broadcast %lt3A_36 : i1 to vector<16xi1>
    %ne3A_38 = vector.broadcast %ne3A_37 : vector<16xi1> to vector<16xi1>
    %ne3A_39 = arith.xori %lt3A_34, %ne3A_38 : vector<16xi1>
    %and3A_40 = arith.andi %ne3A_39, %ne3A_32 : vector<16xi1>
    %add3A_41 = vector.broadcast %select_n3A_27 : i32 to vector<16xi32>
    %add3A_42 = arith.addi %rem3A_29, %add3A_41 : vector<16xi32>
    %select_n3A_43 = arith.select %and3A_40, %add3A_42, %rem3A_29 : vector<16xi1>, vector<16xi32>
    %mul3A_44 = arith.constant 32 : i32
    %mul3A_45 = vector.broadcast %mul3A_44 : i32 to vector<16xi32>
    %mul3A_46 = arith.muli %mul3A_45, %select_n3A_43 : vector<16xi32>
    %add3A_47 = arith.constant 0 : i32
    %add3A_48 = arith.addi %add3A, %add3A_47 : i32
    %lt3A_49 = arith.constant 1953 : i32
    %lt3A_50 = arith.cmpi slt, %add3A_48, %lt3A_49 : i32
    %convert_element_type3A = arith.extui %lt3A_50 : i1 to i32
    %cond3A = arith.constant 0 : i32
    %cond3A_51 = arith.cmpi ne, %convert_element_type3A, %cond3A : i32
    scf.if %cond3A_51 {
      %mul3A_78 = arith.constant 512 : i32
      %mul3A_79 = arith.muli %add3A_48, %mul3A_78 : i32
      %dma_start3A = arith.constant 0 : i32
      %dma_start3A_80 = arith.constant 0 : i32
      %dma_start3A_81 = arith.constant 0 : i32
      %dma_start3A_82 = tpu.memref_slice %arg4[%dma_start3A, %dma_start3A_80, %dma_start3A_81] : memref<4x8x512xf32, #tpu.memory_space<vmem>> -> memref<1x8x512xf32, #tpu.memory_space<vmem>>
      %dma_start3A_83 = tpu.memref_squeeze %dma_start3A_82 : memref<1x8x512xf32, #tpu.memory_space<vmem>> -> memref<8x512xf32, #tpu.memory_space<vmem>>
      %dma_start3A_84 = arith.constant 0 : i32
      %dma_start3A_85 = tpu.memref_slice %arg2[%dma_start3A_84, %mul3A_79] : memref<32x1000000xf32, #tpu.memory_space<hbm>> -> memref<8x512xf32, #tpu.memory_space<hbm>>
      %dma_start3A_86 = arith.constant 0 : i32
      %dma_start3A_87 = arith.constant 0 : i32
      %dma_start3A_88 = tpu.memref_slice %arg4[%dma_start3A, %dma_start3A_86, %dma_start3A_87] : memref<4x8x512xf32, #tpu.memory_space<vmem>> -> memref<1x8x512xf32, #tpu.memory_space<vmem>>
      %dma_start3A_89 = tpu.memref_squeeze %dma_start3A_88 : memref<1x8x512xf32, #tpu.memory_space<vmem>> -> memref<8x512xf32, #tpu.memory_space<vmem>>
      %dma_start3A_90 = arith.constant 0 : i32
      %dma_start3A_91 = tpu.memref_slice %arg2[%dma_start3A_90, %mul3A_79] : memref<32x1000000xf32, #tpu.memory_space<hbm>> -> memref<8x512xf32, #tpu.memory_space<hbm>>
      tpu.enqueue_dma source(%dma_start3A_91 : memref<8x512xf32, #tpu.memory_space<hbm>>) target(%dma_start3A_89 : memref<8x512xf32, #tpu.memory_space<vmem>>) target_semaphore(%arg8 : memref<!tpu.dma_semaphore, #tpu.memory_space<semaphore_mem>>)
      %mul3A_92 = arith.constant 512 : i32
      %mul3A_93 = arith.muli %add3A_48, %mul3A_92 : i32
      %dma_start3A_94 = arith.constant 1 : i32
      %dma_start3A_95 = arith.constant 0 : i32
      %dma_start3A_96 = arith.constant 0 : i32
      %dma_start3A_97 = tpu.memref_slice %arg4[%dma_start3A_94, %dma_start3A_95, %dma_start3A_96] : memref<4x8x512xf32, #tpu.memory_space<vmem>> -> memref<1x8x512xf32, #tpu.memory_space<vmem>>
      %dma_start3A_98 = tpu.memref_squeeze %dma_start3A_97 : memref<1x8x512xf32, #tpu.memory_space<vmem>> -> memref<8x512xf32, #tpu.memory_space<vmem>>
      %dma_start3A_99 = arith.constant 8 : i32
      %dma_start3A_100 = tpu.memref_slice %arg2[%dma_start3A_99, %mul3A_93] : memref<32x1000000xf32, #tpu.memory_space<hbm>> -> memref<8x512xf32, #tpu.memory_space<hbm>>
      %dma_start3A_101 = arith.constant 0 : i32
      %dma_start3A_102 = arith.constant 0 : i32
      %dma_start3A_103 = tpu.memref_slice %arg4[%dma_start3A_94, %dma_start3A_101, %dma_start3A_102] : memref<4x8x512xf32, #tpu.memory_space<vmem>> -> memref<1x8x512xf32, #tpu.memory_space<vmem>>
      %dma_start3A_104 = tpu.memref_squeeze %dma_start3A_103 : memref<1x8x512xf32, #tpu.memory_space<vmem>> -> memref<8x512xf32, #tpu.memory_space<vmem>>
      %dma_start3A_105 = arith.constant 8 : i32
      %dma_start3A_106 = tpu.memref_slice %arg2[%dma_start3A_105, %mul3A_93] : memref<32x1000000xf32, #tpu.memory_space<hbm>> -> memref<8x512xf32, #tpu.memory_space<hbm>>
      tpu.enqueue_dma source(%dma_start3A_106 : memref<8x512xf32, #tpu.memory_space<hbm>>) target(%dma_start3A_104 : memref<8x512xf32, #tpu.memory_space<vmem>>) target_semaphore(%arg8 : memref<!tpu.dma_semaphore, #tpu.memory_space<semaphore_mem>>)
      %mul3A_107 = arith.constant 512 : i32
      %mul3A_108 = arith.muli %add3A_48, %mul3A_107 : i32
      %dma_start3A_109 = arith.constant 2 : i32
      %dma_start3A_110 = arith.constant 0 : i32
      %dma_start3A_111 = arith.constant 0 : i32
      %dma_start3A_112 = tpu.memref_slice %arg4[%dma_start3A_109, %dma_start3A_110, %dma_start3A_111] : memref<4x8x512xf32, #tpu.memory_space<vmem>> -> memref<1x8x512xf32, #tpu.memory_space<vmem>>
      %dma_start3A_113 = tpu.memref_squeeze %dma_start3A_112 : memref<1x8x512xf32, #tpu.memory_space<vmem>> -> memref<8x512xf32, #tpu.memory_space<vmem>>
      %dma_start3A_114 = arith.constant 16 : i32
      %dma_start3A_115 = tpu.memref_slice %arg2[%dma_start3A_114, %mul3A_108] : memref<32x1000000xf32, #tpu.memory_space<hbm>> -> memref<8x512xf32, #tpu.memory_space<hbm>>
      %dma_start3A_116 = arith.constant 0 : i32
      %dma_start3A_117 = arith.constant 0 : i32
      %dma_start3A_118 = tpu.memref_slice %arg4[%dma_start3A_109, %dma_start3A_116, %dma_start3A_117] : memref<4x8x512xf32, #tpu.memory_space<vmem>> -> memref<1x8x512xf32, #tpu.memory_space<vmem>>
      %dma_start3A_119 = tpu.memref_squeeze %dma_start3A_118 : memref<1x8x512xf32, #tpu.memory_space<vmem>> -> memref<8x512xf32, #tpu.memory_space<vmem>>
      %dma_start3A_120 = arith.constant 16 : i32
      %dma_start3A_121 = tpu.memref_slice %arg2[%dma_start3A_120, %mul3A_108] : memref<32x1000000xf32, #tpu.memory_space<hbm>> -> memref<8x512xf32, #tpu.memory_space<hbm>>
      tpu.enqueue_dma source(%dma_start3A_121 : memref<8x512xf32, #tpu.memory_space<hbm>>) target(%dma_start3A_119 : memref<8x512xf32, #tpu.memory_space<vmem>>) target_semaphore(%arg8 : memref<!tpu.dma_semaphore, #tpu.memory_space<semaphore_mem>>)
      %mul3A_122 = arith.constant 512 : i32
      %mul3A_123 = arith.muli %add3A_48, %mul3A_122 : i32
      %dma_start3A_124 = arith.constant 3 : i32
      %dma_start3A_125 = arith.constant 0 : i32
      %dma_start3A_126 = arith.constant 0 : i32
      %dma_start3A_127 = tpu.memref_slice %arg4[%dma_start3A_124, %dma_start3A_125, %dma_start3A_126] : memref<4x8x512xf32, #tpu.memory_space<vmem>> -> memref<1x8x512xf32, #tpu.memory_space<vmem>>
      %dma_start3A_128 = tpu.memref_squeeze %dma_start3A_127 : memref<1x8x512xf32, #tpu.memory_space<vmem>> -> memref<8x512xf32, #tpu.memory_space<vmem>>
      %dma_start3A_129 = arith.constant 24 : i32
      %dma_start3A_130 = tpu.memref_slice %arg2[%dma_start3A_129, %mul3A_123] : memref<32x1000000xf32, #tpu.memory_space<hbm>> -> memref<8x512xf32, #tpu.memory_space<hbm>>
      %dma_start3A_131 = arith.constant 0 : i32
      %dma_start3A_132 = arith.constant 0 : i32
      %dma_start3A_133 = tpu.memref_slice %arg4[%dma_start3A_124, %dma_start3A_131, %dma_start3A_132] : memref<4x8x512xf32, #tpu.memory_space<vmem>> -> memref<1x8x512xf32, #tpu.memory_space<vmem>>
      %dma_start3A_134 = tpu.memref_squeeze %dma_start3A_133 : memref<1x8x512xf32, #tpu.memory_space<vmem>> -> memref<8x512xf32, #tpu.memory_space<vmem>>
      %dma_start3A_135 = arith.constant 24 : i32
      %dma_start3A_136 = tpu.memref_slice %arg2[%dma_start3A_135, %mul3A_123] : memref<32x1000000xf32, #tpu.memory_space<hbm>> -> memref<8x512xf32, #tpu.memory_space<hbm>>
      tpu.enqueue_dma source(%dma_start3A_136 : memref<8x512xf32, #tpu.memory_space<hbm>>) target(%dma_start3A_134 : memref<8x512xf32, #tpu.memory_space<vmem>>) target_semaphore(%arg8 : memref<!tpu.dma_semaphore, #tpu.memory_space<semaphore_mem>>)
    } else {
    }
    %add3A_52 = arith.constant 32 : i32
    %add3A_53 = arith.addi %add3A, %add3A_52 : i32
    %lt3A_54 = arith.constant 1953 : i32
    %lt3A_55 = arith.cmpi slt, %add3A_53, %lt3A_54 : i32
    %convert_element_type3A_56 = arith.extui %lt3A_55 : i1 to i32
    %cond3A_57 = arith.constant 0 : i32
    %cond3A_58 = arith.cmpi ne, %convert_element_type3A_56, %cond3A_57 : i32
    scf.if %cond3A_58 {
      %mul3A_78 = arith.constant 512 : i32
      %mul3A_79 = arith.muli %add3A_53, %mul3A_78 : i32
      %dma_start3A = arith.constant 0 : i32
      %dma_start3A_80 = arith.constant 0 : i32
      %dma_start3A_81 = arith.constant 0 : i32
      %dma_start3A_82 = tpu.memref_slice %arg5[%dma_start3A, %dma_start3A_80, %dma_start3A_81] : memref<4x8x512xf32, #tpu.memory_space<vmem>> -> memref<1x8x512xf32, #tpu.memory_space<vmem>>
      %dma_start3A_83 = tpu.memref_squeeze %dma_start3A_82 : memref<1x8x512xf32, #tpu.memory_space<vmem>> -> memref<8x512xf32, #tpu.memory_space<vmem>>
      %dma_start3A_84 = arith.constant 0 : i32
      %dma_start3A_85 = tpu.memref_slice %arg2[%dma_start3A_84, %mul3A_79] : memref<32x1000000xf32, #tpu.memory_space<hbm>> -> memref<8x512xf32, #tpu.memory_space<hbm>>
      %dma_start3A_86 = arith.constant 0 : i32
      %dma_start3A_87 = arith.constant 0 : i32
      %dma_start3A_88 = tpu.memref_slice %arg5[%dma_start3A, %dma_start3A_86, %dma_start3A_87] : memref<4x8x512xf32, #tpu.memory_space<vmem>> -> memref<1x8x512xf32, #tpu.memory_space<vmem>>
      %dma_start3A_89 = tpu.memref_squeeze %dma_start3A_88 : memref<1x8x512xf32, #tpu.memory_space<vmem>> -> memref<8x512xf32, #tpu.memory_space<vmem>>
      %dma_start3A_90 = arith.constant 0 : i32
      %dma_start3A_91 = tpu.memref_slice %arg2[%dma_start3A_90, %mul3A_79] : memref<32x1000000xf32, #tpu.memory_space<hbm>> -> memref<8x512xf32, #tpu.memory_space<hbm>>
      tpu.enqueue_dma source(%dma_start3A_91 : memref<8x512xf32, #tpu.memory_space<hbm>>) target(%dma_start3A_89 : memref<8x512xf32, #tpu.memory_space<vmem>>) target_semaphore(%arg9 : memref<!tpu.dma_semaphore, #tpu.memory_space<semaphore_mem>>)
      %mul3A_92 = arith.constant 512 : i32
      %mul3A_93 = arith.muli %add3A_53, %mul3A_92 : i32
      %dma_start3A_94 = arith.constant 1 : i32
      %dma_start3A_95 = arith.constant 0 : i32
      %dma_start3A_96 = arith.constant 0 : i32
      %dma_start3A_97 = tpu.memref_slice %arg5[%dma_start3A_94, %dma_start3A_95, %dma_start3A_96] : memref<4x8x512xf32, #tpu.memory_space<vmem>> -> memref<1x8x512xf32, #tpu.memory_space<vmem>>
      %dma_start3A_98 = tpu.memref_squeeze %dma_start3A_97 : memref<1x8x512xf32, #tpu.memory_space<vmem>> -> memref<8x512xf32, #tpu.memory_space<vmem>>
      %dma_start3A_99 = arith.constant 8 : i32
      %dma_start3A_100 = tpu.memref_slice %arg2[%dma_start3A_99, %mul3A_93] : memref<32x1000000xf32, #tpu.memory_space<hbm>> -> memref<8x512xf32, #tpu.memory_space<hbm>>
      %dma_start3A_101 = arith.constant 0 : i32
      %dma_start3A_102 = arith.constant 0 : i32
      %dma_start3A_103 = tpu.memref_slice %arg5[%dma_start3A_94, %dma_start3A_101, %dma_start3A_102] : memref<4x8x512xf32, #tpu.memory_space<vmem>> -> memref<1x8x512xf32, #tpu.memory_space<vmem>>
      %dma_start3A_104 = tpu.memref_squeeze %dma_start3A_103 : memref<1x8x512xf32, #tpu.memory_space<vmem>> -> memref<8x512xf32, #tpu.memory_space<vmem>>
      %dma_start3A_105 = arith.constant 8 : i32
      %dma_start3A_106 = tpu.memref_slice %arg2[%dma_start3A_105, %mul3A_93] : memref<32x1000000xf32, #tpu.memory_space<hbm>> -> memref<8x512xf32, #tpu.memory_space<hbm>>
      tpu.enqueue_dma source(%dma_start3A_106 : memref<8x512xf32, #tpu.memory_space<hbm>>) target(%dma_start3A_104 : memref<8x512xf32, #tpu.memory_space<vmem>>) target_semaphore(%arg9 : memref<!tpu.dma_semaphore, #tpu.memory_space<semaphore_mem>>)
      %mul3A_107 = arith.constant 512 : i32
      %mul3A_108 = arith.muli %add3A_53, %mul3A_107 : i32
      %dma_start3A_109 = arith.constant 2 : i32
      %dma_start3A_110 = arith.constant 0 : i32
      %dma_start3A_111 = arith.constant 0 : i32
      %dma_start3A_112 = tpu.memref_slice %arg5[%dma_start3A_109, %dma_start3A_110, %dma_start3A_111] : memref<4x8x512xf32, #tpu.memory_space<vmem>> -> memref<1x8x512xf32, #tpu.memory_space<vmem>>
      %dma_start3A_113 = tpu.memref_squeeze %dma_start3A_112 : memref<1x8x512xf32, #tpu.memory_space<vmem>> -> memref<8x512xf32, #tpu.memory_space<vmem>>
      %dma_start3A_114 = arith.constant 16 : i32
      %dma_start3A_115 = tpu.memref_slice %arg2[%dma_start3A_114, %mul3A_108] : memref<32x1000000xf32, #tpu.memory_space<hbm>> -> memref<8x512xf32, #tpu.memory_space<hbm>>
      %dma_start3A_116 = arith.constant 0 : i32
      %dma_start3A_117 = arith.constant 0 : i32
      %dma_start3A_118 = tpu.memref_slice %arg5[%dma_start3A_109, %dma_start3A_116, %dma_start3A_117] : memref<4x8x512xf32, #tpu.memory_space<vmem>> -> memref<1x8x512xf32, #tpu.memory_space<vmem>>
      %dma_start3A_119 = tpu.memref_squeeze %dma_start3A_118 : memref<1x8x512xf32, #tpu.memory_space<vmem>> -> memref<8x512xf32, #tpu.memory_space<vmem>>
      %dma_start3A_120 = arith.constant 16 : i32
      %dma_start3A_121 = tpu.memref_slice %arg2[%dma_start3A_120, %mul3A_108] : memref<32x1000000xf32, #tpu.memory_space<hbm>> -> memref<8x512xf32, #tpu.memory_space<hbm>>
      tpu.enqueue_dma source(%dma_start3A_121 : memref<8x512xf32, #tpu.memory_space<hbm>>) target(%dma_start3A_119 : memref<8x512xf32, #tpu.memory_space<vmem>>) target_semaphore(%arg9 : memref<!tpu.dma_semaphore, #tpu.memory_space<semaphore_mem>>)
      %mul3A_122 = arith.constant 512 : i32
      %mul3A_123 = arith.muli %add3A_53, %mul3A_122 : i32
      %dma_start3A_124 = arith.constant 3 : i32
      %dma_start3A_125 = arith.constant 0 : i32
      %dma_start3A_126 = arith.constant 0 : i32
      %dma_start3A_127 = tpu.memref_slice %arg5[%dma_start3A_124, %dma_start3A_125, %dma_start3A_126] : memref<4x8x512xf32, #tpu.memory_space<vmem>> -> memref<1x8x512xf32, #tpu.memory_space<vmem>>
      %dma_start3A_128 = tpu.memref_squeeze %dma_start3A_127 : memref<1x8x512xf32, #tpu.memory_space<vmem>> -> memref<8x512xf32, #tpu.memory_space<vmem>>
      %dma_start3A_129 = arith.constant 24 : i32
      %dma_start3A_130 = tpu.memref_slice %arg2[%dma_start3A_129, %mul3A_123] : memref<32x1000000xf32, #tpu.memory_space<hbm>> -> memref<8x512xf32, #tpu.memory_space<hbm>>
      %dma_start3A_131 = arith.constant 0 : i32
      %dma_start3A_132 = arith.constant 0 : i32
      %dma_start3A_133 = tpu.memref_slice %arg5[%dma_start3A_124, %dma_start3A_131, %dma_start3A_132] : memref<4x8x512xf32, #tpu.memory_space<vmem>> -> memref<1x8x512xf32, #tpu.memory_space<vmem>>
      %dma_start3A_134 = tpu.memref_squeeze %dma_start3A_133 : memref<1x8x512xf32, #tpu.memory_space<vmem>> -> memref<8x512xf32, #tpu.memory_space<vmem>>
      %dma_start3A_135 = arith.constant 24 : i32
      %dma_start3A_136 = tpu.memref_slice %arg2[%dma_start3A_135, %mul3A_123] : memref<32x1000000xf32, #tpu.memory_space<hbm>> -> memref<8x512xf32, #tpu.memory_space<hbm>>
      tpu.enqueue_dma source(%dma_start3A_136 : memref<8x512xf32, #tpu.memory_space<hbm>>) target(%dma_start3A_134 : memref<8x512xf32, #tpu.memory_space<vmem>>) target_semaphore(%arg9 : memref<!tpu.dma_semaphore, #tpu.memory_space<semaphore_mem>>)
    } else {
    }
    %scan3A = arith.constant 0 : i32
    %scan3A_59 = arith.constant 0 : i32
    %scan3A_60 = arith.constant 31 : i32
    %scan3A_61 = arith.addi %scan3A_59, %scan3A_60 : i32
    %scan3A_62 = arith.constant 1 : i32
    scf.for %scan3A_78 = %scan3A_59 to %scan3A_61 step %scan3A_62  : i32 {
      %mul3A_79 = arith.constant 2 : i32
      %mul3A_80 = arith.muli %mul3A_79, %scan3A_78 : i32
      %add3A_81 = arith.constant 0 : i32
      %add3A_82 = arith.addi %mul3A_80, %add3A_81 : i32
      %lt3A_83 = arith.constant 62 : i32
      %lt3A_84 = arith.cmpi slt, %add3A_82, %lt3A_83 : i32
      %convert_element_type3A_85 = arith.extui %lt3A_84 : i1 to i32
      %cond3A_86 = arith.constant 0 : i32
      %cond3A_87 = arith.cmpi ne, %convert_element_type3A_85, %cond3A_86 : i32
      scf.if %cond3A_87 {
        %ge3A = arith.constant 2 : i32
        %ge3A_97 = arith.cmpi sge, %add3A_82, %ge3A : i32
        %sub3A_98 = arith.constant 2 : i32
        %sub3A_99 = arith.subi %add3A_82, %sub3A_98 : i32
        %mul3A_100 = arith.constant 32 : i32
        %mul3A_101 = arith.muli %sub3A_99, %mul3A_100 : i32
        %add3A_102 = arith.addi %add3A, %mul3A_101 : i32
        %lt3A_103 = arith.constant 1953 : i32
        %lt3A_104 = arith.cmpi slt, %add3A_102, %lt3A_103 : i32
        %and3A_105 = arith.andi %ge3A_97, %lt3A_104 : i1
        %convert_element_type3A_106 = arith.extui %and3A_105 : i1 to i32
        %cond3A_107 = arith.constant 0 : i32
        %cond3A_108 = arith.cmpi ne, %convert_element_type3A_106, %cond3A_107 : i32
        scf.if %cond3A_108 {
          %sub3A_127 = arith.constant 2 : i32
          %sub3A_128 = arith.subi %add3A_82, %sub3A_127 : i32
          %mul3A_129 = arith.constant 32 : i32
          %mul3A_130 = arith.muli %sub3A_128, %mul3A_129 : i32
          %add3A_131 = arith.addi %add3A, %mul3A_130 : i32
          %mul3A_132 = arith.constant 128 : i32
          %mul3A_133 = arith.muli %add3A_131, %mul3A_132 : i32
          %dma_wait3A = arith.constant 0 : i32
          %dma_wait3A_134 = tpu.memref_slice %arg3[%mul3A_133, %dma_wait3A] : memref<250000x128xf32, #tpu.memory_space<hbm>> -> memref<128x128xf32, #tpu.memory_space<hbm>>
          %dma_wait3A_135 = arith.constant 0 : i32
          %dma_wait3A_136 = tpu.memref_slice %arg3[%mul3A_133, %dma_wait3A_135] : memref<250000x128xf32, #tpu.memory_space<hbm>> -> memref<128x128xf32, #tpu.memory_space<hbm>>
          tpu.wait_dma2 semaphore(%arg10 : memref<!tpu.dma_semaphore, #tpu.memory_space<semaphore_mem>>) src(%arg6 : memref<128x128xf32, #tpu.memory_space<vmem>>) dst(%dma_wait3A_136 : memref<128x128xf32, #tpu.memory_space<hbm>>)
        } else {
        }
        %mul3A_109 = arith.constant 32 : i32
        %mul3A_110 = arith.muli %add3A_82, %mul3A_109 : i32
        %add3A_111 = arith.addi %add3A, %mul3A_110 : i32
        %lt3A_112 = arith.constant 1953 : i32
        %lt3A_113 = arith.cmpi slt, %add3A_111, %lt3A_112 : i32
        %convert_element_type3A_114 = arith.extui %lt3A_113 : i1 to i32
        %cond3A_115 = arith.constant 0 : i32
        %cond3A_116 = arith.cmpi ne, %convert_element_type3A_114, %cond3A_115 : i32
        scf.if %cond3A_116 {
          %mul3A_127 = arith.constant 32 : i32
          %mul3A_128 = arith.muli %add3A_82, %mul3A_127 : i32
          %add3A_129 = arith.addi %add3A, %mul3A_128 : i32
          %mul3A_130 = arith.constant 512 : i32
          %mul3A_131 = arith.muli %add3A_129, %mul3A_130 : i32
          %dma_wait3A = arith.constant 0 : i32
          %dma_wait3A_132 = arith.constant 0 : i32
          %dma_wait3A_133 = arith.constant 0 : i32
          %dma_wait3A_134 = tpu.memref_slice %arg4[%dma_wait3A, %dma_wait3A_132, %dma_wait3A_133] : memref<4x8x512xf32, #tpu.memory_space<vmem>> -> memref<1x8x512xf32, #tpu.memory_space<vmem>>
          %dma_wait3A_135 = tpu.memref_squeeze %dma_wait3A_134 : memref<1x8x512xf32, #tpu.memory_space<vmem>> -> memref<8x512xf32, #tpu.memory_space<vmem>>
          %dma_wait3A_136 = arith.constant 0 : i32
          %dma_wait3A_137 = tpu.memref_slice %arg2[%dma_wait3A_136, %mul3A_131] : memref<32x1000000xf32, #tpu.memory_space<hbm>> -> memref<8x512xf32, #tpu.memory_space<hbm>>
          %dma_wait3A_138 = arith.constant 0 : i32
          %dma_wait3A_139 = arith.constant 0 : i32
          %dma_wait3A_140 = tpu.memref_slice %arg4[%dma_wait3A, %dma_wait3A_138, %dma_wait3A_139] : memref<4x8x512xf32, #tpu.memory_space<vmem>> -> memref<1x8x512xf32, #tpu.memory_space<vmem>>
          %dma_wait3A_141 = tpu.memref_squeeze %dma_wait3A_140 : memref<1x8x512xf32, #tpu.memory_space<vmem>> -> memref<8x512xf32, #tpu.memory_space<vmem>>
          %dma_wait3A_142 = arith.constant 0 : i32
          %dma_wait3A_143 = tpu.memref_slice %arg2[%dma_wait3A_142, %mul3A_131] : memref<32x1000000xf32, #tpu.memory_space<hbm>> -> memref<8x512xf32, #tpu.memory_space<hbm>>
          tpu.wait_dma2 semaphore(%arg8 : memref<!tpu.dma_semaphore, #tpu.memory_space<semaphore_mem>>) src(%dma_wait3A_143 : memref<8x512xf32, #tpu.memory_space<hbm>>) dst(%dma_wait3A_141 : memref<8x512xf32, #tpu.memory_space<vmem>>)
          %mul3A_144 = arith.constant 512 : i32
          %mul3A_145 = arith.muli %add3A_129, %mul3A_144 : i32
          %dma_wait3A_146 = arith.constant 1 : i32
          %dma_wait3A_147 = arith.constant 0 : i32
          %dma_wait3A_148 = arith.constant 0 : i32
          %dma_wait3A_149 = tpu.memref_slice %arg4[%dma_wait3A_146, %dma_wait3A_147, %dma_wait3A_148] : memref<4x8x512xf32, #tpu.memory_space<vmem>> -> memref<1x8x512xf32, #tpu.memory_space<vmem>>
          %dma_wait3A_150 = tpu.memref_squeeze %dma_wait3A_149 : memref<1x8x512xf32, #tpu.memory_space<vmem>> -> memref<8x512xf32, #tpu.memory_space<vmem>>
          %dma_wait3A_151 = arith.constant 8 : i32
          %dma_wait3A_152 = tpu.memref_slice %arg2[%dma_wait3A_151, %mul3A_145] : memref<32x1000000xf32, #tpu.memory_space<hbm>> -> memref<8x512xf32, #tpu.memory_space<hbm>>
          %dma_wait3A_153 = arith.constant 0 : i32
          %dma_wait3A_154 = arith.constant 0 : i32
          %dma_wait3A_155 = tpu.memref_slice %arg4[%dma_wait3A_146, %dma_wait3A_153, %dma_wait3A_154] : memref<4x8x512xf32, #tpu.memory_space<vmem>> -> memref<1x8x512xf32, #tpu.memory_space<vmem>>
          %dma_wait3A_156 = tpu.memref_squeeze %dma_wait3A_155 : memref<1x8x512xf32, #tpu.memory_space<vmem>> -> memref<8x512xf32, #tpu.memory_space<vmem>>
          %dma_wait3A_157 = arith.constant 8 : i32
          %dma_wait3A_158 = tpu.memref_slice %arg2[%dma_wait3A_157, %mul3A_145] : memref<32x1000000xf32, #tpu.memory_space<hbm>> -> memref<8x512xf32, #tpu.memory_space<hbm>>
          tpu.wait_dma2 semaphore(%arg8 : memref<!tpu.dma_semaphore, #tpu.memory_space<semaphore_mem>>) src(%dma_wait3A_158 : memref<8x512xf32, #tpu.memory_space<hbm>>) dst(%dma_wait3A_156 : memref<8x512xf32, #tpu.memory_space<vmem>>)
          %mul3A_159 = arith.constant 512 : i32
          %mul3A_160 = arith.muli %add3A_129, %mul3A_159 : i32
          %dma_wait3A_161 = arith.constant 2 : i32
          %dma_wait3A_162 = arith.constant 0 : i32
          %dma_wait3A_163 = arith.constant 0 : i32
          %dma_wait3A_164 = tpu.memref_slice %arg4[%dma_wait3A_161, %dma_wait3A_162, %dma_wait3A_163] : memref<4x8x512xf32, #tpu.memory_space<vmem>> -> memref<1x8x512xf32, #tpu.memory_space<vmem>>
          %dma_wait3A_165 = tpu.memref_squeeze %dma_wait3A_164 : memref<1x8x512xf32, #tpu.memory_space<vmem>> -> memref<8x512xf32, #tpu.memory_space<vmem>>
          %dma_wait3A_166 = arith.constant 16 : i32
          %dma_wait3A_167 = tpu.memref_slice %arg2[%dma_wait3A_166, %mul3A_160] : memref<32x1000000xf32, #tpu.memory_space<hbm>> -> memref<8x512xf32, #tpu.memory_space<hbm>>
          %dma_wait3A_168 = arith.constant 0 : i32
          %dma_wait3A_169 = arith.constant 0 : i32
          %dma_wait3A_170 = tpu.memref_slice %arg4[%dma_wait3A_161, %dma_wait3A_168, %dma_wait3A_169] : memref<4x8x512xf32, #tpu.memory_space<vmem>> -> memref<1x8x512xf32, #tpu.memory_space<vmem>>
          %dma_wait3A_171 = tpu.memref_squeeze %dma_wait3A_170 : memref<1x8x512xf32, #tpu.memory_space<vmem>> -> memref<8x512xf32, #tpu.memory_space<vmem>>
          %dma_wait3A_172 = arith.constant 16 : i32
          %dma_wait3A_173 = tpu.memref_slice %arg2[%dma_wait3A_172, %mul3A_160] : memref<32x1000000xf32, #tpu.memory_space<hbm>> -> memref<8x512xf32, #tpu.memory_space<hbm>>
          tpu.wait_dma2 semaphore(%arg8 : memref<!tpu.dma_semaphore, #tpu.memory_space<semaphore_mem>>) src(%dma_wait3A_173 : memref<8x512xf32, #tpu.memory_space<hbm>>) dst(%dma_wait3A_171 : memref<8x512xf32, #tpu.memory_space<vmem>>)
          %mul3A_174 = arith.constant 512 : i32
          %mul3A_175 = arith.muli %add3A_129, %mul3A_174 : i32
          %dma_wait3A_176 = arith.constant 3 : i32
          %dma_wait3A_177 = arith.constant 0 : i32
          %dma_wait3A_178 = arith.constant 0 : i32
          %dma_wait3A_179 = tpu.memref_slice %arg4[%dma_wait3A_176, %dma_wait3A_177, %dma_wait3A_178] : memref<4x8x512xf32, #tpu.memory_space<vmem>> -> memref<1x8x512xf32, #tpu.memory_space<vmem>>
          %dma_wait3A_180 = tpu.memref_squeeze %dma_wait3A_179 : memref<1x8x512xf32, #tpu.memory_space<vmem>> -> memref<8x512xf32, #tpu.memory_space<vmem>>
          %dma_wait3A_181 = arith.constant 24 : i32
          %dma_wait3A_182 = tpu.memref_slice %arg2[%dma_wait3A_181, %mul3A_175] : memref<32x1000000xf32, #tpu.memory_space<hbm>> -> memref<8x512xf32, #tpu.memory_space<hbm>>
          %dma_wait3A_183 = arith.constant 0 : i32
          %dma_wait3A_184 = arith.constant 0 : i32
          %dma_wait3A_185 = tpu.memref_slice %arg4[%dma_wait3A_176, %dma_wait3A_183, %dma_wait3A_184] : memref<4x8x512xf32, #tpu.memory_space<vmem>> -> memref<1x8x512xf32, #tpu.memory_space<vmem>>
          %dma_wait3A_186 = tpu.memref_squeeze %dma_wait3A_185 : memref<1x8x512xf32, #tpu.memory_space<vmem>> -> memref<8x512xf32, #tpu.memory_space<vmem>>
          %dma_wait3A_187 = arith.constant 24 : i32
          %dma_wait3A_188 = tpu.memref_slice %arg2[%dma_wait3A_187, %mul3A_175] : memref<32x1000000xf32, #tpu.memory_space<hbm>> -> memref<8x512xf32, #tpu.memory_space<hbm>>
          tpu.wait_dma2 semaphore(%arg8 : memref<!tpu.dma_semaphore, #tpu.memory_space<semaphore_mem>>) src(%dma_wait3A_188 : memref<8x512xf32, #tpu.memory_space<hbm>>) dst(%dma_wait3A_186 : memref<8x512xf32, #tpu.memory_space<vmem>>)
          %scan3A_189 = arith.constant 0 : i32
          %scan3A_190 = arith.constant 0 : i32
          %scan3A_191 = arith.constant 32 : i32
          %scan3A_192 = arith.addi %scan3A_190, %scan3A_191 : i32
          %scan3A_193 = arith.constant 1 : i32
          scf.for %scan3A_203 = %scan3A_190 to %scan3A_192 step %scan3A_193  : i32 {
            %mul3A_204 = arith.constant 4 : i32
            %mul3A_205 = arith.muli %mul3A_204, %scan3A_203 : i32
            %add3A_206 = vector.broadcast %mul3A_205 : i32 to vector<16xi32>
            %add3A_207 = arith.addi %select_n3A, %add3A_206 : vector<16xi32>
            %mul3A_208 = arith.constant 16 : i32
            %mul3A_209 = arith.muli %mul3A_208, %scan3A_203 : i32
            %get3A = arith.constant 0 : i32
            %get3A_210 = arith.constant 0 : i32
            %get3A_211 = arith.index_cast %get3A : i32 to index
            %get3A_212 = arith.index_cast %get3A_210 : i32 to index
            %get3A_213 = arith.index_cast %mul3A_209 : i32 to index
            %get3A_214 = tpu.vector_load %arg4[%get3A_211, %get3A_212, %get3A_213] {strides = array<i32>} : memref<4x8x512xf32, #tpu.memory_space<vmem>>, vector<16xf32>,
            %mul3A_215 = arith.constant 16 : i32
            %mul3A_216 = arith.muli %mul3A_215, %scan3A_203 : i32
            %get3A_217 = arith.constant 0 : i32
            %get3A_218 = arith.constant 1 : i32
            %get3A_219 = arith.index_cast %get3A_217 : i32 to index
            %get3A_220 = arith.index_cast %get3A_218 : i32 to index
            %get3A_221 = arith.index_cast %mul3A_216 : i32 to index
            %get3A_222 = tpu.vector_load %arg4[%get3A_219, %get3A_220, %get3A_221] {strides = array<i32>} : memref<4x8x512xf32, #tpu.memory_space<vmem>>, vector<16xf32>,
            %mul3A_223 = arith.constant 16 : i32
            %mul3A_224 = arith.muli %mul3A_223, %scan3A_203 : i32
            %get3A_225 = arith.constant 0 : i32
            %get3A_226 = arith.constant 2 : i32
            %get3A_227 = arith.index_cast %get3A_225 : i32 to index
            %get3A_228 = arith.index_cast %get3A_226 : i32 to index
            %get3A_229 = arith.index_cast %mul3A_224 : i32 to index
            %get3A_230 = tpu.vector_load %arg4[%get3A_227, %get3A_228, %get3A_229] {strides = array<i32>} : memref<4x8x512xf32, #tpu.memory_space<vmem>>, vector<16xf32>,
            %mul3A_231 = arith.constant 16 : i32
            %mul3A_232 = arith.muli %mul3A_231, %scan3A_203 : i32
            %get3A_233 = arith.constant 0 : i32
            %get3A_234 = arith.constant 3 : i32
            %get3A_235 = arith.index_cast %get3A_233 : i32 to index
            %get3A_236 = arith.index_cast %get3A_234 : i32 to index
            %get3A_237 = arith.index_cast %mul3A_232 : i32 to index
            %get3A_238 = tpu.vector_load %arg4[%get3A_235, %get3A_236, %get3A_237] {strides = array<i32>} : memref<4x8x512xf32, #tpu.memory_space<vmem>>, vector<16xf32>,
            %mul3A_239 = arith.constant 16 : i32
            %mul3A_240 = arith.muli %mul3A_239, %scan3A_203 : i32
            %get3A_241 = arith.constant 0 : i32
            %get3A_242 = arith.constant 4 : i32
            %get3A_243 = arith.index_cast %get3A_241 : i32 to index
            %get3A_244 = arith.index_cast %get3A_242 : i32 to index
            %get3A_245 = arith.index_cast %mul3A_240 : i32 to index
            %get3A_246 = tpu.vector_load %arg4[%get3A_243, %get3A_244, %get3A_245] {strides = array<i32>} : memref<4x8x512xf32, #tpu.memory_space<vmem>>, vector<16xf32>,
            %mul3A_247 = arith.constant 16 : i32
            %mul3A_248 = arith.muli %mul3A_247, %scan3A_203 : i32
            %get3A_249 = arith.constant 0 : i32
            %get3A_250 = arith.constant 5 : i32
            %get3A_251 = arith.index_cast %get3A_249 : i32 to index
            %get3A_252 = arith.index_cast %get3A_250 : i32 to index
            %get3A_253 = arith.index_cast %mul3A_248 : i32 to index
            %get3A_254 = tpu.vector_load %arg4[%get3A_251, %get3A_252, %get3A_253] {strides = array<i32>} : memref<4x8x512xf32, #tpu.memory_space<vmem>>, vector<16xf32>,
            %mul3A_255 = arith.constant 16 : i32
            %mul3A_256 = arith.muli %mul3A_255, %scan3A_203 : i32
            %get3A_257 = arith.constant 0 : i32
            %get3A_258 = arith.constant 6 : i32
            %get3A_259 = arith.index_cast %get3A_257 : i32 to index
            %get3A_260 = arith.index_cast %get3A_258 : i32 to index
            %get3A_261 = arith.index_cast %mul3A_256 : i32 to index
            %get3A_262 = tpu.vector_load %arg4[%get3A_259, %get3A_260, %get3A_261] {strides = array<i32>} : memref<4x8x512xf32, #tpu.memory_space<vmem>>, vector<16xf32>,
            %mul3A_263 = arith.constant 16 : i32
            %mul3A_264 = arith.muli %mul3A_263, %scan3A_203 : i32
            %get3A_265 = arith.constant 0 : i32
            %get3A_266 = arith.constant 7 : i32
            %get3A_267 = arith.index_cast %get3A_265 : i32 to index
            %get3A_268 = arith.index_cast %get3A_266 : i32 to index
            %get3A_269 = arith.index_cast %mul3A_264 : i32 to index
            %get3A_270 = tpu.vector_load %arg4[%get3A_267, %get3A_268, %get3A_269] {strides = array<i32>} : memref<4x8x512xf32, #tpu.memory_space<vmem>>, vector<16xf32>,
            %mul3A_271 = arith.constant 16 : i32
            %mul3A_272 = arith.muli %mul3A_271, %scan3A_203 : i32
            %get3A_273 = arith.constant 1 : i32
            %get3A_274 = arith.constant 0 : i32
            %get3A_275 = arith.index_cast %get3A_273 : i32 to index
            %get3A_276 = arith.index_cast %get3A_274 : i32 to index
            %get3A_277 = arith.index_cast %mul3A_272 : i32 to index
            %get3A_278 = tpu.vector_load %arg4[%get3A_275, %get3A_276, %get3A_277] {strides = array<i32>} : memref<4x8x512xf32, #tpu.memory_space<vmem>>, vector<16xf32>,
            %mul3A_279 = arith.constant 16 : i32
            %mul3A_280 = arith.muli %mul3A_279, %scan3A_203 : i32
            %get3A_281 = arith.constant 1 : i32
            %get3A_282 = arith.constant 1 : i32
            %get3A_283 = arith.index_cast %get3A_281 : i32 to index
            %get3A_284 = arith.index_cast %get3A_282 : i32 to index
            %get3A_285 = arith.index_cast %mul3A_280 : i32 to index
            %get3A_286 = tpu.vector_load %arg4[%get3A_283, %get3A_284, %get3A_285] {strides = array<i32>} : memref<4x8x512xf32, #tpu.memory_space<vmem>>, vector<16xf32>,
            %mul3A_287 = arith.constant 16 : i32
            %mul3A_288 = arith.muli %mul3A_287, %scan3A_203 : i32
            %get3A_289 = arith.constant 1 : i32
            %get3A_290 = arith.constant 2 : i32
            %get3A_291 = arith.index_cast %get3A_289 : i32 to index
            %get3A_292 = arith.index_cast %get3A_290 : i32 to index
            %get3A_293 = arith.index_cast %mul3A_288 : i32 to index
            %get3A_294 = tpu.vector_load %arg4[%get3A_291, %get3A_292, %get3A_293] {strides = array<i32>} : memref<4x8x512xf32, #tpu.memory_space<vmem>>, vector<16xf32>,
            %mul3A_295 = arith.constant 16 : i32
            %mul3A_296 = arith.muli %mul3A_295, %scan3A_203 : i32
            %get3A_297 = arith.constant 1 : i32
            %get3A_298 = arith.constant 3 : i32
            %get3A_299 = arith.index_cast %get3A_297 : i32 to index
            %get3A_300 = arith.index_cast %get3A_298 : i32 to index
            %get3A_301 = arith.index_cast %mul3A_296 : i32 to index
            %get3A_302 = tpu.vector_load %arg4[%get3A_299, %get3A_300, %get3A_301] {strides = array<i32>} : memref<4x8x512xf32, #tpu.memory_space<vmem>>, vector<16xf32>,
            %mul3A_303 = arith.constant 16 : i32
            %mul3A_304 = arith.muli %mul3A_303, %scan3A_203 : i32
            %get3A_305 = arith.constant 1 : i32
            %get3A_306 = arith.constant 4 : i32
            %get3A_307 = arith.index_cast %get3A_305 : i32 to index
            %get3A_308 = arith.index_cast %get3A_306 : i32 to index
            %get3A_309 = arith.index_cast %mul3A_304 : i32 to index
            %get3A_310 = tpu.vector_load %arg4[%get3A_307, %get3A_308, %get3A_309] {strides = array<i32>} : memref<4x8x512xf32, #tpu.memory_space<vmem>>, vector<16xf32>,
            %mul3A_311 = arith.constant 16 : i32
            %mul3A_312 = arith.muli %mul3A_311, %scan3A_203 : i32
            %get3A_313 = arith.constant 1 : i32
            %get3A_314 = arith.constant 5 : i32
            %get3A_315 = arith.index_cast %get3A_313 : i32 to index
            %get3A_316 = arith.index_cast %get3A_314 : i32 to index
            %get3A_317 = arith.index_cast %mul3A_312 : i32 to index
            %get3A_318 = tpu.vector_load %arg4[%get3A_315, %get3A_316, %get3A_317] {strides = array<i32>} : memref<4x8x512xf32, #tpu.memory_space<vmem>>, vector<16xf32>,
            %mul3A_319 = arith.constant 16 : i32
            %mul3A_320 = arith.muli %mul3A_319, %scan3A_203 : i32
            %get3A_321 = arith.constant 1 : i32
            %get3A_322 = arith.constant 6 : i32
            %get3A_323 = arith.index_cast %get3A_321 : i32 to index
            %get3A_324 = arith.index_cast %get3A_322 : i32 to index
            %get3A_325 = arith.index_cast %mul3A_320 : i32 to index
            %get3A_326 = tpu.vector_load %arg4[%get3A_323, %get3A_324, %get3A_325] {strides = array<i32>} : memref<4x8x512xf32, #tpu.memory_space<vmem>>, vector<16xf32>,
            %mul3A_327 = arith.constant 16 : i32
            %mul3A_328 = arith.muli %mul3A_327, %scan3A_203 : i32
            %get3A_329 = arith.constant 1 : i32
            %get3A_330 = arith.constant 7 : i32
            %get3A_331 = arith.index_cast %get3A_329 : i32 to index
            %get3A_332 = arith.index_cast %get3A_330 : i32 to index
            %get3A_333 = arith.index_cast %mul3A_328 : i32 to index
            %get3A_334 = tpu.vector_load %arg4[%get3A_331, %get3A_332, %get3A_333] {strides = array<i32>} : memref<4x8x512xf32, #tpu.memory_space<vmem>>, vector<16xf32>,
            %add3A_335 = arith.constant 0 : i32
            %add3A_336 = vector.broadcast %add3A_335 : i32 to vector<16xi32>
            %add3A_337 = arith.addi %mul3A_46, %add3A_336 : vector<16xi32>
            tpu.vector_store_idx %arg6[%add3A_207, %add3A_337], %get3A_214 : memref<128x128xf32, #tpu.memory_space<vmem>>[vector<16xi32>, vector<16xi32>], vector<16xf32>,
            %add3A_338 = arith.constant 1 : i32
            %add3A_339 = vector.broadcast %add3A_338 : i32 to vector<16xi32>
            %add3A_340 = arith.addi %mul3A_46, %add3A_339 : vector<16xi32>
            tpu.vector_store_idx %arg6[%add3A_207, %add3A_340], %get3A_222 : memref<128x128xf32, #tpu.memory_space<vmem>>[vector<16xi32>, vector<16xi32>], vector<16xf32>,
            %add3A_341 = arith.constant 2 : i32
            %add3A_342 = vector.broadcast %add3A_341 : i32 to vector<16xi32>
            %add3A_343 = arith.addi %mul3A_46, %add3A_342 : vector<16xi32>
            tpu.vector_store_idx %arg6[%add3A_207, %add3A_343], %get3A_230 : memref<128x128xf32, #tpu.memory_space<vmem>>[vector<16xi32>, vector<16xi32>], vector<16xf32>,
            %add3A_344 = arith.constant 3 : i32
            %add3A_345 = vector.broadcast %add3A_344 : i32 to vector<16xi32>
            %add3A_346 = arith.addi %mul3A_46, %add3A_345 : vector<16xi32>
            tpu.vector_store_idx %arg6[%add3A_207, %add3A_346], %get3A_238 : memref<128x128xf32, #tpu.memory_space<vmem>>[vector<16xi32>, vector<16xi32>], vector<16xf32>,
            %add3A_347 = arith.constant 4 : i32
            %add3A_348 = vector.broadcast %add3A_347 : i32 to vector<16xi32>
            %add3A_349 = arith.addi %mul3A_46, %add3A_348 : vector<16xi32>
            tpu.vector_store_idx %arg6[%add3A_207, %add3A_349], %get3A_246 : memref<128x128xf32, #tpu.memory_space<vmem>>[vector<16xi32>, vector<16xi32>], vector<16xf32>,
            %add3A_350 = arith.constant 5 : i32
            %add3A_351 = vector.broadcast %add3A_350 : i32 to vector<16xi32>
            %add3A_352 = arith.addi %mul3A_46, %add3A_351 : vector<16xi32>
            tpu.vector_store_idx %arg6[%add3A_207, %add3A_352], %get3A_254 : memref<128x128xf32, #tpu.memory_space<vmem>>[vector<16xi32>, vector<16xi32>], vector<16xf32>,
            %add3A_353 = arith.constant 6 : i32
            %add3A_354 = vector.broadcast %add3A_353 : i32 to vector<16xi32>
            %add3A_355 = arith.addi %mul3A_46, %add3A_354 : vector<16xi32>
            tpu.vector_store_idx %arg6[%add3A_207, %add3A_355], %get3A_262 : memref<128x128xf32, #tpu.memory_space<vmem>>[vector<16xi32>, vector<16xi32>], vector<16xf32>,
            %add3A_356 = arith.constant 7 : i32
            %add3A_357 = vector.broadcast %add3A_356 : i32 to vector<16xi32>
            %add3A_358 = arith.addi %mul3A_46, %add3A_357 : vector<16xi32>
            tpu.vector_store_idx %arg6[%add3A_207, %add3A_358], %get3A_270 : memref<128x128xf32, #tpu.memory_space<vmem>>[vector<16xi32>, vector<16xi32>], vector<16xf32>,
            %add3A_359 = arith.constant 8 : i32
            %add3A_360 = vector.broadcast %add3A_359 : i32 to vector<16xi32>
            %add3A_361 = arith.addi %mul3A_46, %add3A_360 : vector<16xi32>
            tpu.vector_store_idx %arg6[%add3A_207, %add3A_361], %get3A_278 : memref<128x128xf32, #tpu.memory_space<vmem>>[vector<16xi32>, vector<16xi32>], vector<16xf32>,
            %add3A_362 = arith.constant 9 : i32
            %add3A_363 = vector.broadcast %add3A_362 : i32 to vector<16xi32>
            %add3A_364 = arith.addi %mul3A_46, %add3A_363 : vector<16xi32>
            tpu.vector_store_idx %arg6[%add3A_207, %add3A_364], %get3A_286 : memref<128x128xf32, #tpu.memory_space<vmem>>[vector<16xi32>, vector<16xi32>], vector<16xf32>,
            %add3A_365 = arith.constant 10 : i32
            %add3A_366 = vector.broadcast %add3A_365 : i32 to vector<16xi32>
            %add3A_367 = arith.addi %mul3A_46, %add3A_366 : vector<16xi32>
            tpu.vector_store_idx %arg6[%add3A_207, %add3A_367], %get3A_294 : memref<128x128xf32, #tpu.memory_space<vmem>>[vector<16xi32>, vector<16xi32>], vector<16xf32>,
            %add3A_368 = arith.constant 11 : i32
            %add3A_369 = vector.broadcast %add3A_368 : i32 to vector<16xi32>
            %add3A_370 = arith.addi %mul3A_46, %add3A_369 : vector<16xi32>
            tpu.vector_store_idx %arg6[%add3A_207, %add3A_370], %get3A_302 : memref<128x128xf32, #tpu.memory_space<vmem>>[vector<16xi32>, vector<16xi32>], vector<16xf32>,
            %add3A_371 = arith.constant 12 : i32
            %add3A_372 = vector.broadcast %add3A_371 : i32 to vector<16xi32>
            %add3A_373 = arith.addi %mul3A_46, %add3A_372 : vector<16xi32>
            tpu.vector_store_idx %arg6[%add3A_207, %add3A_373], %get3A_310 : memref<128x128xf32, #tpu.memory_space<vmem>>[vector<16xi32>, vector<16xi32>], vector<16xf32>,
            %add3A_374 = arith.constant 13 : i32
            %add3A_375 = vector.broadcast %add3A_374 : i32 to vector<16xi32>
            %add3A_376 = arith.addi %mul3A_46, %add3A_375 : vector<16xi32>
            tpu.vector_store_idx %arg6[%add3A_207, %add3A_376], %get3A_318 : memref<128x128xf32, #tpu.memory_space<vmem>>[vector<16xi32>, vector<16xi32>], vector<16xf32>,
            %add3A_377 = arith.constant 14 : i32
            %add3A_378 = vector.broadcast %add3A_377 : i32 to vector<16xi32>
            %add3A_379 = arith.addi %mul3A_46, %add3A_378 : vector<16xi32>
            tpu.vector_store_idx %arg6[%add3A_207, %add3A_379], %get3A_326 : memref<128x128xf32, #tpu.memory_space<vmem>>[vector<16xi32>, vector<16xi32>], vector<16xf32>,
            %add3A_380 = arith.constant 15 : i32
            %add3A_381 = vector.broadcast %add3A_380 : i32 to vector<16xi32>
            %add3A_382 = arith.addi %mul3A_46, %add3A_381 : vector<16xi32>
            tpu.vector_store_idx %arg6[%add3A_207, %add3A_382], %get3A_334 : memref<128x128xf32, #tpu.memory_space<vmem>>[vector<16xi32>, vector<16xi32>], vector<16xf32>,
            %mul3A_383 = arith.constant 16 : i32
            %mul3A_384 = arith.muli %mul3A_383, %scan3A_203 : i32
            %get3A_385 = arith.constant 2 : i32
            %get3A_386 = arith.constant 0 : i32
            %get3A_387 = arith.index_cast %get3A_385 : i32 to index
            %get3A_388 = arith.index_cast %get3A_386 : i32 to index
            %get3A_389 = arith.index_cast %mul3A_384 : i32 to index
            %get3A_390 = tpu.vector_load %arg4[%get3A_387, %get3A_388, %get3A_389] {strides = array<i32>} : memref<4x8x512xf32, #tpu.memory_space<vmem>>, vector<16xf32>,
            %mul3A_391 = arith.constant 16 : i32
            %mul3A_392 = arith.muli %mul3A_391, %scan3A_203 : i32
            %get3A_393 = arith.constant 2 : i32
            %get3A_394 = arith.constant 1 : i32
            %get3A_395 = arith.index_cast %get3A_393 : i32 to index
            %get3A_396 = arith.index_cast %get3A_394 : i32 to index
            %get3A_397 = arith.index_cast %mul3A_392 : i32 to index
            %get3A_398 = tpu.vector_load %arg4[%get3A_395, %get3A_396, %get3A_397] {strides = array<i32>} : memref<4x8x512xf32, #tpu.memory_space<vmem>>, vector<16xf32>,
            %mul3A_399 = arith.constant 16 : i32
            %mul3A_400 = arith.muli %mul3A_399, %scan3A_203 : i32
            %get3A_401 = arith.constant 2 : i32
            %get3A_402 = arith.constant 2 : i32
            %get3A_403 = arith.index_cast %get3A_401 : i32 to index
            %get3A_404 = arith.index_cast %get3A_402 : i32 to index
            %get3A_405 = arith.index_cast %mul3A_400 : i32 to index
            %get3A_406 = tpu.vector_load %arg4[%get3A_403, %get3A_404, %get3A_405] {strides = array<i32>} : memref<4x8x512xf32, #tpu.memory_space<vmem>>, vector<16xf32>,
            %mul3A_407 = arith.constant 16 : i32
            %mul3A_408 = arith.muli %mul3A_407, %scan3A_203 : i32
            %get3A_409 = arith.constant 2 : i32
            %get3A_410 = arith.constant 3 : i32
            %get3A_411 = arith.index_cast %get3A_409 : i32 to index
            %get3A_412 = arith.index_cast %get3A_410 : i32 to index
            %get3A_413 = arith.index_cast %mul3A_408 : i32 to index
            %get3A_414 = tpu.vector_load %arg4[%get3A_411, %get3A_412, %get3A_413] {strides = array<i32>} : memref<4x8x512xf32, #tpu.memory_space<vmem>>, vector<16xf32>,
            %mul3A_415 = arith.constant 16 : i32
            %mul3A_416 = arith.muli %mul3A_415, %scan3A_203 : i32
            %get3A_417 = arith.constant 2 : i32
            %get3A_418 = arith.constant 4 : i32
            %get3A_419 = arith.index_cast %get3A_417 : i32 to index
            %get3A_420 = arith.index_cast %get3A_418 : i32 to index
            %get3A_421 = arith.index_cast %mul3A_416 : i32 to index
            %get3A_422 = tpu.vector_load %arg4[%get3A_419, %get3A_420, %get3A_421] {strides = array<i32>} : memref<4x8x512xf32, #tpu.memory_space<vmem>>, vector<16xf32>,
            %mul3A_423 = arith.constant 16 : i32
            %mul3A_424 = arith.muli %mul3A_423, %scan3A_203 : i32
            %get3A_425 = arith.constant 2 : i32
            %get3A_426 = arith.constant 5 : i32
            %get3A_427 = arith.index_cast %get3A_425 : i32 to index
            %get3A_428 = arith.index_cast %get3A_426 : i32 to index
            %get3A_429 = arith.index_cast %mul3A_424 : i32 to index
            %get3A_430 = tpu.vector_load %arg4[%get3A_427, %get3A_428, %get3A_429] {strides = array<i32>} : memref<4x8x512xf32, #tpu.memory_space<vmem>>, vector<16xf32>,
            %mul3A_431 = arith.constant 16 : i32
            %mul3A_432 = arith.muli %mul3A_431, %scan3A_203 : i32
            %get3A_433 = arith.constant 2 : i32
            %get3A_434 = arith.constant 6 : i32
            %get3A_435 = arith.index_cast %get3A_433 : i32 to index
            %get3A_436 = arith.index_cast %get3A_434 : i32 to index
            %get3A_437 = arith.index_cast %mul3A_432 : i32 to index
            %get3A_438 = tpu.vector_load %arg4[%get3A_435, %get3A_436, %get3A_437] {strides = array<i32>} : memref<4x8x512xf32, #tpu.memory_space<vmem>>, vector<16xf32>,
            %mul3A_439 = arith.constant 16 : i32
            %mul3A_440 = arith.muli %mul3A_439, %scan3A_203 : i32
            %get3A_441 = arith.constant 2 : i32
            %get3A_442 = arith.constant 7 : i32
            %get3A_443 = arith.index_cast %get3A_441 : i32 to index
            %get3A_444 = arith.index_cast %get3A_442 : i32 to index
            %get3A_445 = arith.index_cast %mul3A_440 : i32 to index
            %get3A_446 = tpu.vector_load %arg4[%get3A_443, %get3A_444, %get3A_445] {strides = array<i32>} : memref<4x8x512xf32, #tpu.memory_space<vmem>>, vector<16xf32>,
            %mul3A_447 = arith.constant 16 : i32
            %mul3A_448 = arith.muli %mul3A_447, %scan3A_203 : i32
            %get3A_449 = arith.constant 3 : i32
            %get3A_450 = arith.constant 0 : i32
            %get3A_451 = arith.index_cast %get3A_449 : i32 to index
            %get3A_452 = arith.index_cast %get3A_450 : i32 to index
            %get3A_453 = arith.index_cast %mul3A_448 : i32 to index
            %get3A_454 = tpu.vector_load %arg4[%get3A_451, %get3A_452, %get3A_453] {strides = array<i32>} : memref<4x8x512xf32, #tpu.memory_space<vmem>>, vector<16xf32>,
            %mul3A_455 = arith.constant 16 : i32
            %mul3A_456 = arith.muli %mul3A_455, %scan3A_203 : i32
            %get3A_457 = arith.constant 3 : i32
            %get3A_458 = arith.constant 1 : i32
            %get3A_459 = arith.index_cast %get3A_457 : i32 to index
            %get3A_460 = arith.index_cast %get3A_458 : i32 to index
            %get3A_461 = arith.index_cast %mul3A_456 : i32 to index
            %get3A_462 = tpu.vector_load %arg4[%get3A_459, %get3A_460, %get3A_461] {strides = array<i32>} : memref<4x8x512xf32, #tpu.memory_space<vmem>>, vector<16xf32>,
            %mul3A_463 = arith.constant 16 : i32
            %mul3A_464 = arith.muli %mul3A_463, %scan3A_203 : i32
            %get3A_465 = arith.constant 3 : i32
            %get3A_466 = arith.constant 2 : i32
            %get3A_467 = arith.index_cast %get3A_465 : i32 to index
            %get3A_468 = arith.index_cast %get3A_466 : i32 to index
            %get3A_469 = arith.index_cast %mul3A_464 : i32 to index
            %get3A_470 = tpu.vector_load %arg4[%get3A_467, %get3A_468, %get3A_469] {strides = array<i32>} : memref<4x8x512xf32, #tpu.memory_space<vmem>>, vector<16xf32>,
            %mul3A_471 = arith.constant 16 : i32
            %mul3A_472 = arith.muli %mul3A_471, %scan3A_203 : i32
            %get3A_473 = arith.constant 3 : i32
            %get3A_474 = arith.constant 3 : i32
            %get3A_475 = arith.index_cast %get3A_473 : i32 to index
            %get3A_476 = arith.index_cast %get3A_474 : i32 to index
            %get3A_477 = arith.index_cast %mul3A_472 : i32 to index
            %get3A_478 = tpu.vector_load %arg4[%get3A_475, %get3A_476, %get3A_477] {strides = array<i32>} : memref<4x8x512xf32, #tpu.memory_space<vmem>>, vector<16xf32>,
            %mul3A_479 = arith.constant 16 : i32
            %mul3A_480 = arith.muli %mul3A_479, %scan3A_203 : i32
            %get3A_481 = arith.constant 3 : i32
            %get3A_482 = arith.constant 4 : i32
            %get3A_483 = arith.index_cast %get3A_481 : i32 to index
            %get3A_484 = arith.index_cast %get3A_482 : i32 to index
            %get3A_485 = arith.index_cast %mul3A_480 : i32 to index
            %get3A_486 = tpu.vector_load %arg4[%get3A_483, %get3A_484, %get3A_485] {strides = array<i32>} : memref<4x8x512xf32, #tpu.memory_space<vmem>>, vector<16xf32>,
            %mul3A_487 = arith.constant 16 : i32
            %mul3A_488 = arith.muli %mul3A_487, %scan3A_203 : i32
            %get3A_489 = arith.constant 3 : i32
            %get3A_490 = arith.constant 5 : i32
            %get3A_491 = arith.index_cast %get3A_489 : i32 to index
            %get3A_492 = arith.index_cast %get3A_490 : i32 to index
            %get3A_493 = arith.index_cast %mul3A_488 : i32 to index
            %get3A_494 = tpu.vector_load %arg4[%get3A_491, %get3A_492, %get3A_493] {strides = array<i32>} : memref<4x8x512xf32, #tpu.memory_space<vmem>>, vector<16xf32>,
            %mul3A_495 = arith.constant 16 : i32
            %mul3A_496 = arith.muli %mul3A_495, %scan3A_203 : i32
            %get3A_497 = arith.constant 3 : i32
            %get3A_498 = arith.constant 6 : i32
            %get3A_499 = arith.index_cast %get3A_497 : i32 to index
            %get3A_500 = arith.index_cast %get3A_498 : i32 to index
            %get3A_501 = arith.index_cast %mul3A_496 : i32 to index
            %get3A_502 = tpu.vector_load %arg4[%get3A_499, %get3A_500, %get3A_501] {strides = array<i32>} : memref<4x8x512xf32, #tpu.memory_space<vmem>>, vector<16xf32>,
            %mul3A_503 = arith.constant 16 : i32
            %mul3A_504 = arith.muli %mul3A_503, %scan3A_203 : i32
            %get3A_505 = arith.constant 3 : i32
            %get3A_506 = arith.constant 7 : i32
            %get3A_507 = arith.index_cast %get3A_505 : i32 to index
            %get3A_508 = arith.index_cast %get3A_506 : i32 to index
            %get3A_509 = arith.index_cast %mul3A_504 : i32 to index
            %get3A_510 = tpu.vector_load %arg4[%get3A_507, %get3A_508, %get3A_509] {strides = array<i32>} : memref<4x8x512xf32, #tpu.memory_space<vmem>>, vector<16xf32>,
            %add3A_511 = arith.constant 16 : i32
            %add3A_512 = vector.broadcast %add3A_511 : i32 to vector<16xi32>
            %add3A_513 = arith.addi %mul3A_46, %add3A_512 : vector<16xi32>
            tpu.vector_store_idx %arg6[%add3A_207, %add3A_513], %get3A_390 : memref<128x128xf32, #tpu.memory_space<vmem>>[vector<16xi32>, vector<16xi32>], vector<16xf32>,
            %add3A_514 = arith.constant 17 : i32
            %add3A_515 = vector.broadcast %add3A_514 : i32 to vector<16xi32>
            %add3A_516 = arith.addi %mul3A_46, %add3A_515 : vector<16xi32>
            tpu.vector_store_idx %arg6[%add3A_207, %add3A_516], %get3A_398 : memref<128x128xf32, #tpu.memory_space<vmem>>[vector<16xi32>, vector<16xi32>], vector<16xf32>,
            %add3A_517 = arith.constant 18 : i32
            %add3A_518 = vector.broadcast %add3A_517 : i32 to vector<16xi32>
            %add3A_519 = arith.addi %mul3A_46, %add3A_518 : vector<16xi32>
            tpu.vector_store_idx %arg6[%add3A_207, %add3A_519], %get3A_406 : memref<128x128xf32, #tpu.memory_space<vmem>>[vector<16xi32>, vector<16xi32>], vector<16xf32>,
            %add3A_520 = arith.constant 19 : i32
            %add3A_521 = vector.broadcast %add3A_520 : i32 to vector<16xi32>
            %add3A_522 = arith.addi %mul3A_46, %add3A_521 : vector<16xi32>
            tpu.vector_store_idx %arg6[%add3A_207, %add3A_522], %get3A_414 : memref<128x128xf32, #tpu.memory_space<vmem>>[vector<16xi32>, vector<16xi32>], vector<16xf32>,
            %add3A_523 = arith.constant 20 : i32
            %add3A_524 = vector.broadcast %add3A_523 : i32 to vector<16xi32>
            %add3A_525 = arith.addi %mul3A_46, %add3A_524 : vector<16xi32>
            tpu.vector_store_idx %arg6[%add3A_207, %add3A_525], %get3A_422 : memref<128x128xf32, #tpu.memory_space<vmem>>[vector<16xi32>, vector<16xi32>], vector<16xf32>,
            %add3A_526 = arith.constant 21 : i32
            %add3A_527 = vector.broadcast %add3A_526 : i32 to vector<16xi32>
            %add3A_528 = arith.addi %mul3A_46, %add3A_527 : vector<16xi32>
            tpu.vector_store_idx %arg6[%add3A_207, %add3A_528], %get3A_430 : memref<128x128xf32, #tpu.memory_space<vmem>>[vector<16xi32>, vector<16xi32>], vector<16xf32>,
            %add3A_529 = arith.constant 22 : i32
            %add3A_530 = vector.broadcast %add3A_529 : i32 to vector<16xi32>
            %add3A_531 = arith.addi %mul3A_46, %add3A_530 : vector<16xi32>
            tpu.vector_store_idx %arg6[%add3A_207, %add3A_531], %get3A_438 : memref<128x128xf32, #tpu.memory_space<vmem>>[vector<16xi32>, vector<16xi32>], vector<16xf32>,
            %add3A_532 = arith.constant 23 : i32
            %add3A_533 = vector.broadcast %add3A_532 : i32 to vector<16xi32>
            %add3A_534 = arith.addi %mul3A_46, %add3A_533 : vector<16xi32>
            tpu.vector_store_idx %arg6[%add3A_207, %add3A_534], %get3A_446 : memref<128x128xf32, #tpu.memory_space<vmem>>[vector<16xi32>, vector<16xi32>], vector<16xf32>,
            %add3A_535 = arith.constant 24 : i32
            %add3A_536 = vector.broadcast %add3A_535 : i32 to vector<16xi32>
            %add3A_537 = arith.addi %mul3A_46, %add3A_536 : vector<16xi32>
            tpu.vector_store_idx %arg6[%add3A_207, %add3A_537], %get3A_454 : memref<128x128xf32, #tpu.memory_space<vmem>>[vector<16xi32>, vector<16xi32>], vector<16xf32>,
            %add3A_538 = arith.constant 25 : i32
            %add3A_539 = vector.broadcast %add3A_538 : i32 to vector<16xi32>
            %add3A_540 = arith.addi %mul3A_46, %add3A_539 : vector<16xi32>
            tpu.vector_store_idx %arg6[%add3A_207, %add3A_540], %get3A_462 : memref<128x128xf32, #tpu.memory_space<vmem>>[vector<16xi32>, vector<16xi32>], vector<16xf32>,
            %add3A_541 = arith.constant 26 : i32
            %add3A_542 = vector.broadcast %add3A_541 : i32 to vector<16xi32>
            %add3A_543 = arith.addi %mul3A_46, %add3A_542 : vector<16xi32>
            tpu.vector_store_idx %arg6[%add3A_207, %add3A_543], %get3A_470 : memref<128x128xf32, #tpu.memory_space<vmem>>[vector<16xi32>, vector<16xi32>], vector<16xf32>,
            %add3A_544 = arith.constant 27 : i32
            %add3A_545 = vector.broadcast %add3A_544 : i32 to vector<16xi32>
            %add3A_546 = arith.addi %mul3A_46, %add3A_545 : vector<16xi32>
            tpu.vector_store_idx %arg6[%add3A_207, %add3A_546], %get3A_478 : memref<128x128xf32, #tpu.memory_space<vmem>>[vector<16xi32>, vector<16xi32>], vector<16xf32>,
            %add3A_547 = arith.constant 28 : i32
            %add3A_548 = vector.broadcast %add3A_547 : i32 to vector<16xi32>
            %add3A_549 = arith.addi %mul3A_46, %add3A_548 : vector<16xi32>
            tpu.vector_store_idx %arg6[%add3A_207, %add3A_549], %get3A_486 : memref<128x128xf32, #tpu.memory_space<vmem>>[vector<16xi32>, vector<16xi32>], vector<16xf32>,
            %add3A_550 = arith.constant 29 : i32
            %add3A_551 = vector.broadcast %add3A_550 : i32 to vector<16xi32>
            %add3A_552 = arith.addi %mul3A_46, %add3A_551 : vector<16xi32>
            tpu.vector_store_idx %arg6[%add3A_207, %add3A_552], %get3A_494 : memref<128x128xf32, #tpu.memory_space<vmem>>[vector<16xi32>, vector<16xi32>], vector<16xf32>,
            %add3A_553 = arith.constant 30 : i32
            %add3A_554 = vector.broadcast %add3A_553 : i32 to vector<16xi32>
            %add3A_555 = arith.addi %mul3A_46, %add3A_554 : vector<16xi32>
            tpu.vector_store_idx %arg6[%add3A_207, %add3A_555], %get3A_502 : memref<128x128xf32, #tpu.memory_space<vmem>>[vector<16xi32>, vector<16xi32>], vector<16xf32>,
            %add3A_556 = arith.constant 31 : i32
            %add3A_557 = vector.broadcast %add3A_556 : i32 to vector<16xi32>
            %add3A_558 = arith.addi %mul3A_46, %add3A_557 : vector<16xi32>
            tpu.vector_store_idx %arg6[%add3A_207, %add3A_558], %get3A_510 : memref<128x128xf32, #tpu.memory_space<vmem>>[vector<16xi32>, vector<16xi32>], vector<16xf32>,
          }
          %scan3A_194 = arith.constant 32 : i32
          %mul3A_195 = arith.constant 32 : i32
          %mul3A_196 = arith.muli %add3A_82, %mul3A_195 : i32
          %add3A_197 = arith.addi %add3A, %mul3A_196 : i32
          %mul3A_198 = arith.constant 128 : i32
          %mul3A_199 = arith.muli %add3A_197, %mul3A_198 : i32
          %dma_start3A = arith.constant 0 : i32
          %dma_start3A_200 = tpu.memref_slice %arg3[%mul3A_199, %dma_start3A] : memref<250000x128xf32, #tpu.memory_space<hbm>> -> memref<128x128xf32, #tpu.memory_space<hbm>>
          %dma_start3A_201 = arith.constant 0 : i32
          %dma_start3A_202 = tpu.memref_slice %arg3[%mul3A_199, %dma_start3A_201] : memref<250000x128xf32, #tpu.memory_space<hbm>> -> memref<128x128xf32, #tpu.memory_space<hbm>>
          tpu.enqueue_dma source(%arg6 : memref<128x128xf32, #tpu.memory_space<vmem>>) target(%dma_start3A_202 : memref<128x128xf32, #tpu.memory_space<hbm>>) target_semaphore(%arg10 : memref<!tpu.dma_semaphore, #tpu.memory_space<semaphore_mem>>)
        } else {
        }
        %add3A_117 = arith.constant 2 : i32
        %add3A_118 = arith.addi %add3A_82, %add3A_117 : i32
        %mul3A_119 = arith.constant 32 : i32
        %mul3A_120 = arith.muli %add3A_118, %mul3A_119 : i32
        %add3A_121 = arith.addi %add3A, %mul3A_120 : i32
        %lt3A_122 = arith.constant 1953 : i32
        %lt3A_123 = arith.cmpi slt, %add3A_121, %lt3A_122 : i32
        %convert_element_type3A_124 = arith.extui %lt3A_123 : i1 to i32
        %cond3A_125 = arith.constant 0 : i32
        %cond3A_126 = arith.cmpi ne, %convert_element_type3A_124, %cond3A_125 : i32
        scf.if %cond3A_126 {
          %mul3A_127 = arith.constant 512 : i32
          %mul3A_128 = arith.muli %add3A_121, %mul3A_127 : i32
          %dma_start3A = arith.constant 0 : i32
          %dma_start3A_129 = arith.constant 0 : i32
          %dma_start3A_130 = arith.constant 0 : i32
          %dma_start3A_131 = tpu.memref_slice %arg4[%dma_start3A, %dma_start3A_129, %dma_start3A_130] : memref<4x8x512xf32, #tpu.memory_space<vmem>> -> memref<1x8x512xf32, #tpu.memory_space<vmem>>
          %dma_start3A_132 = tpu.memref_squeeze %dma_start3A_131 : memref<1x8x512xf32, #tpu.memory_space<vmem>> -> memref<8x512xf32, #tpu.memory_space<vmem>>
          %dma_start3A_133 = arith.constant 0 : i32
          %dma_start3A_134 = tpu.memref_slice %arg2[%dma_start3A_133, %mul3A_128] : memref<32x1000000xf32, #tpu.memory_space<hbm>> -> memref<8x512xf32, #tpu.memory_space<hbm>>
          %dma_start3A_135 = arith.constant 0 : i32
          %dma_start3A_136 = arith.constant 0 : i32
          %dma_start3A_137 = tpu.memref_slice %arg4[%dma_start3A, %dma_start3A_135, %dma_start3A_136] : memref<4x8x512xf32, #tpu.memory_space<vmem>> -> memref<1x8x512xf32, #tpu.memory_space<vmem>>
          %dma_start3A_138 = tpu.memref_squeeze %dma_start3A_137 : memref<1x8x512xf32, #tpu.memory_space<vmem>> -> memref<8x512xf32, #tpu.memory_space<vmem>>
          %dma_start3A_139 = arith.constant 0 : i32
          %dma_start3A_140 = tpu.memref_slice %arg2[%dma_start3A_139, %mul3A_128] : memref<32x1000000xf32, #tpu.memory_space<hbm>> -> memref<8x512xf32, #tpu.memory_space<hbm>>
          tpu.enqueue_dma source(%dma_start3A_140 : memref<8x512xf32, #tpu.memory_space<hbm>>) target(%dma_start3A_138 : memref<8x512xf32, #tpu.memory_space<vmem>>) target_semaphore(%arg8 : memref<!tpu.dma_semaphore, #tpu.memory_space<semaphore_mem>>)
          %mul3A_141 = arith.constant 512 : i32
          %mul3A_142 = arith.muli %add3A_121, %mul3A_141 : i32
          %dma_start3A_143 = arith.constant 1 : i32
          %dma_start3A_144 = arith.constant 0 : i32
          %dma_start3A_145 = arith.constant 0 : i32
          %dma_start3A_146 = tpu.memref_slice %arg4[%dma_start3A_143, %dma_start3A_144, %dma_start3A_145] : memref<4x8x512xf32, #tpu.memory_space<vmem>> -> memref<1x8x512xf32, #tpu.memory_space<vmem>>
          %dma_start3A_147 = tpu.memref_squeeze %dma_start3A_146 : memref<1x8x512xf32, #tpu.memory_space<vmem>> -> memref<8x512xf32, #tpu.memory_space<vmem>>
          %dma_start3A_148 = arith.constant 8 : i32
          %dma_start3A_149 = tpu.memref_slice %arg2[%dma_start3A_148, %mul3A_142] : memref<32x1000000xf32, #tpu.memory_space<hbm>> -> memref<8x512xf32, #tpu.memory_space<hbm>>
          %dma_start3A_150 = arith.constant 0 : i32
          %dma_start3A_151 = arith.constant 0 : i32
          %dma_start3A_152 = tpu.memref_slice %arg4[%dma_start3A_143, %dma_start3A_150, %dma_start3A_151] : memref<4x8x512xf32, #tpu.memory_space<vmem>> -> memref<1x8x512xf32, #tpu.memory_space<vmem>>
          %dma_start3A_153 = tpu.memref_squeeze %dma_start3A_152 : memref<1x8x512xf32, #tpu.memory_space<vmem>> -> memref<8x512xf32, #tpu.memory_space<vmem>>
          %dma_start3A_154 = arith.constant 8 : i32
          %dma_start3A_155 = tpu.memref_slice %arg2[%dma_start3A_154, %mul3A_142] : memref<32x1000000xf32, #tpu.memory_space<hbm>> -> memref<8x512xf32, #tpu.memory_space<hbm>>
          tpu.enqueue_dma source(%dma_start3A_155 : memref<8x512xf32, #tpu.memory_space<hbm>>) target(%dma_start3A_153 : memref<8x512xf32, #tpu.memory_space<vmem>>) target_semaphore(%arg8 : memref<!tpu.dma_semaphore, #tpu.memory_space<semaphore_mem>>)
          %mul3A_156 = arith.constant 512 : i32
          %mul3A_157 = arith.muli %add3A_121, %mul3A_156 : i32
          %dma_start3A_158 = arith.constant 2 : i32
          %dma_start3A_159 = arith.constant 0 : i32
          %dma_start3A_160 = arith.constant 0 : i32
          %dma_start3A_161 = tpu.memref_slice %arg4[%dma_start3A_158, %dma_start3A_159, %dma_start3A_160] : memref<4x8x512xf32, #tpu.memory_space<vmem>> -> memref<1x8x512xf32, #tpu.memory_space<vmem>>
          %dma_start3A_162 = tpu.memref_squeeze %dma_start3A_161 : memref<1x8x512xf32, #tpu.memory_space<vmem>> -> memref<8x512xf32, #tpu.memory_space<vmem>>
          %dma_start3A_163 = arith.constant 16 : i32
          %dma_start3A_164 = tpu.memref_slice %arg2[%dma_start3A_163, %mul3A_157] : memref<32x1000000xf32, #tpu.memory_space<hbm>> -> memref<8x512xf32, #tpu.memory_space<hbm>>
          %dma_start3A_165 = arith.constant 0 : i32
          %dma_start3A_166 = arith.constant 0 : i32
          %dma_start3A_167 = tpu.memref_slice %arg4[%dma_start3A_158, %dma_start3A_165, %dma_start3A_166] : memref<4x8x512xf32, #tpu.memory_space<vmem>> -> memref<1x8x512xf32, #tpu.memory_space<vmem>>
          %dma_start3A_168 = tpu.memref_squeeze %dma_start3A_167 : memref<1x8x512xf32, #tpu.memory_space<vmem>> -> memref<8x512xf32, #tpu.memory_space<vmem>>
          %dma_start3A_169 = arith.constant 16 : i32
          %dma_start3A_170 = tpu.memref_slice %arg2[%dma_start3A_169, %mul3A_157] : memref<32x1000000xf32, #tpu.memory_space<hbm>> -> memref<8x512xf32, #tpu.memory_space<hbm>>
          tpu.enqueue_dma source(%dma_start3A_170 : memref<8x512xf32, #tpu.memory_space<hbm>>) target(%dma_start3A_168 : memref<8x512xf32, #tpu.memory_space<vmem>>) target_semaphore(%arg8 : memref<!tpu.dma_semaphore, #tpu.memory_space<semaphore_mem>>)
          %mul3A_171 = arith.constant 512 : i32
          %mul3A_172 = arith.muli %add3A_121, %mul3A_171 : i32
          %dma_start3A_173 = arith.constant 3 : i32
          %dma_start3A_174 = arith.constant 0 : i32
          %dma_start3A_175 = arith.constant 0 : i32
          %dma_start3A_176 = tpu.memref_slice %arg4[%dma_start3A_173, %dma_start3A_174, %dma_start3A_175] : memref<4x8x512xf32, #tpu.memory_space<vmem>> -> memref<1x8x512xf32, #tpu.memory_space<vmem>>
          %dma_start3A_177 = tpu.memref_squeeze %dma_start3A_176 : memref<1x8x512xf32, #tpu.memory_space<vmem>> -> memref<8x512xf32, #tpu.memory_space<vmem>>
          %dma_start3A_178 = arith.constant 24 : i32
          %dma_start3A_179 = tpu.memref_slice %arg2[%dma_start3A_178, %mul3A_172] : memref<32x1000000xf32, #tpu.memory_space<hbm>> -> memref<8x512xf32, #tpu.memory_space<hbm>>
          %dma_start3A_180 = arith.constant 0 : i32
          %dma_start3A_181 = arith.constant 0 : i32
          %dma_start3A_182 = tpu.memref_slice %arg4[%dma_start3A_173, %dma_start3A_180, %dma_start3A_181] : memref<4x8x512xf32, #tpu.memory_space<vmem>> -> memref<1x8x512xf32, #tpu.memory_space<vmem>>
          %dma_start3A_183 = tpu.memref_squeeze %dma_start3A_182 : memref<1x8x512xf32, #tpu.memory_space<vmem>> -> memref<8x512xf32, #tpu.memory_space<vmem>>
          %dma_start3A_184 = arith.constant 24 : i32
          %dma_start3A_185 = tpu.memref_slice %arg2[%dma_start3A_184, %mul3A_172] : memref<32x1000000xf32, #tpu.memory_space<hbm>> -> memref<8x512xf32, #tpu.memory_space<hbm>>
          tpu.enqueue_dma source(%dma_start3A_185 : memref<8x512xf32, #tpu.memory_space<hbm>>) target(%dma_start3A_183 : memref<8x512xf32, #tpu.memory_space<vmem>>) target_semaphore(%arg8 : memref<!tpu.dma_semaphore, #tpu.memory_space<semaphore_mem>>)
        } else {
        }
      } else {
      }
      %mul3A_88 = arith.constant 2 : i32
      %mul3A_89 = arith.muli %mul3A_88, %scan3A_78 : i32
      %add3A_90 = arith.constant 1 : i32
      %add3A_91 = arith.addi %mul3A_89, %add3A_90 : i32
      %lt3A_92 = arith.constant 62 : i32
      %lt3A_93 = arith.cmpi slt, %add3A_91, %lt3A_92 : i32
      %convert_element_type3A_94 = arith.extui %lt3A_93 : i1 to i32
      %cond3A_95 = arith.constant 0 : i32
      %cond3A_96 = arith.cmpi ne, %convert_element_type3A_94, %cond3A_95 : i32
      scf.if %cond3A_96 {
        %ge3A = arith.constant 2 : i32
        %ge3A_97 = arith.cmpi sge, %add3A_91, %ge3A : i32
        %sub3A_98 = arith.constant 2 : i32
        %sub3A_99 = arith.subi %add3A_91, %sub3A_98 : i32
        %mul3A_100 = arith.constant 32 : i32
        %mul3A_101 = arith.muli %sub3A_99, %mul3A_100 : i32
        %add3A_102 = arith.addi %add3A, %mul3A_101 : i32
        %lt3A_103 = arith.constant 1953 : i32
        %lt3A_104 = arith.cmpi slt, %add3A_102, %lt3A_103 : i32
        %and3A_105 = arith.andi %ge3A_97, %lt3A_104 : i1
        %convert_element_type3A_106 = arith.extui %and3A_105 : i1 to i32
        %cond3A_107 = arith.constant 0 : i32
        %cond3A_108 = arith.cmpi ne, %convert_element_type3A_106, %cond3A_107 : i32
        scf.if %cond3A_108 {
          %sub3A_127 = arith.constant 2 : i32
          %sub3A_128 = arith.subi %add3A_91, %sub3A_127 : i32
          %mul3A_129 = arith.constant 32 : i32
          %mul3A_130 = arith.muli %sub3A_128, %mul3A_129 : i32
          %add3A_131 = arith.addi %add3A, %mul3A_130 : i32
          %mul3A_132 = arith.constant 128 : i32
          %mul3A_133 = arith.muli %add3A_131, %mul3A_132 : i32
          %dma_wait3A = arith.constant 0 : i32
          %dma_wait3A_134 = tpu.memref_slice %arg3[%mul3A_133, %dma_wait3A] : memref<250000x128xf32, #tpu.memory_space<hbm>> -> memref<128x128xf32, #tpu.memory_space<hbm>>
          %dma_wait3A_135 = arith.constant 0 : i32
          %dma_wait3A_136 = tpu.memref_slice %arg3[%mul3A_133, %dma_wait3A_135] : memref<250000x128xf32, #tpu.memory_space<hbm>> -> memref<128x128xf32, #tpu.memory_space<hbm>>
          tpu.wait_dma2 semaphore(%arg11 : memref<!tpu.dma_semaphore, #tpu.memory_space<semaphore_mem>>) src(%arg7 : memref<128x128xf32, #tpu.memory_space<vmem>>) dst(%dma_wait3A_136 : memref<128x128xf32, #tpu.memory_space<hbm>>)
        } else {
        }
        %mul3A_109 = arith.constant 32 : i32
        %mul3A_110 = arith.muli %add3A_91, %mul3A_109 : i32
        %add3A_111 = arith.addi %add3A, %mul3A_110 : i32
        %lt3A_112 = arith.constant 1953 : i32
        %lt3A_113 = arith.cmpi slt, %add3A_111, %lt3A_112 : i32
        %convert_element_type3A_114 = arith.extui %lt3A_113 : i1 to i32
        %cond3A_115 = arith.constant 0 : i32
        %cond3A_116 = arith.cmpi ne, %convert_element_type3A_114, %cond3A_115 : i32
        scf.if %cond3A_116 {
          %mul3A_127 = arith.constant 32 : i32
          %mul3A_128 = arith.muli %add3A_91, %mul3A_127 : i32
          %add3A_129 = arith.addi %add3A, %mul3A_128 : i32
          %mul3A_130 = arith.constant 512 : i32
          %mul3A_131 = arith.muli %add3A_129, %mul3A_130 : i32
          %dma_wait3A = arith.constant 0 : i32
          %dma_wait3A_132 = arith.constant 0 : i32
          %dma_wait3A_133 = arith.constant 0 : i32
          %dma_wait3A_134 = tpu.memref_slice %arg5[%dma_wait3A, %dma_wait3A_132, %dma_wait3A_133] : memref<4x8x512xf32, #tpu.memory_space<vmem>> -> memref<1x8x512xf32, #tpu.memory_space<vmem>>
          %dma_wait3A_135 = tpu.memref_squeeze %dma_wait3A_134 : memref<1x8x512xf32, #tpu.memory_space<vmem>> -> memref<8x512xf32, #tpu.memory_space<vmem>>
          %dma_wait3A_136 = arith.constant 0 : i32
          %dma_wait3A_137 = tpu.memref_slice %arg2[%dma_wait3A_136, %mul3A_131] : memref<32x1000000xf32, #tpu.memory_space<hbm>> -> memref<8x512xf32, #tpu.memory_space<hbm>>
          %dma_wait3A_138 = arith.constant 0 : i32
          %dma_wait3A_139 = arith.constant 0 : i32
          %dma_wait3A_140 = tpu.memref_slice %arg5[%dma_wait3A, %dma_wait3A_138, %dma_wait3A_139] : memref<4x8x512xf32, #tpu.memory_space<vmem>> -> memref<1x8x512xf32, #tpu.memory_space<vmem>>
          %dma_wait3A_141 = tpu.memref_squeeze %dma_wait3A_140 : memref<1x8x512xf32, #tpu.memory_space<vmem>> -> memref<8x512xf32, #tpu.memory_space<vmem>>
          %dma_wait3A_142 = arith.constant 0 : i32
          %dma_wait3A_143 = tpu.memref_slice %arg2[%dma_wait3A_142, %mul3A_131] : memref<32x1000000xf32, #tpu.memory_space<hbm>> -> memref<8x512xf32, #tpu.memory_space<hbm>>
          tpu.wait_dma2 semaphore(%arg9 : memref<!tpu.dma_semaphore, #tpu.memory_space<semaphore_mem>>) src(%dma_wait3A_143 : memref<8x512xf32, #tpu.memory_space<hbm>>) dst(%dma_wait3A_141 : memref<8x512xf32, #tpu.memory_space<vmem>>)
          %mul3A_144 = arith.constant 512 : i32
          %mul3A_145 = arith.muli %add3A_129, %mul3A_144 : i32
          %dma_wait3A_146 = arith.constant 1 : i32
          %dma_wait3A_147 = arith.constant 0 : i32
          %dma_wait3A_148 = arith.constant 0 : i32
          %dma_wait3A_149 = tpu.memref_slice %arg5[%dma_wait3A_146, %dma_wait3A_147, %dma_wait3A_148] : memref<4x8x512xf32, #tpu.memory_space<vmem>> -> memref<1x8x512xf32, #tpu.memory_space<vmem>>
          %dma_wait3A_150 = tpu.memref_squeeze %dma_wait3A_149 : memref<1x8x512xf32, #tpu.memory_space<vmem>> -> memref<8x512xf32, #tpu.memory_space<vmem>>
          %dma_wait3A_151 = arith.constant 8 : i32
          %dma_wait3A_152 = tpu.memref_slice %arg2[%dma_wait3A_151, %mul3A_145] : memref<32x1000000xf32, #tpu.memory_space<hbm>> -> memref<8x512xf32, #tpu.memory_space<hbm>>
          %dma_wait3A_153 = arith.constant 0 : i32
          %dma_wait3A_154 = arith.constant 0 : i32
          %dma_wait3A_155 = tpu.memref_slice %arg5[%dma_wait3A_146, %dma_wait3A_153, %dma_wait3A_154] : memref<4x8x512xf32, #tpu.memory_space<vmem>> -> memref<1x8x512xf32, #tpu.memory_space<vmem>>
          %dma_wait3A_156 = tpu.memref_squeeze %dma_wait3A_155 : memref<1x8x512xf32, #tpu.memory_space<vmem>> -> memref<8x512xf32, #tpu.memory_space<vmem>>
          %dma_wait3A_157 = arith.constant 8 : i32
          %dma_wait3A_158 = tpu.memref_slice %arg2[%dma_wait3A_157, %mul3A_145] : memref<32x1000000xf32, #tpu.memory_space<hbm>> -> memref<8x512xf32, #tpu.memory_space<hbm>>
          tpu.wait_dma2 semaphore(%arg9 : memref<!tpu.dma_semaphore, #tpu.memory_space<semaphore_mem>>) src(%dma_wait3A_158 : memref<8x512xf32, #tpu.memory_space<hbm>>) dst(%dma_wait3A_156 : memref<8x512xf32, #tpu.memory_space<vmem>>)
          %mul3A_159 = arith.constant 512 : i32
          %mul3A_160 = arith.muli %add3A_129, %mul3A_159 : i32
          %dma_wait3A_161 = arith.constant 2 : i32
          %dma_wait3A_162 = arith.constant 0 : i32
          %dma_wait3A_163 = arith.constant 0 : i32
          %dma_wait3A_164 = tpu.memref_slice %arg5[%dma_wait3A_161, %dma_wait3A_162, %dma_wait3A_163] : memref<4x8x512xf32, #tpu.memory_space<vmem>> -> memref<1x8x512xf32, #tpu.memory_space<vmem>>
          %dma_wait3A_165 = tpu.memref_squeeze %dma_wait3A_164 : memref<1x8x512xf32, #tpu.memory_space<vmem>> -> memref<8x512xf32, #tpu.memory_space<vmem>>
          %dma_wait3A_166 = arith.constant 16 : i32
          %dma_wait3A_167 = tpu.memref_slice %arg2[%dma_wait3A_166, %mul3A_160] : memref<32x1000000xf32, #tpu.memory_space<hbm>> -> memref<8x512xf32, #tpu.memory_space<hbm>>
          %dma_wait3A_168 = arith.constant 0 : i32
          %dma_wait3A_169 = arith.constant 0 : i32
          %dma_wait3A_170 = tpu.memref_slice %arg5[%dma_wait3A_161, %dma_wait3A_168, %dma_wait3A_169] : memref<4x8x512xf32, #tpu.memory_space<vmem>> -> memref<1x8x512xf32, #tpu.memory_space<vmem>>
          %dma_wait3A_171 = tpu.memref_squeeze %dma_wait3A_170 : memref<1x8x512xf32, #tpu.memory_space<vmem>> -> memref<8x512xf32, #tpu.memory_space<vmem>>
          %dma_wait3A_172 = arith.constant 16 : i32
          %dma_wait3A_173 = tpu.memref_slice %arg2[%dma_wait3A_172, %mul3A_160] : memref<32x1000000xf32, #tpu.memory_space<hbm>> -> memref<8x512xf32, #tpu.memory_space<hbm>>
          tpu.wait_dma2 semaphore(%arg9 : memref<!tpu.dma_semaphore, #tpu.memory_space<semaphore_mem>>) src(%dma_wait3A_173 : memref<8x512xf32, #tpu.memory_space<hbm>>) dst(%dma_wait3A_171 : memref<8x512xf32, #tpu.memory_space<vmem>>)
          %mul3A_174 = arith.constant 512 : i32
          %mul3A_175 = arith.muli %add3A_129, %mul3A_174 : i32
          %dma_wait3A_176 = arith.constant 3 : i32
          %dma_wait3A_177 = arith.constant 0 : i32
          %dma_wait3A_178 = arith.constant 0 : i32
          %dma_wait3A_179 = tpu.memref_slice %arg5[%dma_wait3A_176, %dma_wait3A_177, %dma_wait3A_178] : memref<4x8x512xf32, #tpu.memory_space<vmem>> -> memref<1x8x512xf32, #tpu.memory_space<vmem>>
          %dma_wait3A_180 = tpu.memref_squeeze %dma_wait3A_179 : memref<1x8x512xf32, #tpu.memory_space<vmem>> -> memref<8x512xf32, #tpu.memory_space<vmem>>
          %dma_wait3A_181 = arith.constant 24 : i32
          %dma_wait3A_182 = tpu.memref_slice %arg2[%dma_wait3A_181, %mul3A_175] : memref<32x1000000xf32, #tpu.memory_space<hbm>> -> memref<8x512xf32, #tpu.memory_space<hbm>>
          %dma_wait3A_183 = arith.constant 0 : i32
          %dma_wait3A_184 = arith.constant 0 : i32
          %dma_wait3A_185 = tpu.memref_slice %arg5[%dma_wait3A_176, %dma_wait3A_183, %dma_wait3A_184] : memref<4x8x512xf32, #tpu.memory_space<vmem>> -> memref<1x8x512xf32, #tpu.memory_space<vmem>>
          %dma_wait3A_186 = tpu.memref_squeeze %dma_wait3A_185 : memref<1x8x512xf32, #tpu.memory_space<vmem>> -> memref<8x512xf32, #tpu.memory_space<vmem>>
          %dma_wait3A_187 = arith.constant 24 : i32
          %dma_wait3A_188 = tpu.memref_slice %arg2[%dma_wait3A_187, %mul3A_175] : memref<32x1000000xf32, #tpu.memory_space<hbm>> -> memref<8x512xf32, #tpu.memory_space<hbm>>
          tpu.wait_dma2 semaphore(%arg9 : memref<!tpu.dma_semaphore, #tpu.memory_space<semaphore_mem>>) src(%dma_wait3A_188 : memref<8x512xf32, #tpu.memory_space<hbm>>) dst(%dma_wait3A_186 : memref<8x512xf32, #tpu.memory_space<vmem>>)
          %scan3A_189 = arith.constant 0 : i32
          %scan3A_190 = arith.constant 0 : i32
          %scan3A_191 = arith.constant 32 : i32
          %scan3A_192 = arith.addi %scan3A_190, %scan3A_191 : i32
          %scan3A_193 = arith.constant 1 : i32
          scf.for %scan3A_203 = %scan3A_190 to %scan3A_192 step %scan3A_193  : i32 {
            %mul3A_204 = arith.constant 4 : i32
            %mul3A_205 = arith.muli %mul3A_204, %scan3A_203 : i32
            %add3A_206 = vector.broadcast %mul3A_205 : i32 to vector<16xi32>
            %add3A_207 = arith.addi %select_n3A, %add3A_206 : vector<16xi32>
            %mul3A_208 = arith.constant 16 : i32
            %mul3A_209 = arith.muli %mul3A_208, %scan3A_203 : i32
            %get3A = arith.constant 0 : i32
            %get3A_210 = arith.constant 0 : i32
            %get3A_211 = arith.index_cast %get3A : i32 to index
            %get3A_212 = arith.index_cast %get3A_210 : i32 to index
            %get3A_213 = arith.index_cast %mul3A_209 : i32 to index
            %get3A_214 = tpu.vector_load %arg5[%get3A_211, %get3A_212, %get3A_213] {strides = array<i32>} : memref<4x8x512xf32, #tpu.memory_space<vmem>>, vector<16xf32>,
            %mul3A_215 = arith.constant 16 : i32
            %mul3A_216 = arith.muli %mul3A_215, %scan3A_203 : i32
            %get3A_217 = arith.constant 0 : i32
            %get3A_218 = arith.constant 1 : i32
            %get3A_219 = arith.index_cast %get3A_217 : i32 to index
            %get3A_220 = arith.index_cast %get3A_218 : i32 to index
            %get3A_221 = arith.index_cast %mul3A_216 : i32 to index
            %get3A_222 = tpu.vector_load %arg5[%get3A_219, %get3A_220, %get3A_221] {strides = array<i32>} : memref<4x8x512xf32, #tpu.memory_space<vmem>>, vector<16xf32>,
            %mul3A_223 = arith.constant 16 : i32
            %mul3A_224 = arith.muli %mul3A_223, %scan3A_203 : i32
            %get3A_225 = arith.constant 0 : i32
            %get3A_226 = arith.constant 2 : i32
            %get3A_227 = arith.index_cast %get3A_225 : i32 to index
            %get3A_228 = arith.index_cast %get3A_226 : i32 to index
            %get3A_229 = arith.index_cast %mul3A_224 : i32 to index
            %get3A_230 = tpu.vector_load %arg5[%get3A_227, %get3A_228, %get3A_229] {strides = array<i32>} : memref<4x8x512xf32, #tpu.memory_space<vmem>>, vector<16xf32>,
            %mul3A_231 = arith.constant 16 : i32
            %mul3A_232 = arith.muli %mul3A_231, %scan3A_203 : i32
            %get3A_233 = arith.constant 0 : i32
            %get3A_234 = arith.constant 3 : i32
            %get3A_235 = arith.index_cast %get3A_233 : i32 to index
            %get3A_236 = arith.index_cast %get3A_234 : i32 to index
            %get3A_237 = arith.index_cast %mul3A_232 : i32 to index
            %get3A_238 = tpu.vector_load %arg5[%get3A_235, %get3A_236, %get3A_237] {strides = array<i32>} : memref<4x8x512xf32, #tpu.memory_space<vmem>>, vector<16xf32>,
            %mul3A_239 = arith.constant 16 : i32
            %mul3A_240 = arith.muli %mul3A_239, %scan3A_203 : i32
            %get3A_241 = arith.constant 0 : i32
            %get3A_242 = arith.constant 4 : i32
            %get3A_243 = arith.index_cast %get3A_241 : i32 to index
            %get3A_244 = arith.index_cast %get3A_242 : i32 to index
            %get3A_245 = arith.index_cast %mul3A_240 : i32 to index
            %get3A_246 = tpu.vector_load %arg5[%get3A_243, %get3A_244, %get3A_245] {strides = array<i32>} : memref<4x8x512xf32, #tpu.memory_space<vmem>>, vector<16xf32>,
            %mul3A_247 = arith.constant 16 : i32
            %mul3A_248 = arith.muli %mul3A_247, %scan3A_203 : i32
            %get3A_249 = arith.constant 0 : i32
            %get3A_250 = arith.constant 5 : i32
            %get3A_251 = arith.index_cast %get3A_249 : i32 to index
            %get3A_252 = arith.index_cast %get3A_250 : i32 to index
            %get3A_253 = arith.index_cast %mul3A_248 : i32 to index
            %get3A_254 = tpu.vector_load %arg5[%get3A_251, %get3A_252, %get3A_253] {strides = array<i32>} : memref<4x8x512xf32, #tpu.memory_space<vmem>>, vector<16xf32>,
            %mul3A_255 = arith.constant 16 : i32
            %mul3A_256 = arith.muli %mul3A_255, %scan3A_203 : i32
            %get3A_257 = arith.constant 0 : i32
            %get3A_258 = arith.constant 6 : i32
            %get3A_259 = arith.index_cast %get3A_257 : i32 to index
            %get3A_260 = arith.index_cast %get3A_258 : i32 to index
            %get3A_261 = arith.index_cast %mul3A_256 : i32 to index
            %get3A_262 = tpu.vector_load %arg5[%get3A_259, %get3A_260, %get3A_261] {strides = array<i32>} : memref<4x8x512xf32, #tpu.memory_space<vmem>>, vector<16xf32>,
            %mul3A_263 = arith.constant 16 : i32
            %mul3A_264 = arith.muli %mul3A_263, %scan3A_203 : i32
            %get3A_265 = arith.constant 0 : i32
            %get3A_266 = arith.constant 7 : i32
            %get3A_267 = arith.index_cast %get3A_265 : i32 to index
            %get3A_268 = arith.index_cast %get3A_266 : i32 to index
            %get3A_269 = arith.index_cast %mul3A_264 : i32 to index
            %get3A_270 = tpu.vector_load %arg5[%get3A_267, %get3A_268, %get3A_269] {strides = array<i32>} : memref<4x8x512xf32, #tpu.memory_space<vmem>>, vector<16xf32>,
            %mul3A_271 = arith.constant 16 : i32
            %mul3A_272 = arith.muli %mul3A_271, %scan3A_203 : i32
            %get3A_273 = arith.constant 1 : i32
            %get3A_274 = arith.constant 0 : i32
            %get3A_275 = arith.index_cast %get3A_273 : i32 to index
            %get3A_276 = arith.index_cast %get3A_274 : i32 to index
            %get3A_277 = arith.index_cast %mul3A_272 : i32 to index
            %get3A_278 = tpu.vector_load %arg5[%get3A_275, %get3A_276, %get3A_277] {strides = array<i32>} : memref<4x8x512xf32, #tpu.memory_space<vmem>>, vector<16xf32>,
            %mul3A_279 = arith.constant 16 : i32
            %mul3A_280 = arith.muli %mul3A_279, %scan3A_203 : i32
            %get3A_281 = arith.constant 1 : i32
            %get3A_282 = arith.constant 1 : i32
            %get3A_283 = arith.index_cast %get3A_281 : i32 to index
            %get3A_284 = arith.index_cast %get3A_282 : i32 to index
            %get3A_285 = arith.index_cast %mul3A_280 : i32 to index
            %get3A_286 = tpu.vector_load %arg5[%get3A_283, %get3A_284, %get3A_285] {strides = array<i32>} : memref<4x8x512xf32, #tpu.memory_space<vmem>>, vector<16xf32>,
            %mul3A_287 = arith.constant 16 : i32
            %mul3A_288 = arith.muli %mul3A_287, %scan3A_203 : i32
            %get3A_289 = arith.constant 1 : i32
            %get3A_290 = arith.constant 2 : i32
            %get3A_291 = arith.index_cast %get3A_289 : i32 to index
            %get3A_292 = arith.index_cast %get3A_290 : i32 to index
            %get3A_293 = arith.index_cast %mul3A_288 : i32 to index
            %get3A_294 = tpu.vector_load %arg5[%get3A_291, %get3A_292, %get3A_293] {strides = array<i32>} : memref<4x8x512xf32, #tpu.memory_space<vmem>>, vector<16xf32>,
            %mul3A_295 = arith.constant 16 : i32
            %mul3A_296 = arith.muli %mul3A_295, %scan3A_203 : i32
            %get3A_297 = arith.constant 1 : i32
            %get3A_298 = arith.constant 3 : i32
            %get3A_299 = arith.index_cast %get3A_297 : i32 to index
            %get3A_300 = arith.index_cast %get3A_298 : i32 to index
            %get3A_301 = arith.index_cast %mul3A_296 : i32 to index
            %get3A_302 = tpu.vector_load %arg5[%get3A_299, %get3A_300, %get3A_301] {strides = array<i32>} : memref<4x8x512xf32, #tpu.memory_space<vmem>>, vector<16xf32>,
            %mul3A_303 = arith.constant 16 : i32
            %mul3A_304 = arith.muli %mul3A_303, %scan3A_203 : i32
            %get3A_305 = arith.constant 1 : i32
            %get3A_306 = arith.constant 4 : i32
            %get3A_307 = arith.index_cast %get3A_305 : i32 to index
            %get3A_308 = arith.index_cast %get3A_306 : i32 to index
            %get3A_309 = arith.index_cast %mul3A_304 : i32 to index
            %get3A_310 = tpu.vector_load %arg5[%get3A_307, %get3A_308, %get3A_309] {strides = array<i32>} : memref<4x8x512xf32, #tpu.memory_space<vmem>>, vector<16xf32>,
            %mul3A_311 = arith.constant 16 : i32
            %mul3A_312 = arith.muli %mul3A_311, %scan3A_203 : i32
            %get3A_313 = arith.constant 1 : i32
            %get3A_314 = arith.constant 5 : i32
            %get3A_315 = arith.index_cast %get3A_313 : i32 to index
            %get3A_316 = arith.index_cast %get3A_314 : i32 to index
            %get3A_317 = arith.index_cast %mul3A_312 : i32 to index
            %get3A_318 = tpu.vector_load %arg5[%get3A_315, %get3A_316, %get3A_317] {strides = array<i32>} : memref<4x8x512xf32, #tpu.memory_space<vmem>>, vector<16xf32>,
            %mul3A_319 = arith.constant 16 : i32
            %mul3A_320 = arith.muli %mul3A_319, %scan3A_203 : i32
            %get3A_321 = arith.constant 1 : i32
            %get3A_322 = arith.constant 6 : i32
            %get3A_323 = arith.index_cast %get3A_321 : i32 to index
            %get3A_324 = arith.index_cast %get3A_322 : i32 to index
            %get3A_325 = arith.index_cast %mul3A_320 : i32 to index
            %get3A_326 = tpu.vector_load %arg5[%get3A_323, %get3A_324, %get3A_325] {strides = array<i32>} : memref<4x8x512xf32, #tpu.memory_space<vmem>>, vector<16xf32>,
            %mul3A_327 = arith.constant 16 : i32
            %mul3A_328 = arith.muli %mul3A_327, %scan3A_203 : i32
            %get3A_329 = arith.constant 1 : i32
            %get3A_330 = arith.constant 7 : i32
            %get3A_331 = arith.index_cast %get3A_329 : i32 to index
            %get3A_332 = arith.index_cast %get3A_330 : i32 to index
            %get3A_333 = arith.index_cast %mul3A_328 : i32 to index
            %get3A_334 = tpu.vector_load %arg5[%get3A_331, %get3A_332, %get3A_333] {strides = array<i32>} : memref<4x8x512xf32, #tpu.memory_space<vmem>>, vector<16xf32>,
            %add3A_335 = arith.constant 0 : i32
            %add3A_336 = vector.broadcast %add3A_335 : i32 to vector<16xi32>
            %add3A_337 = arith.addi %mul3A_46, %add3A_336 : vector<16xi32>
            tpu.vector_store_idx %arg7[%add3A_207, %add3A_337], %get3A_214 : memref<128x128xf32, #tpu.memory_space<vmem>>[vector<16xi32>, vector<16xi32>], vector<16xf32>,
            %add3A_338 = arith.constant 1 : i32
            %add3A_339 = vector.broadcast %add3A_338 : i32 to vector<16xi32>
            %add3A_340 = arith.addi %mul3A_46, %add3A_339 : vector<16xi32>
            tpu.vector_store_idx %arg7[%add3A_207, %add3A_340], %get3A_222 : memref<128x128xf32, #tpu.memory_space<vmem>>[vector<16xi32>, vector<16xi32>], vector<16xf32>,
            %add3A_341 = arith.constant 2 : i32
            %add3A_342 = vector.broadcast %add3A_341 : i32 to vector<16xi32>
            %add3A_343 = arith.addi %mul3A_46, %add3A_342 : vector<16xi32>
            tpu.vector_store_idx %arg7[%add3A_207, %add3A_343], %get3A_230 : memref<128x128xf32, #tpu.memory_space<vmem>>[vector<16xi32>, vector<16xi32>], vector<16xf32>,
            %add3A_344 = arith.constant 3 : i32
            %add3A_345 = vector.broadcast %add3A_344 : i32 to vector<16xi32>
            %add3A_346 = arith.addi %mul3A_46, %add3A_345 : vector<16xi32>
            tpu.vector_store_idx %arg7[%add3A_207, %add3A_346], %get3A_238 : memref<128x128xf32, #tpu.memory_space<vmem>>[vector<16xi32>, vector<16xi32>], vector<16xf32>,
            %add3A_347 = arith.constant 4 : i32
            %add3A_348 = vector.broadcast %add3A_347 : i32 to vector<16xi32>
            %add3A_349 = arith.addi %mul3A_46, %add3A_348 : vector<16xi32>
            tpu.vector_store_idx %arg7[%add3A_207, %add3A_349], %get3A_246 : memref<128x128xf32, #tpu.memory_space<vmem>>[vector<16xi32>, vector<16xi32>], vector<16xf32>,
            %add3A_350 = arith.constant 5 : i32
            %add3A_351 = vector.broadcast %add3A_350 : i32 to vector<16xi32>
            %add3A_352 = arith.addi %mul3A_46, %add3A_351 : vector<16xi32>
            tpu.vector_store_idx %arg7[%add3A_207, %add3A_352], %get3A_254 : memref<128x128xf32, #tpu.memory_space<vmem>>[vector<16xi32>, vector<16xi32>], vector<16xf32>,
            %add3A_353 = arith.constant 6 : i32
            %add3A_354 = vector.broadcast %add3A_353 : i32 to vector<16xi32>
            %add3A_355 = arith.addi %mul3A_46, %add3A_354 : vector<16xi32>
            tpu.vector_store_idx %arg7[%add3A_207, %add3A_355], %get3A_262 : memref<128x128xf32, #tpu.memory_space<vmem>>[vector<16xi32>, vector<16xi32>], vector<16xf32>,
            %add3A_356 = arith.constant 7 : i32
            %add3A_357 = vector.broadcast %add3A_356 : i32 to vector<16xi32>
            %add3A_358 = arith.addi %mul3A_46, %add3A_357 : vector<16xi32>
            tpu.vector_store_idx %arg7[%add3A_207, %add3A_358], %get3A_270 : memref<128x128xf32, #tpu.memory_space<vmem>>[vector<16xi32>, vector<16xi32>], vector<16xf32>,
            %add3A_359 = arith.constant 8 : i32
            %add3A_360 = vector.broadcast %add3A_359 : i32 to vector<16xi32>
            %add3A_361 = arith.addi %mul3A_46, %add3A_360 : vector<16xi32>
            tpu.vector_store_idx %arg7[%add3A_207, %add3A_361], %get3A_278 : memref<128x128xf32, #tpu.memory_space<vmem>>[vector<16xi32>, vector<16xi32>], vector<16xf32>,
            %add3A_362 = arith.constant 9 : i32
            %add3A_363 = vector.broadcast %add3A_362 : i32 to vector<16xi32>
            %add3A_364 = arith.addi %mul3A_46, %add3A_363 : vector<16xi32>
            tpu.vector_store_idx %arg7[%add3A_207, %add3A_364], %get3A_286 : memref<128x128xf32, #tpu.memory_space<vmem>>[vector<16xi32>, vector<16xi32>], vector<16xf32>,
            %add3A_365 = arith.constant 10 : i32
            %add3A_366 = vector.broadcast %add3A_365 : i32 to vector<16xi32>
            %add3A_367 = arith.addi %mul3A_46, %add3A_366 : vector<16xi32>
            tpu.vector_store_idx %arg7[%add3A_207, %add3A_367], %get3A_294 : memref<128x128xf32, #tpu.memory_space<vmem>>[vector<16xi32>, vector<16xi32>], vector<16xf32>,
            %add3A_368 = arith.constant 11 : i32
            %add3A_369 = vector.broadcast %add3A_368 : i32 to vector<16xi32>
            %add3A_370 = arith.addi %mul3A_46, %add3A_369 : vector<16xi32>
            tpu.vector_store_idx %arg7[%add3A_207, %add3A_370], %get3A_302 : memref<128x128xf32, #tpu.memory_space<vmem>>[vector<16xi32>, vector<16xi32>], vector<16xf32>,
            %add3A_371 = arith.constant 12 : i32
            %add3A_372 = vector.broadcast %add3A_371 : i32 to vector<16xi32>
            %add3A_373 = arith.addi %mul3A_46, %add3A_372 : vector<16xi32>
            tpu.vector_store_idx %arg7[%add3A_207, %add3A_373], %get3A_310 : memref<128x128xf32, #tpu.memory_space<vmem>>[vector<16xi32>, vector<16xi32>], vector<16xf32>,
            %add3A_374 = arith.constant 13 : i32
            %add3A_375 = vector.broadcast %add3A_374 : i32 to vector<16xi32>
            %add3A_376 = arith.addi %mul3A_46, %add3A_375 : vector<16xi32>
            tpu.vector_store_idx %arg7[%add3A_207, %add3A_376], %get3A_318 : memref<128x128xf32, #tpu.memory_space<vmem>>[vector<16xi32>, vector<16xi32>], vector<16xf32>,
            %add3A_377 = arith.constant 14 : i32
            %add3A_378 = vector.broadcast %add3A_377 : i32 to vector<16xi32>
            %add3A_379 = arith.addi %mul3A_46, %add3A_378 : vector<16xi32>
            tpu.vector_store_idx %arg7[%add3A_207, %add3A_379], %get3A_326 : memref<128x128xf32, #tpu.memory_space<vmem>>[vector<16xi32>, vector<16xi32>], vector<16xf32>,
            %add3A_380 = arith.constant 15 : i32
            %add3A_381 = vector.broadcast %add3A_380 : i32 to vector<16xi32>
            %add3A_382 = arith.addi %mul3A_46, %add3A_381 : vector<16xi32>
            tpu.vector_store_idx %arg7[%add3A_207, %add3A_382], %get3A_334 : memref<128x128xf32, #tpu.memory_space<vmem>>[vector<16xi32>, vector<16xi32>], vector<16xf32>,
            %mul3A_383 = arith.constant 16 : i32
            %mul3A_384 = arith.muli %mul3A_383, %scan3A_203 : i32
            %get3A_385 = arith.constant 2 : i32
            %get3A_386 = arith.constant 0 : i32
            %get3A_387 = arith.index_cast %get3A_385 : i32 to index
            %get3A_388 = arith.index_cast %get3A_386 : i32 to index
            %get3A_389 = arith.index_cast %mul3A_384 : i32 to index
            %get3A_390 = tpu.vector_load %arg5[%get3A_387, %get3A_388, %get3A_389] {strides = array<i32>} : memref<4x8x512xf32, #tpu.memory_space<vmem>>, vector<16xf32>,
            %mul3A_391 = arith.constant 16 : i32
            %mul3A_392 = arith.muli %mul3A_391, %scan3A_203 : i32
            %get3A_393 = arith.constant 2 : i32
            %get3A_394 = arith.constant 1 : i32
            %get3A_395 = arith.index_cast %get3A_393 : i32 to index
            %get3A_396 = arith.index_cast %get3A_394 : i32 to index
            %get3A_397 = arith.index_cast %mul3A_392 : i32 to index
            %get3A_398 = tpu.vector_load %arg5[%get3A_395, %get3A_396, %get3A_397] {strides = array<i32>} : memref<4x8x512xf32, #tpu.memory_space<vmem>>, vector<16xf32>,
            %mul3A_399 = arith.constant 16 : i32
            %mul3A_400 = arith.muli %mul3A_399, %scan3A_203 : i32
            %get3A_401 = arith.constant 2 : i32
            %get3A_402 = arith.constant 2 : i32
            %get3A_403 = arith.index_cast %get3A_401 : i32 to index
            %get3A_404 = arith.index_cast %get3A_402 : i32 to index
            %get3A_405 = arith.index_cast %mul3A_400 : i32 to index
            %get3A_406 = tpu.vector_load %arg5[%get3A_403, %get3A_404, %get3A_405] {strides = array<i32>} : memref<4x8x512xf32, #tpu.memory_space<vmem>>, vector<16xf32>,
            %mul3A_407 = arith.constant 16 : i32
            %mul3A_408 = arith.muli %mul3A_407, %scan3A_203 : i32
            %get3A_409 = arith.constant 2 : i32
            %get3A_410 = arith.constant 3 : i32
            %get3A_411 = arith.index_cast %get3A_409 : i32 to index
            %get3A_412 = arith.index_cast %get3A_410 : i32 to index
            %get3A_413 = arith.index_cast %mul3A_408 : i32 to index
            %get3A_414 = tpu.vector_load %arg5[%get3A_411, %get3A_412, %get3A_413] {strides = array<i32>} : memref<4x8x512xf32, #tpu.memory_space<vmem>>, vector<16xf32>,
            %mul3A_415 = arith.constant 16 : i32
            %mul3A_416 = arith.muli %mul3A_415, %scan3A_203 : i32
            %get3A_417 = arith.constant 2 : i32
            %get3A_418 = arith.constant 4 : i32
            %get3A_419 = arith.index_cast %get3A_417 : i32 to index
            %get3A_420 = arith.index_cast %get3A_418 : i32 to index
            %get3A_421 = arith.index_cast %mul3A_416 : i32 to index
            %get3A_422 = tpu.vector_load %arg5[%get3A_419, %get3A_420, %get3A_421] {strides = array<i32>} : memref<4x8x512xf32, #tpu.memory_space<vmem>>, vector<16xf32>,
            %mul3A_423 = arith.constant 16 : i32
            %mul3A_424 = arith.muli %mul3A_423, %scan3A_203 : i32
            %get3A_425 = arith.constant 2 : i32
            %get3A_426 = arith.constant 5 : i32
            %get3A_427 = arith.index_cast %get3A_425 : i32 to index
            %get3A_428 = arith.index_cast %get3A_426 : i32 to index
            %get3A_429 = arith.index_cast %mul3A_424 : i32 to index
            %get3A_430 = tpu.vector_load %arg5[%get3A_427, %get3A_428, %get3A_429] {strides = array<i32>} : memref<4x8x512xf32, #tpu.memory_space<vmem>>, vector<16xf32>,
            %mul3A_431 = arith.constant 16 : i32
            %mul3A_432 = arith.muli %mul3A_431, %scan3A_203 : i32
            %get3A_433 = arith.constant 2 : i32
            %get3A_434 = arith.constant 6 : i32
            %get3A_435 = arith.index_cast %get3A_433 : i32 to index
            %get3A_436 = arith.index_cast %get3A_434 : i32 to index
            %get3A_437 = arith.index_cast %mul3A_432 : i32 to index
            %get3A_438 = tpu.vector_load %arg5[%get3A_435, %get3A_436, %get3A_437] {strides = array<i32>} : memref<4x8x512xf32, #tpu.memory_space<vmem>>, vector<16xf32>,
            %mul3A_439 = arith.constant 16 : i32
            %mul3A_440 = arith.muli %mul3A_439, %scan3A_203 : i32
            %get3A_441 = arith.constant 2 : i32
            %get3A_442 = arith.constant 7 : i32
            %get3A_443 = arith.index_cast %get3A_441 : i32 to index
            %get3A_444 = arith.index_cast %get3A_442 : i32 to index
            %get3A_445 = arith.index_cast %mul3A_440 : i32 to index
            %get3A_446 = tpu.vector_load %arg5[%get3A_443, %get3A_444, %get3A_445] {strides = array<i32>} : memref<4x8x512xf32, #tpu.memory_space<vmem>>, vector<16xf32>,
            %mul3A_447 = arith.constant 16 : i32
            %mul3A_448 = arith.muli %mul3A_447, %scan3A_203 : i32
            %get3A_449 = arith.constant 3 : i32
            %get3A_450 = arith.constant 0 : i32
            %get3A_451 = arith.index_cast %get3A_449 : i32 to index
            %get3A_452 = arith.index_cast %get3A_450 : i32 to index
            %get3A_453 = arith.index_cast %mul3A_448 : i32 to index
            %get3A_454 = tpu.vector_load %arg5[%get3A_451, %get3A_452, %get3A_453] {strides = array<i32>} : memref<4x8x512xf32, #tpu.memory_space<vmem>>, vector<16xf32>,
            %mul3A_455 = arith.constant 16 : i32
            %mul3A_456 = arith.muli %mul3A_455, %scan3A_203 : i32
            %get3A_457 = arith.constant 3 : i32
            %get3A_458 = arith.constant 1 : i32
            %get3A_459 = arith.index_cast %get3A_457 : i32 to index
            %get3A_460 = arith.index_cast %get3A_458 : i32 to index
            %get3A_461 = arith.index_cast %mul3A_456 : i32 to index
            %get3A_462 = tpu.vector_load %arg5[%get3A_459, %get3A_460, %get3A_461] {strides = array<i32>} : memref<4x8x512xf32, #tpu.memory_space<vmem>>, vector<16xf32>,
            %mul3A_463 = arith.constant 16 : i32
            %mul3A_464 = arith.muli %mul3A_463, %scan3A_203 : i32
            %get3A_465 = arith.constant 3 : i32
            %get3A_466 = arith.constant 2 : i32
            %get3A_467 = arith.index_cast %get3A_465 : i32 to index
            %get3A_468 = arith.index_cast %get3A_466 : i32 to index
            %get3A_469 = arith.index_cast %mul3A_464 : i32 to index
            %get3A_470 = tpu.vector_load %arg5[%get3A_467, %get3A_468, %get3A_469] {strides = array<i32>} : memref<4x8x512xf32, #tpu.memory_space<vmem>>, vector<16xf32>,
            %mul3A_471 = arith.constant 16 : i32
            %mul3A_472 = arith.muli %mul3A_471, %scan3A_203 : i32
            %get3A_473 = arith.constant 3 : i32
            %get3A_474 = arith.constant 3 : i32
            %get3A_475 = arith.index_cast %get3A_473 : i32 to index
            %get3A_476 = arith.index_cast %get3A_474 : i32 to index
            %get3A_477 = arith.index_cast %mul3A_472 : i32 to index
            %get3A_478 = tpu.vector_load %arg5[%get3A_475, %get3A_476, %get3A_477] {strides = array<i32>} : memref<4x8x512xf32, #tpu.memory_space<vmem>>, vector<16xf32>,
            %mul3A_479 = arith.constant 16 : i32
            %mul3A_480 = arith.muli %mul3A_479, %scan3A_203 : i32
            %get3A_481 = arith.constant 3 : i32
            %get3A_482 = arith.constant 4 : i32
            %get3A_483 = arith.index_cast %get3A_481 : i32 to index
            %get3A_484 = arith.index_cast %get3A_482 : i32 to index
            %get3A_485 = arith.index_cast %mul3A_480 : i32 to index
            %get3A_486 = tpu.vector_load %arg5[%get3A_483, %get3A_484, %get3A_485] {strides = array<i32>} : memref<4x8x512xf32, #tpu.memory_space<vmem>>, vector<16xf32>,
            %mul3A_487 = arith.constant 16 : i32
            %mul3A_488 = arith.muli %mul3A_487, %scan3A_203 : i32
            %get3A_489 = arith.constant 3 : i32
            %get3A_490 = arith.constant 5 : i32
            %get3A_491 = arith.index_cast %get3A_489 : i32 to index
            %get3A_492 = arith.index_cast %get3A_490 : i32 to index
            %get3A_493 = arith.index_cast %mul3A_488 : i32 to index
            %get3A_494 = tpu.vector_load %arg5[%get3A_491, %get3A_492, %get3A_493] {strides = array<i32>} : memref<4x8x512xf32, #tpu.memory_space<vmem>>, vector<16xf32>,
            %mul3A_495 = arith.constant 16 : i32
            %mul3A_496 = arith.muli %mul3A_495, %scan3A_203 : i32
            %get3A_497 = arith.constant 3 : i32
            %get3A_498 = arith.constant 6 : i32
            %get3A_499 = arith.index_cast %get3A_497 : i32 to index
            %get3A_500 = arith.index_cast %get3A_498 : i32 to index
            %get3A_501 = arith.index_cast %mul3A_496 : i32 to index
            %get3A_502 = tpu.vector_load %arg5[%get3A_499, %get3A_500, %get3A_501] {strides = array<i32>} : memref<4x8x512xf32, #tpu.memory_space<vmem>>, vector<16xf32>,
            %mul3A_503 = arith.constant 16 : i32
            %mul3A_504 = arith.muli %mul3A_503, %scan3A_203 : i32
            %get3A_505 = arith.constant 3 : i32
            %get3A_506 = arith.constant 7 : i32
            %get3A_507 = arith.index_cast %get3A_505 : i32 to index
            %get3A_508 = arith.index_cast %get3A_506 : i32 to index
            %get3A_509 = arith.index_cast %mul3A_504 : i32 to index
            %get3A_510 = tpu.vector_load %arg5[%get3A_507, %get3A_508, %get3A_509] {strides = array<i32>} : memref<4x8x512xf32, #tpu.memory_space<vmem>>, vector<16xf32>,
            %add3A_511 = arith.constant 16 : i32
            %add3A_512 = vector.broadcast %add3A_511 : i32 to vector<16xi32>
            %add3A_513 = arith.addi %mul3A_46, %add3A_512 : vector<16xi32>
            tpu.vector_store_idx %arg7[%add3A_207, %add3A_513], %get3A_390 : memref<128x128xf32, #tpu.memory_space<vmem>>[vector<16xi32>, vector<16xi32>], vector<16xf32>,
            %add3A_514 = arith.constant 17 : i32
            %add3A_515 = vector.broadcast %add3A_514 : i32 to vector<16xi32>
            %add3A_516 = arith.addi %mul3A_46, %add3A_515 : vector<16xi32>
            tpu.vector_store_idx %arg7[%add3A_207, %add3A_516], %get3A_398 : memref<128x128xf32, #tpu.memory_space<vmem>>[vector<16xi32>, vector<16xi32>], vector<16xf32>,
            %add3A_517 = arith.constant 18 : i32
            %add3A_518 = vector.broadcast %add3A_517 : i32 to vector<16xi32>
            %add3A_519 = arith.addi %mul3A_46, %add3A_518 : vector<16xi32>
            tpu.vector_store_idx %arg7[%add3A_207, %add3A_519], %get3A_406 : memref<128x128xf32, #tpu.memory_space<vmem>>[vector<16xi32>, vector<16xi32>], vector<16xf32>,
            %add3A_520 = arith.constant 19 : i32
            %add3A_521 = vector.broadcast %add3A_520 : i32 to vector<16xi32>
            %add3A_522 = arith.addi %mul3A_46, %add3A_521 : vector<16xi32>
            tpu.vector_store_idx %arg7[%add3A_207, %add3A_522], %get3A_414 : memref<128x128xf32, #tpu.memory_space<vmem>>[vector<16xi32>, vector<16xi32>], vector<16xf32>,
            %add3A_523 = arith.constant 20 : i32
            %add3A_524 = vector.broadcast %add3A_523 : i32 to vector<16xi32>
            %add3A_525 = arith.addi %mul3A_46, %add3A_524 : vector<16xi32>
            tpu.vector_store_idx %arg7[%add3A_207, %add3A_525], %get3A_422 : memref<128x128xf32, #tpu.memory_space<vmem>>[vector<16xi32>, vector<16xi32>], vector<16xf32>,
            %add3A_526 = arith.constant 21 : i32
            %add3A_527 = vector.broadcast %add3A_526 : i32 to vector<16xi32>
            %add3A_528 = arith.addi %mul3A_46, %add3A_527 : vector<16xi32>
            tpu.vector_store_idx %arg7[%add3A_207, %add3A_528], %get3A_430 : memref<128x128xf32, #tpu.memory_space<vmem>>[vector<16xi32>, vector<16xi32>], vector<16xf32>,
            %add3A_529 = arith.constant 22 : i32
            %add3A_530 = vector.broadcast %add3A_529 : i32 to vector<16xi32>
            %add3A_531 = arith.addi %mul3A_46, %add3A_530 : vector<16xi32>
            tpu.vector_store_idx %arg7[%add3A_207, %add3A_531], %get3A_438 : memref<128x128xf32, #tpu.memory_space<vmem>>[vector<16xi32>, vector<16xi32>], vector<16xf32>,
            %add3A_532 = arith.constant 23 : i32
            %add3A_533 = vector.broadcast %add3A_532 : i32 to vector<16xi32>
            %add3A_534 = arith.addi %mul3A_46, %add3A_533 : vector<16xi32>
            tpu.vector_store_idx %arg7[%add3A_207, %add3A_534], %get3A_446 : memref<128x128xf32, #tpu.memory_space<vmem>>[vector<16xi32>, vector<16xi32>], vector<16xf32>,
            %add3A_535 = arith.constant 24 : i32
            %add3A_536 = vector.broadcast %add3A_535 : i32 to vector<16xi32>
            %add3A_537 = arith.addi %mul3A_46, %add3A_536 : vector<16xi32>
            tpu.vector_store_idx %arg7[%add3A_207, %add3A_537], %get3A_454 : memref<128x128xf32, #tpu.memory_space<vmem>>[vector<16xi32>, vector<16xi32>], vector<16xf32>,
            %add3A_538 = arith.constant 25 : i32
            %add3A_539 = vector.broadcast %add3A_538 : i32 to vector<16xi32>
            %add3A_540 = arith.addi %mul3A_46, %add3A_539 : vector<16xi32>
            tpu.vector_store_idx %arg7[%add3A_207, %add3A_540], %get3A_462 : memref<128x128xf32, #tpu.memory_space<vmem>>[vector<16xi32>, vector<16xi32>], vector<16xf32>,
            %add3A_541 = arith.constant 26 : i32
            %add3A_542 = vector.broadcast %add3A_541 : i32 to vector<16xi32>
            %add3A_543 = arith.addi %mul3A_46, %add3A_542 : vector<16xi32>
            tpu.vector_store_idx %arg7[%add3A_207, %add3A_543], %get3A_470 : memref<128x128xf32, #tpu.memory_space<vmem>>[vector<16xi32>, vector<16xi32>], vector<16xf32>,
            %add3A_544 = arith.constant 27 : i32
            %add3A_545 = vector.broadcast %add3A_544 : i32 to vector<16xi32>
            %add3A_546 = arith.addi %mul3A_46, %add3A_545 : vector<16xi32>
            tpu.vector_store_idx %arg7[%add3A_207, %add3A_546], %get3A_478 : memref<128x128xf32, #tpu.memory_space<vmem>>[vector<16xi32>, vector<16xi32>], vector<16xf32>,
            %add3A_547 = arith.constant 28 : i32
            %add3A_548 = vector.broadcast %add3A_547 : i32 to vector<16xi32>
            %add3A_549 = arith.addi %mul3A_46, %add3A_548 : vector<16xi32>
            tpu.vector_store_idx %arg7[%add3A_207, %add3A_549], %get3A_486 : memref<128x128xf32, #tpu.memory_space<vmem>>[vector<16xi32>, vector<16xi32>], vector<16xf32>,
            %add3A_550 = arith.constant 29 : i32
            %add3A_551 = vector.broadcast %add3A_550 : i32 to vector<16xi32>
            %add3A_552 = arith.addi %mul3A_46, %add3A_551 : vector<16xi32>
            tpu.vector_store_idx %arg7[%add3A_207, %add3A_552], %get3A_494 : memref<128x128xf32, #tpu.memory_space<vmem>>[vector<16xi32>, vector<16xi32>], vector<16xf32>,
            %add3A_553 = arith.constant 30 : i32
            %add3A_554 = vector.broadcast %add3A_553 : i32 to vector<16xi32>
            %add3A_555 = arith.addi %mul3A_46, %add3A_554 : vector<16xi32>
            tpu.vector_store_idx %arg7[%add3A_207, %add3A_555], %get3A_502 : memref<128x128xf32, #tpu.memory_space<vmem>>[vector<16xi32>, vector<16xi32>], vector<16xf32>,
            %add3A_556 = arith.constant 31 : i32
            %add3A_557 = vector.broadcast %add3A_556 : i32 to vector<16xi32>
            %add3A_558 = arith.addi %mul3A_46, %add3A_557 : vector<16xi32>
            tpu.vector_store_idx %arg7[%add3A_207, %add3A_558], %get3A_510 : memref<128x128xf32, #tpu.memory_space<vmem>>[vector<16xi32>, vector<16xi32>], vector<16xf32>,
          }
          %scan3A_194 = arith.constant 32 : i32
          %mul3A_195 = arith.constant 32 : i32
          %mul3A_196 = arith.muli %add3A_91, %mul3A_195 : i32
          %add3A_197 = arith.addi %add3A, %mul3A_196 : i32
          %mul3A_198 = arith.constant 128 : i32
          %mul3A_199 = arith.muli %add3A_197, %mul3A_198 : i32
          %dma_start3A = arith.constant 0 : i32
          %dma_start3A_200 = tpu.memref_slice %arg3[%mul3A_199, %dma_start3A] : memref<250000x128xf32, #tpu.memory_space<hbm>> -> memref<128x128xf32, #tpu.memory_space<hbm>>
          %dma_start3A_201 = arith.constant 0 : i32
          %dma_start3A_202 = tpu.memref_slice %arg3[%mul3A_199, %dma_start3A_201] : memref<250000x128xf32, #tpu.memory_space<hbm>> -> memref<128x128xf32, #tpu.memory_space<hbm>>
          tpu.enqueue_dma source(%arg7 : memref<128x128xf32, #tpu.memory_space<vmem>>) target(%dma_start3A_202 : memref<128x128xf32, #tpu.memory_space<hbm>>) target_semaphore(%arg11 : memref<!tpu.dma_semaphore, #tpu.memory_space<semaphore_mem>>)
        } else {
        }
        %add3A_117 = arith.constant 2 : i32
        %add3A_118 = arith.addi %add3A_91, %add3A_117 : i32
        %mul3A_119 = arith.constant 32 : i32
        %mul3A_120 = arith.muli %add3A_118, %mul3A_119 : i32
        %add3A_121 = arith.addi %add3A, %mul3A_120 : i32
        %lt3A_122 = arith.constant 1953 : i32
        %lt3A_123 = arith.cmpi slt, %add3A_121, %lt3A_122 : i32
        %convert_element_type3A_124 = arith.extui %lt3A_123 : i1 to i32
        %cond3A_125 = arith.constant 0 : i32
        %cond3A_126 = arith.cmpi ne, %convert_element_type3A_124, %cond3A_125 : i32
        scf.if %cond3A_126 {
          %mul3A_127 = arith.constant 512 : i32
          %mul3A_128 = arith.muli %add3A_121, %mul3A_127 : i32
          %dma_start3A = arith.constant 0 : i32
          %dma_start3A_129 = arith.constant 0 : i32
          %dma_start3A_130 = arith.constant 0 : i32
          %dma_start3A_131 = tpu.memref_slice %arg5[%dma_start3A, %dma_start3A_129, %dma_start3A_130] : memref<4x8x512xf32, #tpu.memory_space<vmem>> -> memref<1x8x512xf32, #tpu.memory_space<vmem>>
          %dma_start3A_132 = tpu.memref_squeeze %dma_start3A_131 : memref<1x8x512xf32, #tpu.memory_space<vmem>> -> memref<8x512xf32, #tpu.memory_space<vmem>>
          %dma_start3A_133 = arith.constant 0 : i32
          %dma_start3A_134 = tpu.memref_slice %arg2[%dma_start3A_133, %mul3A_128] : memref<32x1000000xf32, #tpu.memory_space<hbm>> -> memref<8x512xf32, #tpu.memory_space<hbm>>
          %dma_start3A_135 = arith.constant 0 : i32
          %dma_start3A_136 = arith.constant 0 : i32
          %dma_start3A_137 = tpu.memref_slice %arg5[%dma_start3A, %dma_start3A_135, %dma_start3A_136] : memref<4x8x512xf32, #tpu.memory_space<vmem>> -> memref<1x8x512xf32, #tpu.memory_space<vmem>>
          %dma_start3A_138 = tpu.memref_squeeze %dma_start3A_137 : memref<1x8x512xf32, #tpu.memory_space<vmem>> -> memref<8x512xf32, #tpu.memory_space<vmem>>
          %dma_start3A_139 = arith.constant 0 : i32
          %dma_start3A_140 = tpu.memref_slice %arg2[%dma_start3A_139, %mul3A_128] : memref<32x1000000xf32, #tpu.memory_space<hbm>> -> memref<8x512xf32, #tpu.memory_space<hbm>>
          tpu.enqueue_dma source(%dma_start3A_140 : memref<8x512xf32, #tpu.memory_space<hbm>>) target(%dma_start3A_138 : memref<8x512xf32, #tpu.memory_space<vmem>>) target_semaphore(%arg9 : memref<!tpu.dma_semaphore, #tpu.memory_space<semaphore_mem>>)
          %mul3A_141 = arith.constant 512 : i32
          %mul3A_142 = arith.muli %add3A_121, %mul3A_141 : i32
          %dma_start3A_143 = arith.constant 1 : i32
          %dma_start3A_144 = arith.constant 0 : i32
          %dma_start3A_145 = arith.constant 0 : i32
          %dma_start3A_146 = tpu.memref_slice %arg5[%dma_start3A_143, %dma_start3A_144, %dma_start3A_145] : memref<4x8x512xf32, #tpu.memory_space<vmem>> -> memref<1x8x512xf32, #tpu.memory_space<vmem>>
          %dma_start3A_147 = tpu.memref_squeeze %dma_start3A_146 : memref<1x8x512xf32, #tpu.memory_space<vmem>> -> memref<8x512xf32, #tpu.memory_space<vmem>>
          %dma_start3A_148 = arith.constant 8 : i32
          %dma_start3A_149 = tpu.memref_slice %arg2[%dma_start3A_148, %mul3A_142] : memref<32x1000000xf32, #tpu.memory_space<hbm>> -> memref<8x512xf32, #tpu.memory_space<hbm>>
          %dma_start3A_150 = arith.constant 0 : i32
          %dma_start3A_151 = arith.constant 0 : i32
          %dma_start3A_152 = tpu.memref_slice %arg5[%dma_start3A_143, %dma_start3A_150, %dma_start3A_151] : memref<4x8x512xf32, #tpu.memory_space<vmem>> -> memref<1x8x512xf32, #tpu.memory_space<vmem>>
          %dma_start3A_153 = tpu.memref_squeeze %dma_start3A_152 : memref<1x8x512xf32, #tpu.memory_space<vmem>> -> memref<8x512xf32, #tpu.memory_space<vmem>>
          %dma_start3A_154 = arith.constant 8 : i32
          %dma_start3A_155 = tpu.memref_slice %arg2[%dma_start3A_154, %mul3A_142] : memref<32x1000000xf32, #tpu.memory_space<hbm>> -> memref<8x512xf32, #tpu.memory_space<hbm>>
          tpu.enqueue_dma source(%dma_start3A_155 : memref<8x512xf32, #tpu.memory_space<hbm>>) target(%dma_start3A_153 : memref<8x512xf32, #tpu.memory_space<vmem>>) target_semaphore(%arg9 : memref<!tpu.dma_semaphore, #tpu.memory_space<semaphore_mem>>)
          %mul3A_156 = arith.constant 512 : i32
          %mul3A_157 = arith.muli %add3A_121, %mul3A_156 : i32
          %dma_start3A_158 = arith.constant 2 : i32
          %dma_start3A_159 = arith.constant 0 : i32
          %dma_start3A_160 = arith.constant 0 : i32
          %dma_start3A_161 = tpu.memref_slice %arg5[%dma_start3A_158, %dma_start3A_159, %dma_start3A_160] : memref<4x8x512xf32, #tpu.memory_space<vmem>> -> memref<1x8x512xf32, #tpu.memory_space<vmem>>
          %dma_start3A_162 = tpu.memref_squeeze %dma_start3A_161 : memref<1x8x512xf32, #tpu.memory_space<vmem>> -> memref<8x512xf32, #tpu.memory_space<vmem>>
          %dma_start3A_163 = arith.constant 16 : i32
          %dma_start3A_164 = tpu.memref_slice %arg2[%dma_start3A_163, %mul3A_157] : memref<32x1000000xf32, #tpu.memory_space<hbm>> -> memref<8x512xf32, #tpu.memory_space<hbm>>
          %dma_start3A_165 = arith.constant 0 : i32
          %dma_start3A_166 = arith.constant 0 : i32
          %dma_start3A_167 = tpu.memref_slice %arg5[%dma_start3A_158, %dma_start3A_165, %dma_start3A_166] : memref<4x8x512xf32, #tpu.memory_space<vmem>> -> memref<1x8x512xf32, #tpu.memory_space<vmem>>
          %dma_start3A_168 = tpu.memref_squeeze %dma_start3A_167 : memref<1x8x512xf32, #tpu.memory_space<vmem>> -> memref<8x512xf32, #tpu.memory_space<vmem>>
          %dma_start3A_169 = arith.constant 16 : i32
          %dma_start3A_170 = tpu.memref_slice %arg2[%dma_start3A_169, %mul3A_157] : memref<32x1000000xf32, #tpu.memory_space<hbm>> -> memref<8x512xf32, #tpu.memory_space<hbm>>
          tpu.enqueue_dma source(%dma_start3A_170 : memref<8x512xf32, #tpu.memory_space<hbm>>) target(%dma_start3A_168 : memref<8x512xf32, #tpu.memory_space<vmem>>) target_semaphore(%arg9 : memref<!tpu.dma_semaphore, #tpu.memory_space<semaphore_mem>>)
          %mul3A_171 = arith.constant 512 : i32
          %mul3A_172 = arith.muli %add3A_121, %mul3A_171 : i32
          %dma_start3A_173 = arith.constant 3 : i32
          %dma_start3A_174 = arith.constant 0 : i32
          %dma_start3A_175 = arith.constant 0 : i32
          %dma_start3A_176 = tpu.memref_slice %arg5[%dma_start3A_173, %dma_start3A_174, %dma_start3A_175] : memref<4x8x512xf32, #tpu.memory_space<vmem>> -> memref<1x8x512xf32, #tpu.memory_space<vmem>>
          %dma_start3A_177 = tpu.memref_squeeze %dma_start3A_176 : memref<1x8x512xf32, #tpu.memory_space<vmem>> -> memref<8x512xf32, #tpu.memory_space<vmem>>
          %dma_start3A_178 = arith.constant 24 : i32
          %dma_start3A_179 = tpu.memref_slice %arg2[%dma_start3A_178, %mul3A_172] : memref<32x1000000xf32, #tpu.memory_space<hbm>> -> memref<8x512xf32, #tpu.memory_space<hbm>>
          %dma_start3A_180 = arith.constant 0 : i32
          %dma_start3A_181 = arith.constant 0 : i32
          %dma_start3A_182 = tpu.memref_slice %arg5[%dma_start3A_173, %dma_start3A_180, %dma_start3A_181] : memref<4x8x512xf32, #tpu.memory_space<vmem>> -> memref<1x8x512xf32, #tpu.memory_space<vmem>>
          %dma_start3A_183 = tpu.memref_squeeze %dma_start3A_182 : memref<1x8x512xf32, #tpu.memory_space<vmem>> -> memref<8x512xf32, #tpu.memory_space<vmem>>
          %dma_start3A_184 = arith.constant 24 : i32
          %dma_start3A_185 = tpu.memref_slice %arg2[%dma_start3A_184, %mul3A_172] : memref<32x1000000xf32, #tpu.memory_space<hbm>> -> memref<8x512xf32, #tpu.memory_space<hbm>>
          tpu.enqueue_dma source(%dma_start3A_185 : memref<8x512xf32, #tpu.memory_space<hbm>>) target(%dma_start3A_183 : memref<8x512xf32, #tpu.memory_space<vmem>>) target_semaphore(%arg9 : memref<!tpu.dma_semaphore, #tpu.memory_space<semaphore_mem>>)
        } else {
        }
      } else {
      }
    }
    %scan3A_63 = arith.constant 31 : i32
    %add3A_64 = arith.constant 1920 : i32
    %add3A_65 = arith.addi %add3A, %add3A_64 : i32
    %lt3A_66 = arith.constant 1953 : i32
    %lt3A_67 = arith.cmpi slt, %add3A_65, %lt3A_66 : i32
    %convert_element_type3A_68 = arith.extui %lt3A_67 : i1 to i32
    %cond3A_69 = arith.constant 0 : i32
    %cond3A_70 = arith.cmpi ne, %convert_element_type3A_68, %cond3A_69 : i32
    scf.if %cond3A_70 {
      %add3A_78 = arith.constant 1920 : i32
      %add3A_79 = arith.addi %add3A, %add3A_78 : i32
      %mul3A_80 = arith.constant 128 : i32
      %mul3A_81 = arith.muli %add3A_79, %mul3A_80 : i32
      %dma_wait3A = arith.constant 0 : i32
      %dma_wait3A_82 = tpu.memref_slice %arg3[%mul3A_81, %dma_wait3A] : memref<250000x128xf32, #tpu.memory_space<hbm>> -> memref<128x128xf32, #tpu.memory_space<hbm>>
      %dma_wait3A_83 = arith.constant 0 : i32
      %dma_wait3A_84 = tpu.memref_slice %arg3[%mul3A_81, %dma_wait3A_83] : memref<250000x128xf32, #tpu.memory_space<hbm>> -> memref<128x128xf32, #tpu.memory_space<hbm>>
      tpu.wait_dma2 semaphore(%arg10 : memref<!tpu.dma_semaphore, #tpu.memory_space<semaphore_mem>>) src(%arg6 : memref<128x128xf32, #tpu.memory_space<vmem>>) dst(%dma_wait3A_84 : memref<128x128xf32, #tpu.memory_space<hbm>>)
    } else {
    }
    %add3A_71 = arith.constant 1952 : i32
    %add3A_72 = arith.addi %add3A, %add3A_71 : i32
    %lt3A_73 = arith.constant 1953 : i32
    %lt3A_74 = arith.cmpi slt, %add3A_72, %lt3A_73 : i32
    %convert_element_type3A_75 = arith.extui %lt3A_74 : i1 to i32
    %cond3A_76 = arith.constant 0 : i32
    %cond3A_77 = arith.cmpi ne, %convert_element_type3A_75, %cond3A_76 : i32
    scf.if %cond3A_77 {
      %add3A_78 = arith.constant 1952 : i32
      %add3A_79 = arith.addi %add3A, %add3A_78 : i32
      %mul3A_80 = arith.constant 128 : i32
      %mul3A_81 = arith.muli %add3A_79, %mul3A_80 : i32
      %dma_wait3A = arith.constant 0 : i32
      %dma_wait3A_82 = tpu.memref_slice %arg3[%mul3A_81, %dma_wait3A] : memref<250000x128xf32, #tpu.memory_space<hbm>> -> memref<128x128xf32, #tpu.memory_space<hbm>>
      %dma_wait3A_83 = arith.constant 0 : i32
      %dma_wait3A_84 = tpu.memref_slice %arg3[%mul3A_81, %dma_wait3A_83] : memref<250000x128xf32, #tpu.memory_space<hbm>> -> memref<128x128xf32, #tpu.memory_space<hbm>>
      tpu.wait_dma2 semaphore(%arg11 : memref<!tpu.dma_semaphore, #tpu.memory_space<semaphore_mem>>) src(%arg7 : memref<128x128xf32, #tpu.memory_space<vmem>>) dst(%dma_wait3A_84 : memref<128x128xf32, #tpu.memory_space<hbm>>)
    } else {
    }
    return
  }
}

module attributes {stable_mosaic.version = 14 : i64} {
  func.func @body(%arg0: i32, %arg1: memref<512x32xf32, #tpu.memory_space<vmem>>, %arg2: memref<32x100xf32, #tpu.memory_space<vmem>>, %arg3: memref<1x100xf32, #tpu.memory_space<vmem>>, %arg4: memref<512x100xf32, #tpu.memory_space<vmem>>) attributes {dimension_semantics = [#tpu.dimension_semantics<arbitrary>], iteration_bounds = array<i64: 8>, scalar_prefetch = 0 : i64, scratch_operands = 0 : i64, tpu.core_type = #tpu.core_type<tc>, window_params = [{transform_indices = @transform_0, window_bounds = array<i64: 512, 32>}, {pipeline_mode = #tpu.pipeline_mode<synchronous>, transform_indices = @transform_1, window_bounds = array<i64: 32, 100>}, {pipeline_mode = #tpu.pipeline_mode<synchronous>, transform_indices = @transform_2, window_bounds = array<i64: 1, 100>}, {transform_indices = @transform_3, window_bounds = array<i64: 512, 100>}]} {
    %get3A = arith.constant 0 : index
    %get3A_0 = arith.constant 0 : index
    %get3A_1 = vector.load %arg1[%get3A, %get3A_0] : memref<512x32xf32, #tpu.memory_space<vmem>>, vector<512x32xf32>
    %get3A_2 = arith.constant 0 : index
    %get3A_3 = arith.constant 0 : index
    %get3A_4 = vector.load %arg2[%get3A_2, %get3A_3] : memref<32x100xf32, #tpu.memory_space<vmem>>, vector<32x100xf32>
    %dot_general3A = arith.constant dense<0.000000e+00> : vector<512x100xf32>
    %dot_general3A_5 = tpu.matmul %get3A_1, %get3A_4, %dot_general3A {dimension_numbers = #tpu.dot_dimension_numbers<[1], [0], [0], [1], [0, 0, 1, 1], [], []>, precision = #tpu.contract_precision<fp32>, transpose_lhs_hint = false} : vector<512x32xf32>, vector<32x100xf32>, vector<512x100xf32> -> vector<512x100xf32>
    %get3A_6 = arith.constant 0 : index
    %get3A_7 = arith.constant 0 : index
    %get3A_8 = vector.load %arg3[%get3A_6, %get3A_7] : memref<1x100xf32, #tpu.memory_space<vmem>>, vector<1x100xf32>
    %add3A = vector.broadcast %get3A_8 : vector<1x100xf32> to vector<512x100xf32>
    %add3A_9 = arith.addf %dot_general3A_5, %add3A : vector<512x100xf32>
    %swap3A = arith.constant 0 : index
    %swap3A_10 = arith.constant 0 : index
    %swap3A_11 = vector.load %arg4[%swap3A, %swap3A_10] : memref<512x100xf32, #tpu.memory_space<vmem>>, vector<512x100xf32>
    tpu.vector_store %arg4[%swap3A, %swap3A_10], %add3A_9 {strides = array<i32>} : memref<512x100xf32, #tpu.memory_space<vmem>>, vector<512x100xf32>,
    return
  }
  func.func @transform_0(%arg0: i32) -> (i32, i32) {
    %c0_i32 = arith.constant 0 : i32
    %c0_i32_0 = arith.constant 0 : i32
    return %arg0, %c0_i32 : i32, i32
  }
  func.func @transform_1(%arg0: i32) -> (i32, i32) {
    %c0_i32 = arith.constant 0 : i32
    %c0_i32_0 = arith.constant 0 : i32
    %c0_i32_1 = arith.constant 0 : i32
    return %c0_i32, %c0_i32_0 : i32, i32
  }
  func.func @transform_2(%arg0: i32) -> (i32, i32) {
    %c0_i32 = arith.constant 0 : i32
    %c0_i32_0 = arith.constant 0 : i32
    %c0_i32_1 = arith.constant 0 : i32
    return %c0_i32, %c0_i32_0 : i32, i32
  }
  func.func @transform_3(%arg0: i32) -> (i32, i32) {
    %c0_i32 = arith.constant 0 : i32
    %c0_i32_0 = arith.constant 0 : i32
    return %arg0, %c0_i32 : i32, i32
  }
}

</mosaic_0001>

<sc_bundles>
// kernel: kernel.5.cloned.1.call-start
scs
__scs_entry_jumppad:
0x0: {  	(pc) =	sbr.rel $0x88, $3  }
0x1: {  	(tag) =	ssettag $0x0;
	lr =	simm.s32 $0x1  }
0x2: {  	[smem:$0x3F9D] =	sst lr;
	_ =	strace $0xD0000000  }
0x3: {  	_ = 	snop  }
0x4: {  	_ = 	snop  }
0x5: {  	_ = 	snop  }
0x6: {  	_ = 	snop  }
0x7: {  	_ = 	snop  }
__scs_overlays_trampoline_lowered:
0x8: {  	[smem:$0x3FAC] =	sst s0  }
0x9: {  	[smem:$0x3FAD] =	sst s1  }
0xa: {  	[smem:$0x3FAE] =	sst s2  }
0xb: {  	[smem:$0x3FAF] =	sst s3  }
0xc: {  	[smem:$0x3FB0] =	sst s4  }
0xd: {  	[smem:$0x3FB1] =	sst s5  }
0xe: {  	[smem:$0x3FB2] =	sst s6  }
0xf: {  	[smem:$0x3FB3] =	sst s7  }
0x10: {  	[smem:$0x3FB4] =	sst s8  }
0x11: {  	[smem:$0x3FB5] =	sst s9;
	s0 =	simm.s32 @!p0 $0x0  }
0x12: {  	s1 =	sld [smem:$0x3F9B];
	s0 =	simm.s32 @p0 $0x1  }
0x13: {  	[smem:$0x3FB6] =	sst s0;
	s0 =	simm.s32 @!p1 $0x0  }
0x14: {  	s2 =	sld [smem:$0x3F9A];
	s0 =	simm.s32 @p1 $0x1  }
0x15: {  	[smem:$0x3FB7] =	sst s0;
	s0 =	simm.s32 @!p2 $0x0  }
0x16: {  	s3 =	sld [smem:$0x3FDB];
	s0 =	simm.s32 @p2 $0x1  }
0x17: {  	s4 =	simm.s32 $0x1BF5;
	[smem:$0x3FB9] =	sst s0  }
0x18: {  	s0 =	sld [smem:$0x3F9C];
	_ =	swait.ge [sflag:s4], $0x0  }
0x19: {  	s7 =	sld [smem:$0x3F9D]  }
0x1a: {  	s8 =	sadd.s32 $0xFFFFE003, lr  }
0x1b: {  	s9 =	sadd.s32 $0xFFFFFEF7, lr;
	s5 =	simm.s32 $0xFFFFFFFF;
	p2 =	slt.u32 s8, $0xFFFFF086  }
0x1c: {  	p1 =	slt.u32 s9, $0xF7A;
	s5 =	simm.s32 @!p2 $0x0  }
0x1d: {  	s5 =	simm.s32 @p1 $0x1;
	p0 =	seq.s32 s7, s2  }
0x1e: {  	s7 =	smul.u32 @!p0 $0xF7A, s2;
	p2 =	seq.s32 @!p0 s5, $0x0  }
0x1f: {  	s9 =	smul.u32 $0xF7A, s1;
	s8 =	simm.s32 @!p0 $0x1BF5;
	p2 =	por !p2, p0  }
0x20: {  	[sflag:s8] =	ssyncset.s32 @!p0 $0xFFFFF086;
	s6 =	sadd.s32 @!p0 s3, s7;
	s7 =	simm.s32 @!p0 $0x108  }
0x21: {  	s3 =	sadd.s32 s3, s9;
	s6 =	sadd.s32 @!p0 $0x88, s6;
	s7 =	simm.s32 @p2 $0x1082  }
0x22: {  	[simem:s7], [sflag:s8] =	dma.local @!p0 [hbm:s6], $0xF7A  }
0x23: {  	s9 =	sor.u32 $0xD0000000, s2;
	s6 =	simm.s32 $0x108;
	_ =	swait.ge @!p0 [sflag:s8], $0x0  }
0x24: {  	s3 =	sadd.s32 $0x88, s3;
	s6 =	simm.s32 @!p1 $0x1082;
	[sflag:s4] =	ssyncset.s32 $0xFFFFF086  }
0x25: {  	[simem:s6], [sflag:s4] =	dma.local [hbm:s3], $0xF7A  }
0x26: {  	[smem:$0x3F9D] =	sst s1;
	(tag) =	ssettag s2;
	_ =	strace s9  }
0x27: {  	s1 =	sld [smem:$0x3FAD]  }
0x28: {  	s2 =	sld [smem:$0x3FAE]  }
0x29: {  	s4 =	sld [smem:$0x3FB0]  }
0x2a: {  	p0 =	seq.s32 s5, $0x0;
	s5 =	sld [smem:$0x3FB1]  }
0x2b: {  	s6 =	sld [smem:$0x3FB2]  }
0x2c: {  	s7 =	sld [smem:$0x3FB3]  }
0x2d: {  	s3 =	simm.s32 $0x108;
	s8 =	sld [smem:$0x3FB4]  }
0x2e: {  	s3 =	simm.s32 @!p0 $0x1082;
	s9 =	sld [smem:$0x3FB5]  }
0x2f: {  	lr =	sadd.s32 s0, s3;
	s0 =	sld [smem:$0x3FAC]  }
0x30: {  	s3 =	sld [smem:$0x3FAF]  }
0x31: {  	[smem:$0x3FB8] =	sst s10  }
0x32: {  	s10 =	sld [smem:$0x3FB6];
	_ =	sdelay $0x3  }
0x33: {  	p0 =	seq.s32 s10, $0x1;
	s10 =	sld [smem:$0x3FB8];
	_ =	sdelay $0x3  }
0x34: {  	[smem:$0x3FB8] =	sst s10  }
0x35: {  	s10 =	sld [smem:$0x3FB7];
	_ =	sdelay $0x3  }
0x36: {  	p1 =	seq.s32 s10, $0x1;
	s10 =	sld [smem:$0x3FB8];
	_ =	sdelay $0x3  }
0x37: {  	[smem:$0x3FB8] =	sst s10  }
0x38: {  	s10 =	sld [smem:$0x3FB9]  }
0x39: {  	_ = 	snop;
	(pc) =	sbr.ind lr, $3  }
0x3a: {  	_ = 	snop  }
0x3b: {  	_ = 	snop  }
0x3c: {  	p2 =	seq.s32 s10, $0x1;
	s10 =	sld [smem:$0x3FB8]  }
0x3d: {  	_ =	shalt  }
0x3e: {  	_ =	shalt  }
0x3f: {  	_ =	shalt  }
0x40: {  	_ =	shalt  }
0x41: {  	_ =	shalt  }
0x42: {  	_ =	shalt  }
0x43: {  	_ =	shalt  }
0x44: {  	_ =	shalt  }
0x45: {  	_ =	shalt  }
0x46: {  	_ =	shalt  }
0x47: {  	_ =	shalt  }
0x48: {  	_ =	shalt  }
0x49: {  	_ =	shalt  }
0x4a: {  	_ =	shalt  }
0x4b: {  	_ =	shalt  }
0x4c: {  	_ =	shalt  }
0x4d: {  	_ =	shalt  }
0x4e: {  	_ =	shalt  }
0x4f: {  	_ =	shalt  }
0x50: {  	_ =	shalt  }
0x51: {  	_ =	shalt  }
0x52: {  	_ =	shalt  }
0x53: {  	_ =	shalt  }
0x54: {  	_ =	shalt  }
0x55: {  	_ =	shalt  }
0x56: {  	_ =	shalt  }
0x57: {  	_ =	shalt  }
0x58: {  	_ =	shalt  }
0x59: {  	_ =	shalt  }
0x5a: {  	_ =	shalt  }
0x5b: {  	_ =	shalt  }
0x5c: {  	_ =	shalt  }
0x5d: {  	_ =	shalt  }
0x5e: {  	_ =	shalt  }
0x5f: {  	_ =	shalt  }
0x60: {  	_ =	shalt  }
0x61: {  	_ =	shalt  }
0x62: {  	_ =	shalt  }
0x63: {  	_ =	shalt  }
0x64: {  	_ =	shalt  }
0x65: {  	_ =	shalt  }
0x66: {  	_ =	shalt  }
0x67: {  	_ =	shalt  }
0x68: {  	_ =	shalt  }
0x69: {  	_ =	shalt  }
0x6a: {  	_ =	shalt  }
0x6b: {  	_ =	shalt  }
0x6c: {  	_ =	shalt  }
0x6d: {  	_ =	shalt  }
0x6e: {  	_ =	shalt  }
0x6f: {  	_ =	shalt  }
0x70: {  	_ =	shalt  }
0x71: {  	_ =	shalt  }
0x72: {  	_ =	shalt  }
0x73: {  	_ =	shalt  }
0x74: {  	_ =	shalt  }
0x75: {  	_ =	shalt  }
0x76: {  	_ =	shalt  }
0x77: {  	_ =	shalt  }
0x78: {  	_ =	shalt  }
0x79: {  	_ =	shalt  }
0x7a: {  	_ =	shalt  }
0x7b: {  	_ =	shalt  }
0x7c: {  	_ =	shalt  }
0x7d: {  	_ =	shalt  }
0x7e: {  	_ =	shalt  }
0x7f: {  	_ =	shalt  }
0x80: {  	_ =	shalt  }
0x81: {  	_ =	shalt  }
0x82: {  	_ =	shalt  }
0x83: {  	_ =	shalt  }
0x84: {  	_ =	shalt  }
0x85: {  	_ =	shalt  }
0x86: {  	_ =	shalt  }
0x87: {  	_ =	shalt  }
.Lfunc_end0:
.L_simem_size_0:
called_computation_lowered:
.L_overlay_start_0:
0x88: {  	s2 =	sld [smem:$0x3FD9]  }
0x89: {  	s3 =	sld [smem:$0x3FFE];
	_ =	sdelay $0x1  }
0x8a: {  	s1 =	srdreg.scid  }
0x8b: {  	s0 =	sand.u32 $0x1, s1  }
0x8c: {  	s17 =	sshll.u32 s0, $0xA;
	s2 =	sadd.s32 s3, s2  }
0x8d: {  	s2 =	sadd.s32 s2, s17  }
0x8e: {  	[smem:$0x3FC4] =	sst s2  }
0x8f: {  	_ = 	snop  }
0x90: {  	s2 =	sld [smem:$0x3FC8];
	(tm) =	ssettm $0x1  }
0x91: {  	s18 =	sld [smem:$0x3FFB];
	_ =	sdelay $0x3  }
0x92: {  	_ =	strace s18  }
0x93: {  	s3 =	sld [smem:$0x3FFC];
	_ =	sdelay $0x3  }
0x94: {  	_ =	strace s3  }
0x95: {  	s3 =	sld [smem:$0x3FFD];
	_ =	sdelay $0x3  }
0x96: {  	_ =	strace s3  }
0x97: {  	_ =	strace $0x8FFFFFFF  }
0x98: {  	s19 =	sld [smem:$0x3FDB];
	_ =	sdelay $0x1  }
0x99: {  	s4 =	simm.s32 $_scs_section_size  }
0x9a: {  	s5 =	simm.s32 $_size__tile_overlayer_lowered;
	s6 =	simm.s32 $_tile_overlayer_lowered  }
0x9b: {  	s22 =	simm.s32 $0x1BFF;
	s21 =	sshll.u32 s6, $0x1;
	s3 =	sadd.s32 s4, s19  }
0x9c: {  	s7 =	simm.s32 $0x0;
	s20 =	sshll.u32 s5, $0x1;
	s5 =	sadd.s32 s21, s3  }
0x9d: {  	[timem:s7], [sflag:s22] =	dma.local [hbm:s5], s20  }
0x9e: {  	_ =	swait.ge [sflag:s22], s20  }
0x9f: {  	s4 =	ssub.s32 $0x0, s20;
	[sflag:s22] =	ssyncset.done $0x0  }
0xa0: {  	[sflag:s22] =	ssyncadd.s32 s4;
	_ =	sdelay $0x1  }
0xa1: {  	s23 =	simm.s32 $0x1B8B  }
0xa2: {  	_ =	swait.ge [sflag:s23], $0x1  }
0xa3: {  	[sflag:s23] =	ssyncset.done $0x0  }
0xa4: {  	s25 =	simm.s32 $0x1B8E;
	s24 =	sld [smem:$0x3FFE];
	[sflag:s23] =	ssyncadd.s32 $0xFFFFFFFF  }
0xa5: {  	s26 =	simm.s32 $execute0_lowered;
	[smem:$0x3FD2] =	sst s25  }
0xa6: {  	s5 =	sshll.u32 s26, $0x1;
	_ =	strace $0x80000046;
	[dreg:$0x1] =	wrdreg $0xFFFFFFFF  }
0xa7: {  	s28 =	simm.s32 $_size_execute0_lowered;
	s3 =	sadd.s32 s3, s5;
	[dreg:$0x0] =	wrdreg $0x0  }
0xa8: {  	s5 =	sshll.u32 s28, $0x1;
	[dreg:$0x2] =	wrdreg s3  }
0xa9: {  	[dreg:$0x3] =	wrdreg s5  }
0xaa: {  	[dreg:$0x4] =	wrdreg $0xC0  }
0xab: {  	_ =	task [dreg:s7], $0x5FFFF  }
0xac: {  	[dreg:$0x1] =	wrdreg $0xFFFFFFFF  }
0xad: {  	[dreg:$0x0] =	wrdreg $0x60  }
0xae: {  	[dreg:$0x2] =	wrdreg s2  }
0xaf: {  	[dreg:$0x3] =	wrdreg s24  }
0xb0: {  	[dreg:$0x4] =	wrdreg $0x9  }
0xb1: {  	_ =	task.clear_ibuf [dreg:s7], $0x5FFFF;
	_ =	strace $0x90000046  }
0xb2: {  	s29 =	simm.s32 $0x9;
	_ =	strace $0x80000048  }
0xb3: {  	_ =	swait.ge [sflag:s29], $0x1  }
0xb4: {  	[sflag:s29] =	ssyncadd.s32 $0xFFFFFFFF  }
0xb5: {  	_ =	strace $0x90000048  }
0xb6: {  	_ =	sfence  }
0xb7: {  	s30 =	sld [smem:$0x0];
	_ =	sdelay $0x2  }
0xb8: {  	s31 =	sshll.u32 s1, $0xD;
	s1 =	sshrl.u32 s1, $0x2  }
0xb9: {  	s3 =	sand.u32 $0x4000, s31;
	s1 =	sadd.s32 s1, s30  }
0xba: {  	s0 =	sor.u32 s3, s0;
	s1 =	sshll.u32 s1, $0x11  }
0xbb: {  	s0 =	sor.u32 s1, s0  }
0xbc: {  	s0 =	sadd.s32 $0x8F2B, s0  }
0xbd: {  	[sflag:s0] =	ssyncadd.remote.s32 $0x1  }
0xbe: {  	_ =	sfence.sel $0xFFFF  }
0xbf: {  	[dreg:$0x0] =	wrdreg $0xFFFFFFFF;
	(pc) =	sbr.abs _section_cstart, $3  }
0xc0: {  	[dreg:$0x1] =	wrdreg $0xFFFFFFFF  }
0xc1: {  	_ =	task.clear_ibuf [dreg:s7], $0x2FFFF;
	_ =	strace $0x9FFFFFFF  }
0xc2: {  	(tm) =	ssettm $0x7FFFFFFF  }
0xc3: {  	_ =	shalt  }
tec
execute0_lowered:
.L_overlay_start_1:
0x0: {  	(tag) =	ssettag $0x1  }
0x1: {  	v1 =	vlaneseq.u32  }
0x2: {  	v0 =	vand.u32 $0x3, v1  }
0x3: {  	v0 =	vmul.u32 $0x20, v0  }
0x4: {  	s1 =	rddreg [dreg:$0x0];
	s0 =	srdreg.scid;
	v1 =	vshrl.u32 v1, $0x2  }
0x5: {  	s3 =	stileid.u32;
	s2 =	rddreg [dreg:$0x1];
	s24 =	simm.s32 $0x1;
	v1 =	vmul.u32 $0x80, v1;
	v2 =	vor.u32 $0x1, v0  }
0x6: {  	s25 =	simm.s32 $0x8000;
	s26 =	simm.s32 $0x2;
	s28 =	simm.s32 $0xC000;
	v3 =	vor.u32 $0x2, v0;
	v4 =	vor.u32 $0x3, v0;
	v5 =	vor.u32 $0x4, v0  }
0x7: {  	s29 =	simm.s32 $0x3;
	s30 =	simm.s32 $0x0;
	s0 =	sand.u32 $0x1, s0;
	v6 =	vor.u32 $0x5, v0;
	v7 =	vor.u32 $0x6, v0;
	v8 =	vor.u32 $0x7, v0  }
0x8: {  	s4 =	sshll.u32 s3, $0x1;
	s3 =	simm.s32 $0x0;
	s6 =	sadd.s32 $0xE00, s2;
	v10 =	vor.u32 $0x9, v0;
	v11 =	vor.u32 $0xA, v0;
	v12 =	vor.u32 $0xB, v0  }
0x9: {  	s4 =	sor.u32 s0, s4;
	[smem:$0x7FF] =	sst s3;
	s0 =	ssub.s32 $0x2, s0;
	v13 =	vor.u32 $0xC, v0;
	v14 =	vor.u32 $0xD, v0;
	v15 =	vor.u32 $0xE, v0  }
0xa: {  	s5 =	sshll.u32 s4, $0x9;
	_ =	strace $0x80000047;
	s31 =	sshrl.u32 s0, $0x1;
	v16 =	vor.u32 $0xF, v0;
	v17 =	vor.u32 $0x10, v0;
	v18 =	vor.u32 $0x11, v0  }
.Ltmp0:
0xb: {  	s14 =	sor.u32 $0x40, s4;
	s5 =	sadd.s32 s1, s5;
	v19 =	vor.u32 $0x12, v0;
	v20 =	vor.u32 $0x13, v0;
	v21 =	vor.u32 $0x14, v0;
	(pc) =	sbr.rel .LBB2_1-.Ltmp0, $4  }
0xc: {  	s15 =	sor.u32 $0x60, s4;
	p0 =	sne.s32 s4, $0x0;
	v22 =	vor.u32 $0x15, v0;
	v23 =	vor.u32 $0x16, v0;
	v24 =	vor.u32 $0x17, v0;
	s7 =	sadd.s32 $0x1E8500, s5  }
0xd: {  	s0 =	ssub.s32 s0, s31;
	v25 =	vor.u32 $0x18, v0;
	v26 =	vor.u32 $0x19, v0;
	v27 =	vor.u32 $0x1A, v0;
	s8 =	sadd.s32 $0xF4280, s5;
	s9 =	sadd.s32 $0x2DC780, s5  }
0xe: {  	v9 =	vor.u32 $0x8, v0;
	v28 =	vor.u32 $0x1B, v0;
	v29 =	vor.u32 $0x1C, v0;
	s10 =	sadd.s32 $0x4000, s5;
	s11 =	sadd.s32 $0xF8280, s5;
	s12 =	sadd.s32 $0x1EC500, s5  }
0xf: {  	v30 =	vor.u32 $0x1D, v0;
	v31 =	vor.u32 $0x1E, v0;
	v32 =	vor.u32 $0x1F, v0;
	s13 =	sadd.s32 $0x2E0780, s5;
	s16 =	smax.u32 s0, $0x1;
	[dreg:$0x3] =	wrdreg s7  }
.LBB2_9:
0x10: {  	s30 =	sadd.s32 $0x1, s30  }
0x11: {  	_ =	swait.ge [sflag:s29], $0x4000;
	p1 =	sne.s32 s30, s16  }
.Ltmp1:
0x12: {  	[sflag:s29] =	ssyncset.done $0x0;
	(pc) =	sbr.rel @!p1 .LBB2_10-.Ltmp1, $4  }
0x13: {  	s0 =	simm.s32 @!p0 $0x4;
	[sflag:s29] =	ssyncadd.s32 $0xFFFFC000  }
0x14: {  	_ =	swait.ge @!p0 [sflag:s0], $0x4000  }
0x15: {  	[sflag:s0] =	ssyncset.done @!p0 $0x0  }
0x16: {  	[sflag:s0] =	ssyncadd.s32 @!p0 $0xFFFFC000  }
.LBB2_1:
0x17: {  	[tilespmem:s3], [sflag:$0x1] =	stream.linear.gather [hbm4b:s5+s3], $0x1000, $0x38;
	[tilespmem:$0x10000] =	vst v63  }
0x18: {  	s0 =	simm.s32 $0x1000  }
0x19: {  	[tilespmem:s0], [sflag:$0x1] =	stream.linear.gather [hbm4b:s8+s3], $0x1000, $0x38;
	[tilespmem:$0x10000] =	vst v63  }
0x1a: {  	s18 =	rddreg [dreg:$0x3];
	s2 =	simm.s32 $0x2000  }
0x1b: {  	[tilespmem:s2], [sflag:$0x1] =	stream.linear.gather [hbm4b:s18+s3], $0x1000, $0x38;
	[tilespmem:$0x10000] =	vst v63  }
0x1c: {  	s19 =	simm.s32 $0x3000  }
0x1d: {  	[tilespmem:s19], [sflag:$0x1] =	stream.linear.gather [hbm4b:s9+s3], $0x1000, $0x38;
	[tilespmem:$0x10000] =	vst v63  }
0x1e: {  	s20 =	simm.s32 $0x4000  }
0x1f: {  	[tilespmem:s20], [sflag:$0x2] =	stream.linear.gather [hbm4b:s10+s3], $0x1000, $0x38;
	[tilespmem:$0x10000] =	vst v63  }
0x20: {  	s21 =	simm.s32 $0x5000  }
0x21: {  	[tilespmem:s21], [sflag:$0x2] =	stream.linear.gather [hbm4b:s11+s3], $0x1000, $0x38;
	[tilespmem:$0x10000] =	vst v63  }
.Ltmp2:
0x22: {  	_ = 	snop;
	(pc) =	sbr.rel .LBB2_2-.Ltmp2, $4  }
0x23: {  	s22 =	simm.s32 $0x6000  }
0x24: {  	[tilespmem:s22], [sflag:$0x2] =	stream.linear.gather [hbm4b:s12+s3], $0x1000, $0x38;
	[tilespmem:$0x10000] =	vst v63  }
0x25: {  	s23 =	simm.s32 $0x7000;
	s31 =	simm.s32 $0x0  }
0x26: {  	[tilespmem:s23], [sflag:$0x2] =	stream.linear.gather [hbm4b:s13+s3], $0x1000, $0x38;
	[tilespmem:$0x10000] =	vst v63  }
.LBB2_8:
0x27: {  	s0 =	sadd.s32 s15, s2  }
0x28: {  	p1 =	sgt.u32 s0, $0x7A0  }
0x29: {  	s0 =	sshll.u32 @!p1 s0, $0x9;
	s7 =	simm.s32 @!p1 $0x0  }
0x2a: {  	s17 =	simm.s32 @!p1 $0x4000;
	s2 =	sadd.s32 @!p1 s1, s0;
	s0 =	sand.u32 @!p1 $0x1FFFFE00, s0  }
0x2b: {  	[tilespmem:s17], [sflag:$0x2] =	stream.linear.gather @!p1 [hbm4b:s2+s7], $0x1000, $0x38;
	[tilespmem:$0x10000] =	vst v63  }
0x2c: {  	s0 =	sadd.s32 @!p1 s1, s0  }
0x2d: {  	s17 =	simm.s32 @!p1 $0x5000;
	s2 =	sadd.s32 @!p1 $0xF4280, s0  }
0x2e: {  	[tilespmem:s17], [sflag:$0x2] =	stream.linear.gather @!p1 [hbm4b:s2+s7], $0x1000, $0x38;
	[tilespmem:$0x10000] =	vst v63  }
0x2f: {  	s2 =	sadd.s32 @!p1 $0x1E8500, s0;
	s17 =	simm.s32 @!p1 $0x6000  }
0x30: {  	[tilespmem:s17], [sflag:$0x2] =	stream.linear.gather @!p1 [hbm4b:s2+s7], $0x1000, $0x38;
	[tilespmem:$0x10000] =	vst v63  }
0x31: {  	s31 =	sadd.s32 $0x1, s31;
	s0 =	sadd.s32 @!p1 $0x2DC780, s0;
	s2 =	simm.s32 @!p1 $0x7000  }
0x32: {  	[tilespmem:s2], [sflag:$0x2] =	stream.linear.gather @!p1 [hbm4b:s0+s7], $0x1000, $0x38;
	[tilespmem:$0x10000] =	vst v63  }
0x33: {  	p1 =	sne.s32 s31, $0x1F  }
.Ltmp3:
0x34: {  	_ = 	snop;
	(pc) =	sbr.rel @!p1 .LBB2_9-.Ltmp3, $1  }
0x35: {  	_ =	sdelay $0x3  }
.LBB2_2:
0x36: {  	p1 =	seq.s32 s31, $0x0  }
0x37: {  	s0 =	simm.s32 @!p1 $0x3  }
0x38: {  	_ =	swait.ge @!p1 [sflag:s0], $0x4000  }
0x39: {  	[sflag:s0] =	ssyncset.done @!p1 $0x0  }
0x3a: {  	[sflag:s0] =	ssyncadd.s32 @!p1 $0xFFFFC000  }
0x3b: {  	_ =	swait.ge [sflag:s24], $0x1000  }
0x3c: {  	[sflag:s24] =	ssyncset.done $0x0  }
0x3d: {  	[sflag:s24] =	ssyncadd.s32 $0xFFFFF000  }
0x3e: {  	_ =	swait.ge [sflag:s24], $0x1000  }
0x3f: {  	[sflag:s24] =	ssyncset.done $0x0  }
0x40: {  	[sflag:s24] =	ssyncadd.s32 $0xFFFFF000  }
0x41: {  	_ =	swait.ge [sflag:s24], $0x1000  }
0x42: {  	[sflag:s24] =	ssyncset.done $0x0  }
0x43: {  	[sflag:s24] =	ssyncadd.s32 $0xFFFFF000  }
0x44: {  	s0 =	simm.s32 $0x0;
	_ =	swait.ge [sflag:s24], $0x1000  }
0x45: {  	s2 =	sor.u32 s0, s0;
	s17 =	sand.u32 $0x70, s0;
	[sflag:s24] =	ssyncset.done $0x0  }
0x46: {  	s18 =	sand.u32 $0xC00, s0;
	s2 =	sor.u32 $0x380, s2;
	[sflag:s24] =	ssyncadd.s32 $0xFFFFF000  }
0x47: {  	s17 =	sor.u32 s17, s18;
	v34 =	vld [tilespmem:s2+$0x0]  }
0x48: {  	v35 =	vld [tilespmem:s17+$0x1380]  }
0x49: {  	v36 =	vld [tilespmem:s17+$0x1300]  }
0x4a: {  	v37 =	vld [tilespmem:s17+$0x200]  }
0x4b: {  	v38 =	vld [tilespmem:s17+$0x180]  }
0x4c: {  	v39 =	vld [tilespmem:s17+$0x100]  }
0x4d: {  	v40 =	vld [tilespmem:s17+$0x80]  }
0x4e: {  	v33 =	vmov s0;
	v41 =	vld [tilespmem:s17+$0x0]  }
0x4f: {  	v33 =	vshll.u32 v33, $0x7;
	v42 =	vld [tilespmem:s17+$0x280]  }
0x50: {  	v33 =	vor.u32 v1, v33;
	v43 =	vld [tilespmem:s17+$0x300]  }
0x51: {  	v45 =	vor.u32 v0, v33;
	v44 =	vld [tilespmem:s17+$0x1280]  }
0x52: {  	v47 =	vor.u32 v2, v33;
	v46 =	vld [tilespmem:s17+$0x1000]  }
0x53: {  	v49 =	vor.u32 v3, v33;
	v48 =	vld [tilespmem:s17+$0x1080]  }
0x54: {  	v51 =	vor.u32 v4, v33;
	v50 =	vld [tilespmem:s17+$0x1100]  }
0x55: {  	v53 =	vor.u32 v5, v33;
	v52 =	vld [tilespmem:s17+$0x1180]  }
0x56: {  	v55 =	vor.u32 v6, v33;
	v54 =	vld [tilespmem:s17+$0x1200];
	[tilespmem:v45+s25+$0x0] =	vst.idx.msk $0xffff, v41  }
0x57: {  	v45 =	vor.u32 v7, v33;
	[tilespmem:v47+s25+$0x0] =	vst.idx.msk $0xffff, v40  }
0x58: {  	v47 =	vor.u32 v8, v33;
	[tilespmem:v49+s25+$0x0] =	vst.idx.msk $0xffff, v39  }
0x59: {  	v49 =	vor.u32 v9, v33;
	[tilespmem:v51+s25+$0x0] =	vst.idx.msk $0xffff, v38  }
0x5a: {  	v56 =	vor.u32 v10, v33;
	[tilespmem:v53+s25+$0x0] =	vst.idx.msk $0xffff, v37  }
0x5b: {  	v57 =	vor.u32 v11, v33;
	[tilespmem:v55+s25+$0x0] =	vst.idx.msk $0xffff, v42  }
0x5c: {  	v58 =	vor.u32 v12, v33;
	[tilespmem:v45+s25+$0x0] =	vst.idx.msk $0xffff, v43  }
0x5d: {  	v59 =	vor.u32 v13, v33;
	[tilespmem:v47+s25+$0x0] =	vst.idx.msk $0xffff, v34  }
0x5e: {  	v60 =	vor.u32 v14, v33;
	[tilespmem:v49+s25+$0x0] =	vst.idx.msk $0xffff, v46  }
0x5f: {  	v61 =	vor.u32 v15, v33;
	[tilespmem:v56+s25+$0x0] =	vst.idx.msk $0xffff, v48  }
0x60: {  	v62 =	vor.u32 v16, v33;
	[tilespmem:v57+s25+$0x0] =	vst.idx.msk $0xffff, v50  }
0x61: {  	[tilespmem:v58+s25+$0x0] =	vst.idx.msk $0xffff, v52  }
0x62: {  	[tilespmem:v59+s25+$0x0] =	vst.idx.msk $0xffff, v54  }
0x63: {  	[tilespmem:v60+s25+$0x0] =	vst.idx.msk $0xffff, v44  }
0x64: {  	[tilespmem:v61+s25+$0x0] =	vst.idx.msk $0xffff, v36  }
0x65: {  	[tilespmem:v62+s25+$0x0] =	vst.idx.msk $0xffff, v35  }
0x66: {  	v35 =	vld [tilespmem:s17+$0x3380]  }
0x67: {  	v39 =	vld [tilespmem:s17+$0x2280]  }
0x68: {  	v42 =	vld [tilespmem:s17+$0x2200]  }
0x69: {  	v36 =	vld [tilespmem:s17+$0x3100]  }
0x6a: {  	v37 =	vld [tilespmem:s17+$0x3080]  }
0x6b: {  	v40 =	vld [tilespmem:s17+$0x2380]  }
0x6c: {  	v44 =	vld [tilespmem:s17+$0x2300]  }
0x6d: {  	v46 =	vld [tilespmem:s17+$0x2180]  }
0x6e: {  	v47 =	vld [tilespmem:s17+$0x2100]  }
0x6f: {  	v49 =	vld [tilespmem:s17+$0x2080]  }
0x70: {  	v63 =	vor.u32 v17, v33;
	v56 =	vld [tilespmem:s17+$0x2000]  }
0x71: {  	v54 =	vor.u32 v18, v33;
	v38 =	vld [tilespmem:s17+$0x3300]  }
0x72: {  	v55 =	vor.u32 v19, v33;
	v41 =	vld [tilespmem:s17+$0x3280]  }
0x73: {  	v51 =	vor.u32 v20, v33;
	v43 =	vld [tilespmem:s17+$0x3200]  }
0x74: {  	s2 =	sshll.u32 s31, $0x6;
	v53 =	vor.u32 v23, v33;
	v50 =	vor.u32 v21, v33;
	v45 =	vld [tilespmem:s17+$0x3180]  }
0x75: {  	s19 =	simm.s32 $0x0;
	s18 =	simm.s32 $0x4;
	v34 =	vor.u32 v24, v33;
	v52 =	vor.u32 v22, v33;
	v48 =	vld [tilespmem:s17+$0x3000];
	s17 =	sor.u32 s4, s2;
	[tilespmem:v63+s25+$0x0] =	vst.idx.msk $0xffff, v56  }
.LBB2_3:
0x76: {  	p2 =	sne.s32 s18, $0x7C;
	[tilespmem:v54+s25+$0x0] =	vst.idx.msk $0xffff, v49;
	s0 =	sadd.s32 $0x80, s0;
	s19 =	sadd.s32 $0x10, s19  }
0x77: {  	s21 =	smov.u32 s18;
	s18 =	sadd.s32 $0x4, s18;
	[tilespmem:v55+s25+$0x0] =	vst.idx.msk $0xffff, v47;
	v47 =	vor.u32 v25, v33  }
0x78: {  	[tilespmem:v51+s25+$0x0] =	vst.idx.msk $0xffff, v46;
	v46 =	vor.u32 v26, v33  }
0x79: {  	[tilespmem:v50+s25+$0x0] =	vst.idx.msk $0xffff, v42;
	v42 =	vor.u32 v27, v33  }
0x7a: {  	[tilespmem:v52+s25+$0x0] =	vst.idx.msk $0xffff, v39;
	v39 =	vor.u32 v28, v33  }
0x7b: {  	[tilespmem:v53+s25+$0x0] =	vst.idx.msk $0xffff, v44;
	v44 =	vor.u32 v29, v33  }
0x7c: {  	[tilespmem:v34+s25+$0x0] =	vst.idx.msk $0xffff, v40;
	v34 =	vor.u32 v30, v33  }
0x7d: {  	v40 =	vor.u32 v31, v33;
	[tilespmem:v47+s25+$0x0] =	vst.idx.msk $0xffff, v48  }
0x7e: {  	v33 =	vor.u32 v32, v33;
	[tilespmem:v46+s25+$0x0] =	vst.idx.msk $0xffff, v37  }
0x7f: {  	[tilespmem:v42+s25+$0x0] =	vst.idx.msk $0xffff, v36  }
0x80: {  	[tilespmem:v39+s25+$0x0] =	vst.idx.msk $0xffff, v45  }
0x81: {  	[tilespmem:v44+s25+$0x0] =	vst.idx.msk $0xffff, v43  }
0x82: {  	[tilespmem:v34+s25+$0x0] =	vst.idx.msk $0xffff, v41  }
0x83: {  	s20 =	sor.u32 s0, s19;
	[tilespmem:v40+s25+$0x0] =	vst.idx.msk $0xffff, v38  }
0x84: {  	s22 =	sand.u32 $0x70, s19;
	s23 =	sand.u32 $0xC00, s0;
	s7 =	sor.u32 $0x380, s20;
	[tilespmem:v33+s25+$0x0] =	vst.idx.msk $0xffff, v35  }
0x85: {  	s20 =	sor.u32 s22, s23;
	v35 =	vld [tilespmem:s7+$0x0]  }
0x86: {  	v36 =	vld [tilespmem:s20+$0x1380]  }
0x87: {  	v37 =	vld [tilespmem:s20+$0x1300]  }
0x88: {  	v38 =	vld [tilespmem:s20+$0x200]  }
0x89: {  	v39 =	vld [tilespmem:s20+$0x180]  }
0x8a: {  	v33 =	vmov s21;
	v40 =	vld [tilespmem:s20+$0x100]  }
0x8b: {  	v33 =	vshll.u32 v33, $0x7;
	v41 =	vld [tilespmem:s20+$0x80]  }
0x8c: {  	v33 =	vor.u32 v1, v33;
	v42 =	vld [tilespmem:s20+$0x0]  }
0x8d: {  	v44 =	vor.u32 v0, v33;
	v34 =	vor.u32 v24, v33;
	v43 =	vld [tilespmem:s20+$0x280]  }
0x8e: {  	v46 =	vor.u32 v2, v33;
	v45 =	vld [tilespmem:s20+$0x300]  }
0x8f: {  	v48 =	vor.u32 v3, v33;
	v47 =	vld [tilespmem:s20+$0x1280]  }
0x90: {  	v50 =	vor.u32 v4, v33;
	v49 =	vld [tilespmem:s20+$0x1000]  }
0x91: {  	v52 =	vor.u32 v5, v33;
	v51 =	vld [tilespmem:s20+$0x1080]  }
0x92: {  	v54 =	vor.u32 v6, v33;
	v53 =	vld [tilespmem:s20+$0x1100]  }
0x93: {  	v56 =	vor.u32 v7, v33;
	v55 =	vld [tilespmem:s20+$0x1180]  }
0x94: {  	v58 =	vor.u32 v8, v33;
	v57 =	vld [tilespmem:s20+$0x1200]  }
0x95: {  	[tilespmem:v44+s25+$0x0] =	vst.idx.msk $0xffff, v42;
	v42 =	vor.u32 v9, v33  }
0x96: {  	[tilespmem:v46+s25+$0x0] =	vst.idx.msk $0xffff, v41;
	v41 =	vor.u32 v10, v33  }
0x97: {  	[tilespmem:v48+s25+$0x0] =	vst.idx.msk $0xffff, v40;
	v40 =	vor.u32 v11, v33  }
0x98: {  	[tilespmem:v50+s25+$0x0] =	vst.idx.msk $0xffff, v39;
	v39 =	vor.u32 v12, v33  }
0x99: {  	[tilespmem:v52+s25+$0x0] =	vst.idx.msk $0xffff, v38;
	v38 =	vor.u32 v13, v33  }
0x9a: {  	[tilespmem:v54+s25+$0x0] =	vst.idx.msk $0xffff, v43;
	v43 =	vor.u32 v14, v33  }
0x9b: {  	v44 =	vor.u32 v15, v33;
	[tilespmem:v56+s25+$0x0] =	vst.idx.msk $0xffff, v45  }
0x9c: {  	[tilespmem:v58+s25+$0x0] =	vst.idx.msk $0xffff, v35  }
0x9d: {  	[tilespmem:v42+s25+$0x0] =	vst.idx.msk $0xffff, v49  }
0x9e: {  	[tilespmem:v41+s25+$0x0] =	vst.idx.msk $0xffff, v51  }
0x9f: {  	v35 =	vor.u32 v16, v33;
	[tilespmem:v40+s25+$0x0] =	vst.idx.msk $0xffff, v53  }
0xa0: {  	[tilespmem:v39+s25+$0x0] =	vst.idx.msk $0xffff, v55  }
0xa1: {  	[tilespmem:v38+s25+$0x0] =	vst.idx.msk $0xffff, v57  }
0xa2: {  	[tilespmem:v43+s25+$0x0] =	vst.idx.msk $0xffff, v47  }
0xa3: {  	[tilespmem:v44+s25+$0x0] =	vst.idx.msk $0xffff, v37  }
0xa4: {  	[tilespmem:v35+s25+$0x0] =	vst.idx.msk $0xffff, v36  }
0xa5: {  	v35 =	vld [tilespmem:s20+$0x3380]  }
0xa6: {  	v39 =	vld [tilespmem:s20+$0x2280]  }
0xa7: {  	v42 =	vld [tilespmem:s20+$0x2200]  }
0xa8: {  	v36 =	vld [tilespmem:s20+$0x3100]  }
0xa9: {  	v37 =	vld [tilespmem:s20+$0x3080]  }
0xaa: {  	v40 =	vld [tilespmem:s20+$0x2380]  }
0xab: {  	v44 =	vld [tilespmem:s20+$0x2300]  }
0xac: {  	v46 =	vld [tilespmem:s20+$0x2180]  }
0xad: {  	v47 =	vld [tilespmem:s20+$0x2100]  }
0xae: {  	v49 =	vld [tilespmem:s20+$0x2080]  }
0xaf: {  	v53 =	vor.u32 v17, v33;
	v38 =	vld [tilespmem:s20+$0x3300]  }
0xb0: {  	v54 =	vor.u32 v18, v33;
	v56 =	vld [tilespmem:s20+$0x2000]  }
.Ltmp4:
0xb1: {  	v55 =	vor.u32 v19, v33;
	v41 =	vld [tilespmem:s20+$0x3280];
	(pc) =	sbr.rel @p2 .LBB2_3-.Ltmp4, $4  }
0xb2: {  	v51 =	vor.u32 v20, v33;
	v43 =	vld [tilespmem:s20+$0x3200]  }
0xb3: {  	v50 =	vor.u32 v21, v33;
	v45 =	vld [tilespmem:s20+$0x3180]  }
0xb4: {  	v52 =	vor.u32 v22, v33;
	v48 =	vld [tilespmem:s20+$0x3000]  }
0xb5: {  	[tilespmem:v53+s25+$0x0] =	vst.idx.msk $0xffff, v56;
	v53 =	vor.u32 v23, v33  }
0xb6: {  	_ =	sdelay $0x3  }
0xb7: {  	[tilespmem:v54+s25+$0x0] =	vst.idx.msk $0xffff, v49  }
0xb8: {  	[tilespmem:v55+s25+$0x0] =	vst.idx.msk $0xffff, v47  }
0xb9: {  	v56 =	vor.u32 v25, v33;
	[tilespmem:v51+s25+$0x0] =	vst.idx.msk $0xffff, v46  }
0xba: {  	v57 =	vor.u32 v26, v33;
	[tilespmem:v50+s25+$0x0] =	vst.idx.msk $0xffff, v42  }
0xbb: {  	v58 =	vor.u32 v27, v33;
	[tilespmem:v52+s25+$0x0] =	vst.idx.msk $0xffff, v39  }
0xbc: {  	v59 =	vor.u32 v28, v33;
	[tilespmem:v53+s25+$0x0] =	vst.idx.msk $0xffff, v44  }
0xbd: {  	v60 =	vor.u32 v29, v33;
	[tilespmem:v34+s25+$0x0] =	vst.idx.msk $0xffff, v40  }
0xbe: {  	v61 =	vor.u32 v30, v33;
	[tilespmem:v56+s25+$0x0] =	vst.idx.msk $0xffff, v48  }
0xbf: {  	v62 =	vor.u32 v31, v33;
	[tilespmem:v57+s25+$0x0] =	vst.idx.msk $0xffff, v37  }
0xc0: {  	v63 =	vor.u32 v32, v33;
	[tilespmem:v58+s25+$0x0] =	vst.idx.msk $0xffff, v36  }
0xc1: {  	[tilespmem:v59+s25+$0x0] =	vst.idx.msk $0xffff, v45  }
0xc2: {  	[tilespmem:v60+s25+$0x0] =	vst.idx.msk $0xffff, v43  }
0xc3: {  	[tilespmem:v61+s25+$0x0] =	vst.idx.msk $0xffff, v41  }
0xc4: {  	s0 =	sshll.u32 s17, $0xB;
	[tilespmem:v62+s25+$0x0] =	vst.idx.msk $0xffff, v38  }
0xc5: {  	s0 =	sadd.s32 s6, s0;
	[tilespmem:v63+s25+$0x0] =	vst.idx.msk $0xffff, v35  }
0xc6: {  	[hbm4b:s0+s3] =	stream.linear.scatter [tilespmem:s25], [sflag:$0x3], $0x4000, $0x38;
	[tilespmem:$0x10000] =	vst v63  }
0xc7: {  	s0 =	sadd.s32 s14, s2  }
0xc8: {  	p2 =	sgt.u32 s0, $0x7A0  }
0xc9: {  	s0 =	sshll.u32 @!p2 s0, $0x9  }
0xca: {  	s18 =	simm.s32 @!p2 $0x0;
	s7 =	sadd.s32 @!p2 s1, s0;
	s0 =	sand.u32 @!p2 $0x1FFFFE00, s0  }
0xcb: {  	[tilespmem:s18], [sflag:$0x1] =	stream.linear.gather @!p2 [hbm4b:s7+s18], $0x1000, $0x38;
	[tilespmem:$0x10000] =	vst v63  }
0xcc: {  	s0 =	sadd.s32 @!p2 s1, s0  }
0xcd: {  	s19 =	simm.s32 @!p2 $0x1000;
	s7 =	sadd.s32 @!p2 $0xF4280, s0  }
0xce: {  	[tilespmem:s19], [sflag:$0x1] =	stream.linear.gather @!p2 [hbm4b:s7+s18], $0x1000, $0x38;
	[tilespmem:$0x10000] =	vst v63  }
0xcf: {  	s7 =	sadd.s32 @!p2 $0x1E8500, s0;
	s19 =	simm.s32 @!p2 $0x2000  }
0xd0: {  	[tilespmem:s19], [sflag:$0x1] =	stream.linear.gather @!p2 [hbm4b:s7+s18], $0x1000, $0x38;
	[tilespmem:$0x10000] =	vst v63  }
0xd1: {  	s0 =	sadd.s32 @!p2 $0x2DC780, s0;
	s7 =	simm.s32 @!p2 $0x3000  }
0xd2: {  	[tilespmem:s7], [sflag:$0x1] =	stream.linear.gather @!p2 [hbm4b:s0+s18], $0x1000, $0x38;
	[tilespmem:$0x10000] =	vst v63  }
0xd3: {  	s0 =	sor.u32 $0x20, s17  }
0xd4: {  	p2 =	sgt.u32 s0, $0x7A0  }
.Ltmp5:
0xd5: {  	_ = 	snop;
	(pc) =	sbr.rel @p2 .LBB2_8-.Ltmp5, $4  }
0xd6: {  	s7 =	simm.s32 @!p1 $0x4  }
0xd7: {  	_ =	swait.ge @!p1 [sflag:s7], $0x4000  }
0xd8: {  	[sflag:s7] =	ssyncset.done @!p1 $0x0  }
0xd9: {  	[sflag:s7] =	ssyncadd.s32 @!p1 $0xFFFFC000  }
0xda: {  	_ =	swait.ge [sflag:s26], $0x1000  }
0xdb: {  	[sflag:s26] =	ssyncset.done $0x0  }
0xdc: {  	[sflag:s26] =	ssyncadd.s32 $0xFFFFF000  }
0xdd: {  	_ =	swait.ge [sflag:s26], $0x1000  }
0xde: {  	[sflag:s26] =	ssyncset.done $0x0  }
0xdf: {  	[sflag:s26] =	ssyncadd.s32 $0xFFFFF000  }
0xe0: {  	_ =	swait.ge [sflag:s26], $0x1000  }
0xe1: {  	[sflag:s26] =	ssyncset.done $0x0  }
0xe2: {  	[sflag:s26] =	ssyncadd.s32 $0xFFFFF000  }
0xe3: {  	s17 =	simm.s32 $0x0;
	_ =	swait.ge [sflag:s26], $0x1000  }
0xe4: {  	s7 =	sor.u32 s17, s17;
	s18 =	sand.u32 $0x70, s17;
	[sflag:s26] =	ssyncset.done $0x0  }
0xe5: {  	s19 =	sand.u32 $0xC00, s17;
	s7 =	sor.u32 $0x380, s7;
	[sflag:s26] =	ssyncadd.s32 $0xFFFFF000  }
0xe6: {  	s18 =	sor.u32 s18, s19;
	v34 =	vld [tilespmem:s7+$0x4000]  }
0xe7: {  	v35 =	vld [tilespmem:s18+$0x5380]  }
0xe8: {  	v36 =	vld [tilespmem:s18+$0x5300]  }
0xe9: {  	v37 =	vld [tilespmem:s18+$0x4200]  }
0xea: {  	v38 =	vld [tilespmem:s18+$0x4180]  }
0xeb: {  	v39 =	vld [tilespmem:s18+$0x4100]  }
0xec: {  	v40 =	vld [tilespmem:s18+$0x4080]  }
0xed: {  	v33 =	vmov s17;
	v41 =	vld [tilespmem:s18+$0x4000]  }
0xee: {  	v33 =	vshll.u32 v33, $0x7;
	v42 =	vld [tilespmem:s18+$0x4280]  }
0xef: {  	v33 =	vor.u32 v1, v33;
	v43 =	vld [tilespmem:s18+$0x4300]  }
0xf0: {  	v45 =	vor.u32 v0, v33;
	v44 =	vld [tilespmem:s18+$0x5280]  }
0xf1: {  	v47 =	vor.u32 v2, v33;
	v46 =	vld [tilespmem:s18+$0x5000]  }
0xf2: {  	v49 =	vor.u32 v3, v33;
	v48 =	vld [tilespmem:s18+$0x5080]  }
0xf3: {  	v51 =	vor.u32 v4, v33;
	v50 =	vld [tilespmem:s18+$0x5100]  }
0xf4: {  	v53 =	vor.u32 v5, v33;
	v52 =	vld [tilespmem:s18+$0x5180]  }
0xf5: {  	v55 =	vor.u32 v6, v33;
	v54 =	vld [tilespmem:s18+$0x5200];
	[tilespmem:v45+s28+$0x0] =	vst.idx.msk $0xffff, v41  }
0xf6: {  	v45 =	vor.u32 v7, v33;
	[tilespmem:v47+s28+$0x0] =	vst.idx.msk $0xffff, v40  }
0xf7: {  	v47 =	vor.u32 v8, v33;
	[tilespmem:v49+s28+$0x0] =	vst.idx.msk $0xffff, v39  }
0xf8: {  	v49 =	vor.u32 v9, v33;
	[tilespmem:v51+s28+$0x0] =	vst.idx.msk $0xffff, v38  }
0xf9: {  	v56 =	vor.u32 v10, v33;
	[tilespmem:v53+s28+$0x0] =	vst.idx.msk $0xffff, v37  }
0xfa: {  	v57 =	vor.u32 v11, v33;
	[tilespmem:v55+s28+$0x0] =	vst.idx.msk $0xffff, v42  }
0xfb: {  	v58 =	vor.u32 v12, v33;
	[tilespmem:v45+s28+$0x0] =	vst.idx.msk $0xffff, v43  }
0xfc: {  	v59 =	vor.u32 v13, v33;
	[tilespmem:v47+s28+$0x0] =	vst.idx.msk $0xffff, v34  }
0xfd: {  	v60 =	vor.u32 v14, v33;
	[tilespmem:v49+s28+$0x0] =	vst.idx.msk $0xffff, v46  }
0xfe: {  	v61 =	vor.u32 v15, v33;
	[tilespmem:v56+s28+$0x0] =	vst.idx.msk $0xffff, v48  }
0xff: {  	v62 =	vor.u32 v16, v33;
	[tilespmem:v57+s28+$0x0] =	vst.idx.msk $0xffff, v50  }
0x100: {  	[tilespmem:v58+s28+$0x0] =	vst.idx.msk $0xffff, v52  }
0x101: {  	[tilespmem:v59+s28+$0x0] =	vst.idx.msk $0xffff, v54  }
0x102: {  	[tilespmem:v60+s28+$0x0] =	vst.idx.msk $0xffff, v44  }
0x103: {  	[tilespmem:v61+s28+$0x0] =	vst.idx.msk $0xffff, v36  }
0x104: {  	[tilespmem:v62+s28+$0x0] =	vst.idx.msk $0xffff, v35  }
0x105: {  	v35 =	vld [tilespmem:s18+$0x7380]  }
0x106: {  	v39 =	vld [tilespmem:s18+$0x6280]  }
0x107: {  	v42 =	vld [tilespmem:s18+$0x6200]  }
0x108: {  	v36 =	vld [tilespmem:s18+$0x7100]  }
0x109: {  	v37 =	vld [tilespmem:s18+$0x7080]  }
0x10a: {  	v40 =	vld [tilespmem:s18+$0x6380]  }
0x10b: {  	v44 =	vld [tilespmem:s18+$0x6300]  }
0x10c: {  	v46 =	vld [tilespmem:s18+$0x6180]  }
0x10d: {  	v47 =	vld [tilespmem:s18+$0x6100]  }
0x10e: {  	v49 =	vld [tilespmem:s18+$0x6080]  }
0x10f: {  	v63 =	vor.u32 v17, v33;
	v56 =	vld [tilespmem:s18+$0x6000]  }
0x110: {  	v54 =	vor.u32 v18, v33;
	v38 =	vld [tilespmem:s18+$0x7300]  }
0x111: {  	v55 =	vor.u32 v19, v33;
	v41 =	vld [tilespmem:s18+$0x7280]  }
0x112: {  	v51 =	vor.u32 v20, v33;
	v43 =	vld [tilespmem:s18+$0x7200]  }
0x113: {  	v53 =	vor.u32 v23, v33;
	v50 =	vor.u32 v21, v33;
	v45 =	vld [tilespmem:s18+$0x7180]  }
0x114: {  	s19 =	simm.s32 $0x0;
	v34 =	vor.u32 v24, v33;
	v52 =	vor.u32 v22, v33;
	v48 =	vld [tilespmem:s18+$0x7000];
	s18 =	simm.s32 $0x4;
	[tilespmem:v63+s28+$0x0] =	vst.idx.msk $0xffff, v56  }
.LBB2_6:
0x115: {  	p1 =	sne.s32 s18, $0x7C;
	[tilespmem:v54+s28+$0x0] =	vst.idx.msk $0xffff, v49;
	s17 =	sadd.s32 $0x80, s17;
	s19 =	sadd.s32 $0x10, s19  }
0x116: {  	s7 =	smov.u32 s18;
	s18 =	sadd.s32 $0x4, s18;
	[tilespmem:v55+s28+$0x0] =	vst.idx.msk $0xffff, v47;
	v47 =	vor.u32 v25, v33  }
0x117: {  	[tilespmem:v51+s28+$0x0] =	vst.idx.msk $0xffff, v46;
	v46 =	vor.u32 v26, v33  }
0x118: {  	[tilespmem:v50+s28+$0x0] =	vst.idx.msk $0xffff, v42;
	v42 =	vor.u32 v27, v33  }
0x119: {  	[tilespmem:v52+s28+$0x0] =	vst.idx.msk $0xffff, v39;
	v39 =	vor.u32 v28, v33  }
0x11a: {  	[tilespmem:v53+s28+$0x0] =	vst.idx.msk $0xffff, v44;
	v44 =	vor.u32 v29, v33  }
0x11b: {  	[tilespmem:v34+s28+$0x0] =	vst.idx.msk $0xffff, v40;
	v34 =	vor.u32 v30, v33  }
0x11c: {  	v40 =	vor.u32 v31, v33;
	[tilespmem:v47+s28+$0x0] =	vst.idx.msk $0xffff, v48  }
0x11d: {  	v33 =	vor.u32 v32, v33;
	[tilespmem:v46+s28+$0x0] =	vst.idx.msk $0xffff, v37  }
0x11e: {  	[tilespmem:v42+s28+$0x0] =	vst.idx.msk $0xffff, v36  }
0x11f: {  	[tilespmem:v39+s28+$0x0] =	vst.idx.msk $0xffff, v45  }
0x120: {  	[tilespmem:v44+s28+$0x0] =	vst.idx.msk $0xffff, v43  }
0x121: {  	[tilespmem:v34+s28+$0x0] =	vst.idx.msk $0xffff, v41  }
0x122: {  	s20 =	sor.u32 s17, s19;
	[tilespmem:v40+s28+$0x0] =	vst.idx.msk $0xffff, v38  }
0x123: {  	s21 =	sand.u32 $0x70, s19;
	s22 =	sand.u32 $0xC00, s17;
	s23 =	sor.u32 $0x380, s20;
	[tilespmem:v33+s28+$0x0] =	vst.idx.msk $0xffff, v35  }
0x124: {  	s20 =	sor.u32 s21, s22;
	v35 =	vld [tilespmem:s23+$0x4000]  }
0x125: {  	v36 =	vld [tilespmem:s20+$0x5380]  }
0x126: {  	v37 =	vld [tilespmem:s20+$0x5300]  }
0x127: {  	v38 =	vld [tilespmem:s20+$0x4200]  }
0x128: {  	v39 =	vld [tilespmem:s20+$0x4180]  }
0x129: {  	v33 =	vmov s7;
	v40 =	vld [tilespmem:s20+$0x4100]  }
0x12a: {  	v33 =	vshll.u32 v33, $0x7;
	v41 =	vld [tilespmem:s20+$0x4080]  }
0x12b: {  	v33 =	vor.u32 v1, v33;
	v42 =	vld [tilespmem:s20+$0x4000]  }
0x12c: {  	v44 =	vor.u32 v0, v33;
	v34 =	vor.u32 v24, v33;
	v43 =	vld [tilespmem:s20+$0x4280]  }
0x12d: {  	v46 =	vor.u32 v2, v33;
	v45 =	vld [tilespmem:s20+$0x4300]  }
0x12e: {  	v48 =	vor.u32 v3, v33;
	v47 =	vld [tilespmem:s20+$0x5280]  }
0x12f: {  	v50 =	vor.u32 v4, v33;
	v49 =	vld [tilespmem:s20+$0x5000]  }
0x130: {  	v52 =	vor.u32 v5, v33;
	v51 =	vld [tilespmem:s20+$0x5080]  }
0x131: {  	v54 =	vor.u32 v6, v33;
	v53 =	vld [tilespmem:s20+$0x5100]  }
0x132: {  	v56 =	vor.u32 v7, v33;
	v55 =	vld [tilespmem:s20+$0x5180]  }
0x133: {  	v58 =	vor.u32 v8, v33;
	v57 =	vld [tilespmem:s20+$0x5200]  }
0x134: {  	[tilespmem:v44+s28+$0x0] =	vst.idx.msk $0xffff, v42;
	v42 =	vor.u32 v9, v33  }
0x135: {  	[tilespmem:v46+s28+$0x0] =	vst.idx.msk $0xffff, v41;
	v41 =	vor.u32 v10, v33  }
0x136: {  	[tilespmem:v48+s28+$0x0] =	vst.idx.msk $0xffff, v40;
	v40 =	vor.u32 v11, v33  }
0x137: {  	[tilespmem:v50+s28+$0x0] =	vst.idx.msk $0xffff, v39;
	v39 =	vor.u32 v12, v33  }
0x138: {  	[tilespmem:v52+s28+$0x0] =	vst.idx.msk $0xffff, v38;
	v38 =	vor.u32 v13, v33  }
0x139: {  	[tilespmem:v54+s28+$0x0] =	vst.idx.msk $0xffff, v43;
	v43 =	vor.u32 v14, v33  }
0x13a: {  	v44 =	vor.u32 v15, v33;
	[tilespmem:v56+s28+$0x0] =	vst.idx.msk $0xffff, v45  }
0x13b: {  	[tilespmem:v58+s28+$0x0] =	vst.idx.msk $0xffff, v35  }
0x13c: {  	[tilespmem:v42+s28+$0x0] =	vst.idx.msk $0xffff, v49  }
0x13d: {  	[tilespmem:v41+s28+$0x0] =	vst.idx.msk $0xffff, v51  }
0x13e: {  	v35 =	vor.u32 v16, v33;
	[tilespmem:v40+s28+$0x0] =	vst.idx.msk $0xffff, v53  }
0x13f: {  	[tilespmem:v39+s28+$0x0] =	vst.idx.msk $0xffff, v55  }
0x140: {  	[tilespmem:v38+s28+$0x0] =	vst.idx.msk $0xffff, v57  }
0x141: {  	[tilespmem:v43+s28+$0x0] =	vst.idx.msk $0xffff, v47  }
0x142: {  	[tilespmem:v44+s28+$0x0] =	vst.idx.msk $0xffff, v37  }
0x143: {  	[tilespmem:v35+s28+$0x0] =	vst.idx.msk $0xffff, v36  }
0x144: {  	v35 =	vld [tilespmem:s20+$0x7380]  }
0x145: {  	v39 =	vld [tilespmem:s20+$0x6280]  }
0x146: {  	v42 =	vld [tilespmem:s20+$0x6200]  }
0x147: {  	v36 =	vld [tilespmem:s20+$0x7100]  }
0x148: {  	v37 =	vld [tilespmem:s20+$0x7080]  }
0x149: {  	v40 =	vld [tilespmem:s20+$0x6380]  }
0x14a: {  	v44 =	vld [tilespmem:s20+$0x6300]  }
0x14b: {  	v46 =	vld [tilespmem:s20+$0x6180]  }
0x14c: {  	v47 =	vld [tilespmem:s20+$0x6100]  }
0x14d: {  	v49 =	vld [tilespmem:s20+$0x6080]  }
0x14e: {  	v53 =	vor.u32 v17, v33;
	v38 =	vld [tilespmem:s20+$0x7300]  }
0x14f: {  	v54 =	vor.u32 v18, v33;
	v56 =	vld [tilespmem:s20+$0x6000]  }
.Ltmp6:
0x150: {  	v55 =	vor.u32 v19, v33;
	v41 =	vld [tilespmem:s20+$0x7280];
	(pc) =	sbr.rel @p1 .LBB2_6-.Ltmp6, $4  }
0x151: {  	v51 =	vor.u32 v20, v33;
	v43 =	vld [tilespmem:s20+$0x7200]  }
0x152: {  	v50 =	vor.u32 v21, v33;
	v45 =	vld [tilespmem:s20+$0x7180]  }
0x153: {  	v52 =	vor.u32 v22, v33;
	v48 =	vld [tilespmem:s20+$0x7000]  }
0x154: {  	[tilespmem:v53+s28+$0x0] =	vst.idx.msk $0xffff, v56;
	v53 =	vor.u32 v23, v33  }
0x155: {  	_ =	sdelay $0x3  }
0x156: {  	[tilespmem:v54+s28+$0x0] =	vst.idx.msk $0xffff, v49  }
0x157: {  	[tilespmem:v55+s28+$0x0] =	vst.idx.msk $0xffff, v47  }
0x158: {  	v56 =	vor.u32 v25, v33;
	[tilespmem:v51+s28+$0x0] =	vst.idx.msk $0xffff, v46  }
0x159: {  	v57 =	vor.u32 v26, v33;
	[tilespmem:v50+s28+$0x0] =	vst.idx.msk $0xffff, v42  }
0x15a: {  	v58 =	vor.u32 v27, v33;
	[tilespmem:v52+s28+$0x0] =	vst.idx.msk $0xffff, v39  }
0x15b: {  	v59 =	vor.u32 v28, v33;
	[tilespmem:v53+s28+$0x0] =	vst.idx.msk $0xffff, v44  }
0x15c: {  	v60 =	vor.u32 v29, v33;
	[tilespmem:v34+s28+$0x0] =	vst.idx.msk $0xffff, v40  }
0x15d: {  	v61 =	vor.u32 v30, v33;
	[tilespmem:v56+s28+$0x0] =	vst.idx.msk $0xffff, v48  }
0x15e: {  	v62 =	vor.u32 v31, v33;
	[tilespmem:v57+s28+$0x0] =	vst.idx.msk $0xffff, v37  }
0x15f: {  	v63 =	vor.u32 v32, v33;
	[tilespmem:v58+s28+$0x0] =	vst.idx.msk $0xffff, v36  }
0x160: {  	[tilespmem:v59+s28+$0x0] =	vst.idx.msk $0xffff, v45  }
.Ltmp7:
0x161: {  	[tilespmem:v60+s28+$0x0] =	vst.idx.msk $0xffff, v43;
	(pc) =	sbr.rel .LBB2_8-.Ltmp7, $4  }
0x162: {  	[tilespmem:v61+s28+$0x0] =	vst.idx.msk $0xffff, v41  }
0x163: {  	s0 =	sshll.u32 s0, $0xB;
	[tilespmem:v62+s28+$0x0] =	vst.idx.msk $0xffff, v38  }
0x164: {  	s0 =	sadd.s32 s6, s0;
	[tilespmem:v63+s28+$0x0] =	vst.idx.msk $0xffff, v35  }
0x165: {  	[hbm4b:s0+s3] =	stream.linear.scatter [tilespmem:s28], [sflag:$0x4], $0x4000, $0x38;
	[tilespmem:$0x10000] =	vst v63  }
.LBB2_10:
0x166: {  	_ =	sfence.sel $0x180000  }
0x167: {  	[bflag:$0x0] =	sbarrier.arrive $0xFFFF  }
0x168: {  	_ =	strace $0x90000047  }
0x169: {  	s0 =	stileid.u32;
	[bflag:$0x2] =	sbarrier.arrive $0xFFFF  }
0x16a: {  	p0 =	sne.s32 s0, $0x0;
	s0 =	rddreg [dreg:$0x2]  }
0x16b: {  	s0 =	sadd.s32 @!p0 $0x100000, s0  }
0x16c: {  	[sflag:s0] =	ssyncadd.tile.s32 @!p0 $0x1;
	_ =	shalt  }
.Lfunc_end2:
_tile_overlayer_lowered:
.L_overlay_start_2:
0x16d: {  	(tag) =	ssettag $0x2  }
0x16e: {  	s0 =	rddreg [dreg:$0x0];
	s2 =	stileid.u32  }
0x16f: {  	s1 =	rddreg [dreg:$0x1];
	p0 =	sne.s32 s2, $0x0  }
0x170: {  	s3 =	rddreg [dreg:$0x2];
	[bflag:$0x3] =	sbarrier.arrive $0xFFFF;
	s2 =	simm.s32 @!p0 $0x1C05  }
0x171: {  	[timem:s3], [sflag:s2] =	dma.local @!p0 [hbm:s0], s1  }
0x172: {  	s0 =	simm.s32 @!p0 $0x5  }
0x173: {  	_ =	swait.ge @!p0 [sflag:s0], s1  }
0x174: {  	s1 =	ssub.s32 @!p0 $0x0, s1;
	[sflag:s0] =	ssyncset.done @!p0 $0x0  }
0x175: {  	[sflag:s0] =	ssyncadd.s32 @!p0 s1  }
0x176: {  	[bflag:$0x3] =	sbarrier.arrive $0xFFFF  }
0x177: {  	_ =	shalt  }

// kernel: kernel.8.cloned.1.call-start
scs
__scs_entry_jumppad:
0x0: {  	(pc) =	sbr.rel $0x88, $3  }
0x1: {  	(tag) =	ssettag $0x0;
	lr =	simm.s32 $0x1  }
0x2: {  	[smem:$0x3F9D] =	sst lr;
	_ =	strace $0xD0000000  }
0x3: {  	_ = 	snop  }
0x4: {  	_ = 	snop  }
0x5: {  	_ = 	snop  }
0x6: {  	_ = 	snop  }
0x7: {  	_ = 	snop  }
__scs_overlays_trampoline_lowered:
0x8: {  	[smem:$0x3FAC] =	sst s0  }
0x9: {  	[smem:$0x3FAD] =	sst s1  }
0xa: {  	[smem:$0x3FAE] =	sst s2  }
0xb: {  	[smem:$0x3FAF] =	sst s3  }
0xc: {  	[smem:$0x3FB0] =	sst s4  }
0xd: {  	[smem:$0x3FB1] =	sst s5  }
0xe: {  	[smem:$0x3FB2] =	sst s6  }
0xf: {  	[smem:$0x3FB3] =	sst s7  }
0x10: {  	[smem:$0x3FB4] =	sst s8  }
0x11: {  	[smem:$0x3FB5] =	sst s9;
	s0 =	simm.s32 @!p0 $0x0  }
0x12: {  	s1 =	sld [smem:$0x3F9B];
	s0 =	simm.s32 @p0 $0x1  }
0x13: {  	[smem:$0x3FB6] =	sst s0;
	s0 =	simm.s32 @!p1 $0x0  }
0x14: {  	s2 =	sld [smem:$0x3F9A];
	s0 =	simm.s32 @p1 $0x1  }
0x15: {  	[smem:$0x3FB7] =	sst s0;
	s0 =	simm.s32 @!p2 $0x0  }
0x16: {  	s3 =	sld [smem:$0x3FDB];
	s0 =	simm.s32 @p2 $0x1  }
0x17: {  	s4 =	simm.s32 $0x1BF5;
	[smem:$0x3FB9] =	sst s0  }
0x18: {  	s0 =	sld [smem:$0x3F9C];
	_ =	swait.ge [sflag:s4], $0x0  }
0x19: {  	s7 =	sld [smem:$0x3F9D]  }
0x1a: {  	s8 =	sadd.s32 $0xFFFFE003, lr  }
0x1b: {  	s9 =	sadd.s32 $0xFFFFFEF7, lr;
	s5 =	simm.s32 $0xFFFFFFFF;
	p2 =	slt.u32 s8, $0xFFFFF086  }
0x1c: {  	p1 =	slt.u32 s9, $0xF7A;
	s5 =	simm.s32 @!p2 $0x0  }
0x1d: {  	s5 =	simm.s32 @p1 $0x1;
	p0 =	seq.s32 s7, s2  }
0x1e: {  	s7 =	smul.u32 @!p0 $0xF7A, s2;
	p2 =	seq.s32 @!p0 s5, $0x0  }
0x1f: {  	s9 =	smul.u32 $0xF7A, s1;
	s8 =	simm.s32 @!p0 $0x1BF5;
	p2 =	por !p2, p0  }
0x20: {  	[sflag:s8] =	ssyncset.s32 @!p0 $0xFFFFF086;
	s6 =	sadd.s32 @!p0 s3, s7;
	s7 =	simm.s32 @!p0 $0x108  }
0x21: {  	s3 =	sadd.s32 s3, s9;
	s6 =	sadd.s32 @!p0 $0x88, s6;
	s7 =	simm.s32 @p2 $0x1082  }
0x22: {  	[simem:s7], [sflag:s8] =	dma.local @!p0 [hbm:s6], $0xF7A  }
0x23: {  	s9 =	sor.u32 $0xD0000000, s2;
	s6 =	simm.s32 $0x108;
	_ =	swait.ge @!p0 [sflag:s8], $0x0  }
0x24: {  	s3 =	sadd.s32 $0x88, s3;
	s6 =	simm.s32 @!p1 $0x1082;
	[sflag:s4] =	ssyncset.s32 $0xFFFFF086  }
0x25: {  	[simem:s6], [sflag:s4] =	dma.local [hbm:s3], $0xF7A  }
0x26: {  	[smem:$0x3F9D] =	sst s1;
	(tag) =	ssettag s2;
	_ =	strace s9  }
0x27: {  	s1 =	sld [smem:$0x3FAD]  }
0x28: {  	s2 =	sld [smem:$0x3FAE]  }
0x29: {  	s4 =	sld [smem:$0x3FB0]  }
0x2a: {  	p0 =	seq.s32 s5, $0x0;
	s5 =	sld [smem:$0x3FB1]  }
0x2b: {  	s6 =	sld [smem:$0x3FB2]  }
0x2c: {  	s7 =	sld [smem:$0x3FB3]  }
0x2d: {  	s3 =	simm.s32 $0x108;
	s8 =	sld [smem:$0x3FB4]  }
0x2e: {  	s3 =	simm.s32 @!p0 $0x1082;
	s9 =	sld [smem:$0x3FB5]  }
0x2f: {  	lr =	sadd.s32 s0, s3;
	s0 =	sld [smem:$0x3FAC]  }
0x30: {  	s3 =	sld [smem:$0x3FAF]  }
0x31: {  	[smem:$0x3FB8] =	sst s10  }
0x32: {  	s10 =	sld [smem:$0x3FB6];
	_ =	sdelay $0x3  }
0x33: {  	p0 =	seq.s32 s10, $0x1;
	s10 =	sld [smem:$0x3FB8];
	_ =	sdelay $0x3  }
0x34: {  	[smem:$0x3FB8] =	sst s10  }
0x35: {  	s10 =	sld [smem:$0x3FB7];
	_ =	sdelay $0x3  }
0x36: {  	p1 =	seq.s32 s10, $0x1;
	s10 =	sld [smem:$0x3FB8];
	_ =	sdelay $0x3  }
0x37: {  	[smem:$0x3FB8] =	sst s10  }
0x38: {  	s10 =	sld [smem:$0x3FB9]  }
0x39: {  	_ = 	snop;
	(pc) =	sbr.ind lr, $3  }
0x3a: {  	_ = 	snop  }
0x3b: {  	_ = 	snop  }
0x3c: {  	p2 =	seq.s32 s10, $0x1;
	s10 =	sld [smem:$0x3FB8]  }
0x3d: {  	_ =	shalt  }
0x3e: {  	_ =	shalt  }
0x3f: {  	_ =	shalt  }
0x40: {  	_ =	shalt  }
0x41: {  	_ =	shalt  }
0x42: {  	_ =	shalt  }
0x43: {  	_ =	shalt  }
0x44: {  	_ =	shalt  }
0x45: {  	_ =	shalt  }
0x46: {  	_ =	shalt  }
0x47: {  	_ =	shalt  }
0x48: {  	_ =	shalt  }
0x49: {  	_ =	shalt  }
0x4a: {  	_ =	shalt  }
0x4b: {  	_ =	shalt  }
0x4c: {  	_ =	shalt  }
0x4d: {  	_ =	shalt  }
0x4e: {  	_ =	shalt  }
0x4f: {  	_ =	shalt  }
0x50: {  	_ =	shalt  }
0x51: {  	_ =	shalt  }
0x52: {  	_ =	shalt  }
0x53: {  	_ =	shalt  }
0x54: {  	_ =	shalt  }
0x55: {  	_ =	shalt  }
0x56: {  	_ =	shalt  }
0x57: {  	_ =	shalt  }
0x58: {  	_ =	shalt  }
0x59: {  	_ =	shalt  }
0x5a: {  	_ =	shalt  }
0x5b: {  	_ =	shalt  }
0x5c: {  	_ =	shalt  }
0x5d: {  	_ =	shalt  }
0x5e: {  	_ =	shalt  }
0x5f: {  	_ =	shalt  }
0x60: {  	_ =	shalt  }
0x61: {  	_ =	shalt  }
0x62: {  	_ =	shalt  }
0x63: {  	_ =	shalt  }
0x64: {  	_ =	shalt  }
0x65: {  	_ =	shalt  }
0x66: {  	_ =	shalt  }
0x67: {  	_ =	shalt  }
0x68: {  	_ =	shalt  }
0x69: {  	_ =	shalt  }
0x6a: {  	_ =	shalt  }
0x6b: {  	_ =	shalt  }
0x6c: {  	_ =	shalt  }
0x6d: {  	_ =	shalt  }
0x6e: {  	_ =	shalt  }
0x6f: {  	_ =	shalt  }
0x70: {  	_ =	shalt  }
0x71: {  	_ =	shalt  }
0x72: {  	_ =	shalt  }
0x73: {  	_ =	shalt  }
0x74: {  	_ =	shalt  }
0x75: {  	_ =	shalt  }
0x76: {  	_ =	shalt  }
0x77: {  	_ =	shalt  }
0x78: {  	_ =	shalt  }
0x79: {  	_ =	shalt  }
0x7a: {  	_ =	shalt  }
0x7b: {  	_ =	shalt  }
0x7c: {  	_ =	shalt  }
0x7d: {  	_ =	shalt  }
0x7e: {  	_ =	shalt  }
0x7f: {  	_ =	shalt  }
0x80: {  	_ =	shalt  }
0x81: {  	_ =	shalt  }
0x82: {  	_ =	shalt  }
0x83: {  	_ =	shalt  }
0x84: {  	_ =	shalt  }
0x85: {  	_ =	shalt  }
0x86: {  	_ =	shalt  }
0x87: {  	_ =	shalt  }
.Lfunc_end0:
.L_simem_size_0:
called_computation.1_lowered:
.L_overlay_start_0:
0x88: {  	s2 =	sld [smem:$0x3FD9]  }
0x89: {  	s3 =	sld [smem:$0x3FFE];
	_ =	sdelay $0x1  }
0x8a: {  	s1 =	srdreg.scid  }
0x8b: {  	s0 =	sand.u32 $0x1, s1  }
0x8c: {  	s17 =	sshll.u32 s0, $0xA;
	s2 =	sadd.s32 s3, s2  }
0x8d: {  	s2 =	sadd.s32 s2, s17  }
0x8e: {  	[smem:$0x3FC4] =	sst s2  }
0x8f: {  	_ = 	snop  }
0x90: {  	s2 =	sld [smem:$0x3FD0];
	(tm) =	ssettm $0x1  }
0x91: {  	s18 =	sld [smem:$0x3FFB];
	_ =	sdelay $0x3  }
0x92: {  	_ =	strace s18  }
0x93: {  	s3 =	sld [smem:$0x3FFC];
	_ =	sdelay $0x3  }
0x94: {  	_ =	strace s3  }
0x95: {  	s3 =	sld [smem:$0x3FFD];
	_ =	sdelay $0x3  }
0x96: {  	_ =	strace s3  }
0x97: {  	_ =	strace $0x8FFFFFFF  }
0x98: {  	s19 =	sld [smem:$0x3FDB];
	_ =	sdelay $0x1  }
0x99: {  	s4 =	simm.s32 $_scs_section_size  }
0x9a: {  	s5 =	simm.s32 $_size__tile_overlayer_lowered;
	s6 =	simm.s32 $_tile_overlayer_lowered  }
0x9b: {  	s22 =	simm.s32 $0x1BFF;
	s21 =	sshll.u32 s6, $0x1;
	s3 =	sadd.s32 s4, s19  }
0x9c: {  	s7 =	simm.s32 $0x0;
	s20 =	sshll.u32 s5, $0x1;
	s5 =	sadd.s32 s21, s3  }
0x9d: {  	[timem:s7], [sflag:s22] =	dma.local [hbm:s5], s20  }
0x9e: {  	_ =	swait.ge [sflag:s22], s20  }
0x9f: {  	s4 =	ssub.s32 $0x0, s20;
	[sflag:s22] =	ssyncset.done $0x0  }
0xa0: {  	[sflag:s22] =	ssyncadd.s32 s4;
	_ =	sdelay $0x1  }
0xa1: {  	s23 =	simm.s32 $0x1B8B  }
0xa2: {  	_ =	swait.ge [sflag:s23], $0x1  }
0xa3: {  	[sflag:s23] =	ssyncset.done $0x0  }
0xa4: {  	s25 =	simm.s32 $0x1B8E;
	s24 =	sld [smem:$0x3FFE];
	[sflag:s23] =	ssyncadd.s32 $0xFFFFFFFF  }
0xa5: {  	s26 =	simm.s32 $execute0_lowered;
	[smem:$0x3FD2] =	sst s25  }
0xa6: {  	s5 =	sshll.u32 s26, $0x1;
	_ =	strace $0x80000049;
	[dreg:$0x1] =	wrdreg $0xFFFFFFFF  }
0xa7: {  	s28 =	simm.s32 $_size_execute0_lowered;
	s3 =	sadd.s32 s3, s5;
	[dreg:$0x0] =	wrdreg $0x0  }
0xa8: {  	s5 =	sshll.u32 s28, $0x1;
	[dreg:$0x2] =	wrdreg s3  }
0xa9: {  	[dreg:$0x3] =	wrdreg s5  }
0xaa: {  	[dreg:$0x4] =	wrdreg $0xC0  }
0xab: {  	_ =	task [dreg:s7], $0x5FFFF  }
0xac: {  	[dreg:$0x1] =	wrdreg $0xFFFFFFFF  }
0xad: {  	[dreg:$0x0] =	wrdreg $0x60  }
0xae: {  	[dreg:$0x2] =	wrdreg s24  }
0xaf: {  	[dreg:$0x3] =	wrdreg s2  }
0xb0: {  	[dreg:$0x4] =	wrdreg $0x9  }
0xb1: {  	_ =	task.clear_ibuf [dreg:s7], $0x5FFFF;
	_ =	strace $0x90000049  }
0xb2: {  	s29 =	simm.s32 $0x9;
	_ =	strace $0x8000004B  }
0xb3: {  	_ =	swait.ge [sflag:s29], $0x1  }
0xb4: {  	[sflag:s29] =	ssyncadd.s32 $0xFFFFFFFF  }
0xb5: {  	_ =	strace $0x9000004B  }
0xb6: {  	_ =	sfence  }
0xb7: {  	s30 =	sld [smem:$0x0];
	_ =	sdelay $0x2  }
0xb8: {  	s31 =	sshll.u32 s1, $0xD;
	s1 =	sshrl.u32 s1, $0x2  }
0xb9: {  	s3 =	sand.u32 $0x4000, s31;
	s1 =	sadd.s32 s1, s30  }
0xba: {  	s0 =	sor.u32 s3, s0;
	s1 =	sshll.u32 s1, $0x11  }
0xbb: {  	s0 =	sor.u32 s1, s0  }
0xbc: {  	s0 =	sadd.s32 $0x8F2B, s0  }
0xbd: {  	[sflag:s0] =	ssyncadd.remote.s32 $0x1  }
0xbe: {  	_ =	sfence.sel $0xFFFF  }
0xbf: {  	[dreg:$0x0] =	wrdreg $0xFFFFFFFF;
	(pc) =	sbr.abs _section_cstart, $3  }
0xc0: {  	[dreg:$0x1] =	wrdreg $0xFFFFFFFF  }
0xc1: {  	_ =	task.clear_ibuf [dreg:s7], $0x2FFFF;
	_ =	strace $0x9FFFFFFF  }
0xc2: {  	(tm) =	ssettm $0x7FFFFFFF  }
0xc3: {  	_ =	shalt  }
tec
execute0_lowered:
.L_overlay_start_1:
0x0: {  	(tag) =	ssettag $0x1  }
0x1: {  	s1 =	srdreg.scid  }
0x2: {  	s3 =	rddreg [dreg:$0x0];
	s0 =	stileid.u32  }
0x3: {  	s5 =	rddreg [dreg:$0x1];
	s2 =	simm.s32 $0x0;
	s9 =	simm.s32 $0x6800  }
0x4: {  	s10 =	simm.s32 $0x68;
	s11 =	simm.s32 $0x7480;
	s12 =	simm.s32 $0xD0  }
0x5: {  	s13 =	simm.s32 $0x8100;
	s14 =	simm.s32 $0x138;
	s15 =	simm.s32 $0x8D80  }
0x6: {  	s16 =	simm.s32 $0x1;
	s17 =	simm.s32 $0x2;
	s18 =	simm.s32 $0x9A00  }
0x7: {  	s19 =	simm.s32 $0x0;
	s4 =	sand.u32 $0x1, s1;
	s1 =	rddreg [dreg:$0x2]  }
0x8: {  	s6 =	sshll.u32 s0, $0x8;
	[smem:$0x7FF] =	sst s2;
	s7 =	sshll.u32 s4, $0x7  }
.Ltmp0:
0x9: {  	s4 =	ssub.s32 $0x2, s4;
	s6 =	sor.u32 s7, s6;
	(pc) =	sbr.rel .LBB2_1-.Ltmp0, $4  }
0xa: {  	s8 =	sshrl.u32 s4, $0x1;
	s7 =	smul.u32 $0x1A, s6;
	s6 =	sshll.u32 s6, $0x2  }
0xb: {  	_ =	strace $0x8000004A;
	s8 =	ssub.s32 s4, s8;
	s5 =	sadd.s32 s5, s6  }
0xc: {  	s6 =	smax.u32 s8, $0x1;
	s8 =	simm.s32 $0x64;
	s7 =	sadd.s32 s7, s3  }
0xd: {  	s3 =	sadd.s32 $0xE00, s3;
	s4 =	sadd.s32 $0x3D1800, s7;
	s7 =	simm.s32 $0x3  }
.LBB2_8:
0xe: {  	s19 =	sadd.s32 $0x1, s19  }
0xf: {  	p0 =	sne.s32 s19, s6  }
.Ltmp1:
0x10: {  	_ = 	snop;
	(pc) =	sbr.rel @!p0 .LBB2_9-.Ltmp1, $4  }
0x11: {  	[hbm4b:s5+s2] =	stream.linear.scatter [tilespmem:s18], [sflag:$0x3], $0x1000, $0x38;
	[tilespmem:$0xAA00] =	vst v63  }
0x12: {  	_ =	swait.ge [sflag:s7], $0x1000  }
0x13: {  	[sflag:s7] =	ssyncset.done $0x0  }
0x14: {  	[sflag:s7] =	ssyncadd.s32 $0xFFFFF000  }
.LBB2_1:
0x15: {  	[tilespmem:s2], [sflag:$0x3] =	stream.linear.gather [hbm4b:s4+s2], $0x6800, $0x38;
	[tilespmem:$0xAA00] =	vst v63  }
0x16: {  	_ =	swait.ge [sflag:s7], $0x6800  }
0x17: {  	[sflag:s7] =	ssyncset.done $0x0  }
0x18: {  	[sflag:s7] =	ssyncadd.s32 $0xFFFF9800  }
0x19: {  	[tilespmem:s9], [sflag:$0x1] =	stream.indirect.gather [hbm4b:s3+s8], $0x20, s2, s8, $0xb8;
	[tilespmem:$0xAA00] =	vst v63  }
0x1a: {  	_ = 	snop  }
0x1b: {  	[tilespmem:s11], [sflag:$0x1] =	stream.indirect.gather [hbm4b:s3+s8], $0x20, s10, s8, $0xb8;
	[tilespmem:$0xAA00] =	vst v63  }
0x1c: {  	_ = 	snop  }
0x1d: {  	[tilespmem:s13], [sflag:$0x2] =	stream.indirect.gather [hbm4b:s3+s8], $0x20, s12, s8, $0xb8;
	[tilespmem:$0xAA00] =	vst v63  }
0x1e: {  	s20 =	simm.s32 $0x0  }
0x1f: {  	[tilespmem:s15], [sflag:$0x2] =	stream.indirect.gather [hbm4b:s3+s8], $0x20, s14, s8, $0xb8;
	[tilespmem:$0xAA00] =	vst v63  }
.LBB2_2:
0x20: {  	_ =	swait.ge [sflag:s16], $0xC80  }
0x21: {  	[sflag:s16] =	ssyncset.done $0x0  }
0x22: {  	[sflag:s16] =	ssyncadd.s32 $0xFFFFF380  }
0x23: {  	_ =	swait.ge [sflag:s16], $0xC80  }
0x24: {  	[sflag:s16] =	ssyncset.done $0x0  }
0x25: {  	s21 =	simm.s32 $0x20;
	[sflag:s16] =	ssyncadd.s32 $0xFFFFF380  }
0x26: {  	v1 =	vld [tilespmem:s21+$0x7460]  }
0x27: {  	v0 =	vld [tilespmem:s21+$0x7470]  }
0x28: {  	v2 =	vld [tilespmem:s21+$0x67E0]  }
0x29: {  	v4 =	vimm.f32 $0.0e+00;
	v3 =	vld [tilespmem:s21+$0x67F0]  }
0x2a: {  	s22 =	simm.s32 $0x180;
	v6 =	vimm.f32 $0.0e+00;
	v8 =	vimm.f32 $0.0e+00;
	v7 =	vimm.f32 $0.0e+00;
	v5 =	vld [tilespmem:s21+$0x6800]  }
.LBB2_3:
0x2b: {  	p0 =	sne.s32 s22, $0x3180;
	v9 =	vld [tilespmem:s21+$0x6810];
	v10 =	vmov v1  }
0x2c: {  	v11 =	vld [tilespmem:s21+$0x7480];
	v12 =	vmov v0  }
0x2d: {  	v13 =	vld [tilespmem:s21+$0x7490];
	s21 =	sshra.s32 s22, $0x2  }
.Ltmp2:
0x2e: {  	v1 =	vld [tilespmem:s21+$0x7460];
	(pc) =	sbr.rel @p0 .LBB2_3-.Ltmp2, $4  }
0x2f: {  	v4 =	vadd.f32 v2, v4;
	v6 =	vadd.f32 v3, v6;
	v0 =	vld [tilespmem:s21+$0x7470]  }
0x30: {  	v8 =	vadd.f32 v5, v8;
	v2 =	vld [tilespmem:s21+$0x67E0];
	v7 =	vadd.f32 v9, v7  }
0x31: {  	v4 =	vadd.f32 v10, v4;
	v6 =	vadd.f32 v12, v6;
	v3 =	vld [tilespmem:s21+$0x67F0]  }
0x32: {  	s22 =	sadd.s32 $0x100, s22;
	v8 =	vadd.f32 v11, v8;
	v5 =	vld [tilespmem:s21+$0x6800];
	v7 =	vadd.f32 v13, v7  }
0x33: {  	v9 =	vld [tilespmem:s21+$0x6810]  }
0x34: {  	v10 =	vld [tilespmem:s21+$0x7480]  }
0x35: {  	v11 =	vld [tilespmem:s21+$0x7490];
	_ =	sdelay $0x1  }
0x36: {  	v2 =	vadd.f32 v2, v4;
	v4 =	vadd.f32 v5, v8  }
0x37: {  	v3 =	vadd.f32 v3, v6;
	v5 =	vadd.f32 v9, v7  }
0x38: {  	v1 =	vadd.f32 v1, v2;
	v2 =	vadd.f32 v10, v4  }
0x39: {  	p0 =	seq.s32 s20, $0x3F;
	v0 =	vadd.f32 v0, v3;
	v3 =	vadd.f32 v11, v5  }
0x3a: {  	s31 =	sshll.u32 s20, $0x6;
	s22 =	smul.u32 @!p0 $0x680, s20;
	v1 =	vadd.f32 v2, v1  }
0x3b: {  	s21 =	sand.u32 $0x3FFFFFC0, s31;
	v0 =	vadd.f32 v3, v0  }
0x3c: {  	s22 =	sshra.s32 @!p0 s22, $0x2;
	[tilespmem:s21+$0x9A00] =	vst v1  }
0x3d: {  	s24 =	simm.s32 @!p0 $0x64;
	s25 =	simm.s32 @!p0 $0x6800;
	s23 =	sadd.s32 @!p0 $0x1A0, s22;
	[tilespmem:s21+$0x9A10] =	vst v0  }
0x3e: {  	[tilespmem:s25], [sflag:$0x1] =	stream.indirect.gather @!p0 [hbm4b:s3+s24], $0x20, s23, s24, $0xb8;
	[tilespmem:$0xAA00] =	vst v63  }
0x3f: {  	s22 =	sadd.s32 @!p0 $0x208, s22;
	s23 =	simm.s32 @!p0 $0x7480  }
0x40: {  	[tilespmem:s23], [sflag:$0x1] =	stream.indirect.gather @!p0 [hbm4b:s3+s24], $0x20, s22, s24, $0xb8;
	[tilespmem:$0xAA00] =	vst v63  }
0x41: {  	_ =	swait.ge [sflag:s17], $0xC80  }
0x42: {  	[sflag:s17] =	ssyncset.done $0x0  }
0x43: {  	[sflag:s17] =	ssyncadd.s32 $0xFFFFF380  }
0x44: {  	_ =	swait.ge [sflag:s17], $0xC80  }
0x45: {  	[sflag:s17] =	ssyncset.done $0x0  }
0x46: {  	s22 =	simm.s32 $0xFFFFF380;
	[sflag:s17] =	ssyncadd.s32 $0xFFFFF380  }
0x47: {  	v1 =	vld [tilespmem:s22+$0x9A00]  }
0x48: {  	v0 =	vld [tilespmem:s22+$0x9A10]  }
0x49: {  	v2 =	vld [tilespmem:s22+$0x8D80]  }
0x4a: {  	v6 =	vimm.f32 $0.0e+00;
	v3 =	vld [tilespmem:s22+$0x8D90]  }
0x4b: {  	v8 =	vimm.f32 $0.0e+00;
	v7 =	vimm.f32 $0.0e+00;
	v4 =	vimm.f32 $0.0e+00;
	s23 =	simm.s32 $0xFFFFCF00;
	v5 =	vld [tilespmem:s22+$0x8DA0]  }
.LBB2_5:
0x4c: {  	p1 =	sne.s32 s23, $0xFFFFFF00;
	v9 =	vld [tilespmem:s22+$0x8DB0];
	v10 =	vmov v1  }
0x4d: {  	v11 =	vld [tilespmem:s22+$0x9A20];
	v12 =	vmov v0  }
0x4e: {  	v13 =	vld [tilespmem:s22+$0x9A30];
	s22 =	sshra.s32 s23, $0x2  }
.Ltmp3:
0x4f: {  	v1 =	vld [tilespmem:s22+$0x9A00];
	(pc) =	sbr.rel @p1 .LBB2_5-.Ltmp3, $4  }
0x50: {  	v4 =	vadd.f32 v2, v4;
	v6 =	vadd.f32 v3, v6;
	v0 =	vld [tilespmem:s22+$0x9A10]  }
0x51: {  	v8 =	vadd.f32 v5, v8;
	v2 =	vld [tilespmem:s22+$0x8D80];
	v7 =	vadd.f32 v9, v7  }
0x52: {  	v4 =	vadd.f32 v10, v4;
	v6 =	vadd.f32 v12, v6;
	v3 =	vld [tilespmem:s22+$0x8D90]  }
0x53: {  	s23 =	sadd.s32 $0x100, s23;
	v8 =	vadd.f32 v11, v8;
	v5 =	vld [tilespmem:s22+$0x8DA0];
	v7 =	vadd.f32 v13, v7  }
0x54: {  	v9 =	vld [tilespmem:s22+$0x8DB0]  }
0x55: {  	v10 =	vld [tilespmem:s22+$0x9A20]  }
0x56: {  	v11 =	vld [tilespmem:s22+$0x9A30];
	_ =	sdelay $0x1  }
0x57: {  	v2 =	vadd.f32 v2, v4;
	v60 =	vadd.f32 v5, v8  }
0x58: {  	v3 =	vadd.f32 v3, v6;
	v61 =	vadd.f32 v9, v7  }
0x59: {  	v1 =	vadd.f32 v1, v2;
	v62 =	vadd.f32 v10, v60  }
.Ltmp4:
0x5a: {  	v0 =	vadd.f32 v0, v3;
	v63 =	vadd.f32 v11, v61;
	(pc) =	sbr.rel @p0 .LBB2_8-.Ltmp4, $4  }
0x5b: {  	v1 =	vadd.f32 v62, v1  }
0x5c: {  	v0 =	vadd.f32 v63, v0  }
0x5d: {  	[tilespmem:s21+$0x9A20] =	vst v1  }
0x5e: {  	[tilespmem:s21+$0x9A30] =	vst v0  }
0x5f: {  	s21 =	smul.u32 $0x680, s20;
	_ =	sdelay $0x1  }
.Ltmp5:
0x60: {  	s21 =	sshra.s32 s21, $0x2;
	(pc) =	sbr.rel .LBB2_2-.Ltmp5, $4  }
0x61: {  	s22 =	sadd.s32 $0x270, s21  }
0x62: {  	[tilespmem:s13], [sflag:$0x2] =	stream.indirect.gather [hbm4b:s3+s8], $0x20, s22, s8, $0xb8;
	[tilespmem:$0xAA00] =	vst v63  }
0x63: {  	s20 =	sadd.s32 $0x1, s20;
	s21 =	sadd.s32 $0x2D8, s21  }
0x64: {  	[tilespmem:s15], [sflag:$0x2] =	stream.indirect.gather [hbm4b:s3+s8], $0x20, s21, s8, $0xb8;
	[tilespmem:$0xAA00] =	vst v63  }
.LBB2_9:
0x65: {  	_ =	sfence.sel $0x180000  }
0x66: {  	[bflag:$0x0] =	sbarrier.arrive $0xFFFF  }
0x67: {  	p0 =	sne.s32 s0, $0x0;
	_ =	strace $0x9000004A  }
0x68: {  	s0 =	sadd.s32 @!p0 $0x100000, s1;
	[bflag:$0x2] =	sbarrier.arrive $0xFFFF  }
0x69: {  	[sflag:s0] =	ssyncadd.tile.s32 @!p0 $0x1;
	_ =	shalt  }
.Lfunc_end2:
_tile_overlayer_lowered:
.L_overlay_start_2:
0x6a: {  	(tag) =	ssettag $0x2  }
0x6b: {  	s0 =	rddreg [dreg:$0x0];
	s2 =	stileid.u32  }
0x6c: {  	s1 =	rddreg [dreg:$0x1];
	p0 =	sne.s32 s2, $0x0  }
0x6d: {  	s3 =	rddreg [dreg:$0x2];
	[bflag:$0x3] =	sbarrier.arrive $0xFFFF;
	s2 =	simm.s32 @!p0 $0x1C03  }
0x6e: {  	[timem:s3], [sflag:s2] =	dma.local @!p0 [hbm:s0], s1  }
0x6f: {  	s0 =	simm.s32 @!p0 $0x3  }
0x70: {  	_ =	swait.ge @!p0 [sflag:s0], s1  }
0x71: {  	s1 =	ssub.s32 @!p0 $0x0, s1;
	[sflag:s0] =	ssyncset.done @!p0 $0x0  }
0x72: {  	[sflag:s0] =	ssyncadd.s32 @!p0 s1  }
0x73: {  	[bflag:$0x3] =	sbarrier.arrive $0xFFFF  }
0x74: {  	_ =	shalt  }

</sc_bundles>
